<compile_context>
chip_gen: v7x
topology: tpu7x:2x2x1
jax: 0.10.2.dev20260603
libtpu: 0.0.44.dev20260713+nightly
codegen_flags: <defaults>
</compile_context>

<pallas_src>
import functools

import jax
import jax.numpy as jnp
from jax import lax
from jax.experimental import pallas as pl
from jax.experimental.pallas import tpu as pltpu
from jax.experimental.pallas import tpu_sc as plsc

N_NODES = 10000
D = 256
H = 256
DHALF = D // 2
E = 160000
LANES = 128
SUB = 1280
E_PAD = SUB * LANES
N_TILES = 16
SUB_PER_TILE = SUB // N_TILES
IDX_CHUNK = 40
NCHUNK = SUB_PER_TILE // IDX_CHUNK
NBUF = 2
NBATCH = IDX_CHUNK // NBUF
ACC_ROWS = 10240
ZERO_PER_TILE = ACC_ROWS // N_TILES
DUMP_PER_TILE = ACC_ROWS // N_TILES
HALF_ROWS = ACC_ROWS // 2
CNT_TRASH = HALF_ROWS

_MESH = plsc.VectorSubcoreMesh(core_axis_name="c", subcore_axis_name="s")


@functools.partial(
    pl.kernel,
    mesh=_MESH,
    out_type=[
        jax.ShapeDtypeStruct((2, 2, ACC_ROWS, DHALF), jnp.float32),
        jax.ShapeDtypeStruct((2, ACC_ROWS, DHALF), jnp.float32),
    ],
    scratch_types=[
        pltpu.VMEM((IDX_CHUNK, LANES), jnp.int32),
        pltpu.VMEM((IDX_CHUNK, LANES), jnp.int32),
    ] + [pltpu.VMEM((LANES, DHALF), jnp.float32) for _ in range(NBUF)]
      + [pltpu.VMEM_SHARED((ACC_ROWS, DHALF), jnp.float32)]
      + [pltpu.SemaphoreType.DMA for _ in range(2 * NBUF)],
)
def _sc_segsum(xs_hbm, sidx_hbm, didx_hbm, cidx_hbm, zrow_hbm, ones_hbm,
               sum_out, cnt_out,
               sidx_t, didx_t, *rest):
    rows = list(rest[:NBUF])
    acc_sh = rest[NBUF]
    gsem = list(rest[NBUF + 1:NBUF + 1 + NBUF])
    ssem = list(rest[NBUF + 1 + NBUF:])
    c = lax.axis_index("c")
    s = lax.axis_index("s")

    def zero_acc():
        pltpu.sync_copy(zrow_hbm, rows[0])
        for k in range(ZERO_PER_TILE // LANES):
            pltpu.sync_copy(
                rows[0],
                acc_sh.at[pl.ds(s * ZERO_PER_TILE + k * LANES, LANES)])

    for et in range(2):
        xse = xs_hbm.at[et]

        def gather(j, b):
            pltpu.async_copy(xse.at[sidx_t.at[j]], rows[b], gsem[b])

        def gwait(b):
            pltpu.make_async_copy(xse.at[sidx_t.at[0]], rows[b],
                                  gsem[b]).wait()

        def scat(j, b):
            pltpu.async_copy(rows[b], acc_sh.at[didx_t.at[j]], ssem[b],
                             add=True)

        def swait(b):
            pltpu.make_async_copy(rows[b], acc_sh.at[didx_t.at[0]],
                                  ssem[b]).wait()

        zero_acc()
        plsc.subcore_barrier()

        for chunk in range(NCHUNK):
            base_sub = s * SUB_PER_TILE + chunk * IDX_CHUNK
            pltpu.sync_copy(sidx_hbm.at[et, c, pl.ds(base_sub, IDX_CHUNK)],
                            sidx_t)
            pltpu.sync_copy(didx_hbm.at[et, pl.ds(base_sub, IDX_CHUNK)],
                            didx_t)

            for b in range(NBUF):
                gather(b, b)

            def body(i, carry):
                base = i * NBUF
                for b in range(NBUF):
                    gwait(b)
                    scat(base + b, b)
                for b in range(NBUF):
                    @pl.when(i < NBATCH - 1)
                    def _():
                        swait(b)
                        gather(base + NBUF + b, b)
                return carry

            lax.fori_loop(0, NBATCH, body, 0)
            for b in range(NBUF):
                swait(b)

        plsc.subcore_barrier()
        pltpu.sync_copy(
            acc_sh.at[pl.ds(s * DUMP_PER_TILE, DUMP_PER_TILE)],
            sum_out.at[et, c, pl.ds(s * DUMP_PER_TILE, DUMP_PER_TILE)])
        plsc.subcore_barrier()

        zero_acc()
        base_sub = s * SUB_PER_TILE
        pltpu.sync_copy(cidx_hbm.at[et, c, pl.ds(base_sub, IDX_CHUNK)],
                        didx_t)
        pltpu.sync_copy(
            cidx_hbm.at[et, c, pl.ds(base_sub + IDX_CHUNK, IDX_CHUNK)],
            sidx_t)
        plsc.subcore_barrier()
        pltpu.sync_copy(ones_hbm, rows[0])

        def cbody(it, carry):
            pltpu.async_copy(rows[0], acc_sh.at[didx_t.at[it]], ssem[0],
                             add=True)
            pltpu.async_copy(rows[0], acc_sh.at[sidx_t.at[it]], ssem[0],
                             add=True)
            return carry

        lax.fori_loop(0, IDX_CHUNK, cbody, 0)

        def cdrain(it, carry):
            pltpu.make_async_copy(rows[0], acc_sh.at[didx_t.at[0]],
                                  ssem[0]).wait()
            pltpu.make_async_copy(rows[0], acc_sh.at[sidx_t.at[0]],
                                  ssem[0]).wait()
            return carry

        lax.fori_loop(0, IDX_CHUNK, cdrain, 0)
        plsc.subcore_barrier()

        @pl.when(s < N_TILES // 2)
        def _():
            pltpu.sync_copy(
                acc_sh.at[pl.ds(s * DUMP_PER_TILE, DUMP_PER_TILE)],
                cnt_out.at[et, pl.ds(c * HALF_ROWS + s * DUMP_PER_TILE,
                                     DUMP_PER_TILE)])
        plsc.subcore_barrier()


def _prep_idx(ei):
    src = ei[0].astype(jnp.int32)
    dst = ei[1].astype(jnp.int32)
    pad = E_PAD - E
    src = jnp.concatenate([src, jnp.zeros((pad,), jnp.int32)])
    dst = jnp.concatenate([dst, jnp.full((pad,), N_NODES, jnp.int32)])
    sidx = jnp.stack([src, src + N_NODES]).reshape(2, SUB, LANES)
    didx = dst.reshape(SUB, LANES)
    d0 = jnp.where(dst < HALF_ROWS, dst, CNT_TRASH)
    d1 = jnp.where(dst >= HALF_ROWS, dst - HALF_ROWS, CNT_TRASH)
    cidx = jnp.stack([d0, d1]).reshape(2, SUB, LANES)
    return sidx, didx, cidx


def _seg_sum2(x_a, ei_a, x_b, ei_b):
    sidx_a, didx_a, cidx_a = _prep_idx(ei_a)
    sidx_b, didx_b, cidx_b = _prep_idx(ei_b)
    xs = jnp.stack([
        jnp.concatenate([x_a[:, :DHALF], x_a[:, DHALF:]], axis=0),
        jnp.concatenate([x_b[:, :DHALF], x_b[:, DHALF:]], axis=0),
    ])
    zrow = jnp.zeros((LANES, DHALF), jnp.float32)
    ones = jnp.ones((LANES, DHALF), jnp.float32)
    summed2, cnt = _sc_segsum(
        xs,
        jnp.stack([sidx_a, sidx_b]),
        jnp.stack([didx_a, didx_b]),
        jnp.stack([cidx_a, cidx_b]),
        zrow, ones)

    def halves(et):
        return jnp.concatenate(
            [summed2[et, 0, :N_NODES], summed2[et, 1, :N_NODES]], axis=1)

    return (halves(0), cnt[0, :N_NODES, :16],
            halves(1), cnt[1, :N_NODES, :16])


def _tc_body(sum_ref, cnt_ref, xd_ref, wl_ref, wr_ref, bl_ref, out_ref):
    cnt = cnt_ref[:, 0:1]
    mean = sum_ref[...] * (1.0 / jnp.maximum(cnt, 1.0))
    out_ref[...] = (
        lax.dot_general(mean, wl_ref[...], (((1,), (1,)), ((), ())),
                        preferred_element_type=jnp.float32)
        + lax.dot_general(xd_ref[...], wr_ref[...], (((1,), (1,)), ((), ())),
                          preferred_element_type=jnp.float32)
        + bl_ref[...]
    )


def _linear(summed, cnt16, x_dst, Wl, bl, Wr):
    BLK = 1000
    return pl.pallas_call(
        _tc_body,
        grid=(N_NODES // BLK,),
        in_specs=[
            pl.BlockSpec((BLK, D), lambda i: (i, 0)),
            pl.BlockSpec((BLK, 16), lambda i: (i, 0)),
            pl.BlockSpec((BLK, D), lambda i: (i, 0)),
            pl.BlockSpec((H, D), lambda i: (0, 0)),
            pl.BlockSpec((H, D), lambda i: (0, 0)),
            pl.BlockSpec((1, H), lambda i: (0, 0)),
        ],
        out_specs=pl.BlockSpec((BLK, H), lambda i: (i, 0)),
        out_shape=jax.ShapeDtypeStruct((N_NODES, H), jnp.float32),
    )(summed, cnt16, x_dst, Wl, Wr, bl.reshape(1, H))


def kernel(x_user, x_item, ei_u2i, ei_i2u,
           Wl_u2i, bl_u2i, Wr_u2i, Wl_i2u, bl_i2u, Wr_i2u):
    sum_u2i, cnt_u2i, sum_i2u, cnt_i2u = _seg_sum2(
        x_user, ei_u2i, x_item, ei_i2u)
    out_item = _linear(sum_u2i, cnt_u2i, x_item, Wl_u2i, bl_u2i, Wr_u2i)
    out_user = _linear(sum_i2u, cnt_i2u, x_user, Wl_i2u, bl_i2u, Wr_i2u)
    return (out_user, out_item)

# --- scband reference (transcript-rebuilt; emitter-appended) ---
"""Pipeline reference for scband-heteroconv-50861002719420 (READ-ONLY COPY).

The authoritative reference and input builder live on the scoring server;
editing this copy changes nothing except your own understanding.
"""

import jax, jax.numpy as jnp
import numpy as np

N_USER = 10000
N_ITEM = 10000
E = 160000
D = 256
H = 256


def setup_inputs(seed: int = 0) -> dict:
    key = jax.random.key(seed)
    ks = jax.random.split(key, 12)
    x_user = jax.random.normal(ks[0], (N_USER, D), dtype=jnp.float32)
    x_item = jax.random.normal(ks[1], (N_ITEM, D), dtype=jnp.float32)
    ei_u2i = jax.random.randint(ks[2], (2, E), 0, N_USER, dtype=jnp.int64) if jax.config.jax_enable_x64 else jax.random.randint(ks[2], (2, E), 0, N_USER).astype(jnp.int32)
    ei_i2u = jax.random.randint(ks[3], (2, E), 0, N_ITEM).astype(ei_u2i.dtype)
    s = 1.0 / np.sqrt(D)
    Wl_u2i = jax.random.uniform(ks[4], (H, D), jnp.float32, minval=-s, maxval=s)
    bl_u2i = jax.random.uniform(ks[5], (H,), jnp.float32, minval=-s, maxval=s)
    Wr_u2i = jax.random.uniform(ks[6], (H, D), jnp.float32, minval=-s, maxval=s)
    Wl_i2u = jax.random.uniform(ks[7], (H, D), jnp.float32, minval=-s, maxval=s)
    bl_i2u = jax.random.uniform(ks[8], (H,), jnp.float32, minval=-s, maxval=s)
    Wr_i2u = jax.random.uniform(ks[9], (H, D), jnp.float32, minval=-s, maxval=s)
    return {
        "x_user": x_user, "x_item": x_item,
        "ei_u2i": ei_u2i, "ei_i2u": ei_i2u,
        "Wl_u2i": Wl_u2i, "bl_u2i": bl_u2i, "Wr_u2i": Wr_u2i,
        "Wl_i2u": Wl_i2u, "bl_i2u": bl_i2u, "Wr_i2u": Wr_i2u,
    }


def _sage_conv(x_src, x_dst, edge_index, Wl, bl, Wr, num_dst):
    # PyG SAGEConv on bipartite (x_src, x_dst): mean-aggregate source messages
    # per destination, then out = lin_l(mean) + lin_r(x_dst).
    src = edge_index[0]
    dst = edge_index[1]
    msgs = jnp.take(x_src, src, axis=0)                      # gather [E, D]
    summed = jax.ops.segment_sum(msgs, dst, num_segments=num_dst)
    ones = jnp.ones((edge_index.shape[1],), dtype=jnp.float32)
    cnt = jax.ops.segment_sum(ones, dst, num_segments=num_dst)
    mean = summed / jnp.maximum(cnt, 1.0)[:, None]
    return mean @ Wl.T + bl + x_dst @ Wr.T


def reference(x_user, x_item, ei_u2i, ei_i2u,
              Wl_u2i, bl_u2i, Wr_u2i, Wl_i2u, bl_i2u, Wr_i2u):
    # HeteroConv with aggr='sum': for each dst node type, sum outputs of all
    # edge types targeting it. Here each node type has exactly one incoming
    # edge type, so the sum is over a single term.
    out_item = _sage_conv(x_user, x_item, ei_u2i, Wl_u2i, bl_u2i, Wr_u2i, N_ITEM)
    out_user = _sage_conv(x_item, x_user, ei_i2u, Wl_i2u, bl_i2u, Wr_i2u, N_USER)
    return (out_user, out_item)

if __name__ == "__main__":
    import jax
    _d = setup_inputs()
    print(jax.jit(kernel)(*tuple(_d.values())))

</pallas_src>

<mosaic_0001>
#map = affine_map<(d0, d1) -> (0, 0, 0)>
#map1 = affine_map<(d0, d1) -> (0, 0, 0, 0)>
#map2 = affine_map<(d0, d1) -> (0, 0)>
module attributes {stable_mosaic.version = 14 : i64} {
  func.func @_sc_segsum(%arg0: i32, %arg1: i32, %arg2: memref<2x20000x128xf32, #tpu.memory_space<hbm>>, %arg3: memref<2x2x1280x128xi32, #tpu.memory_space<hbm>>, %arg4: memref<2x1280x128xi32, #tpu.memory_space<hbm>>, %arg5: memref<2x2x1280x128xi32, #tpu.memory_space<hbm>>, %arg6: memref<128x128xf32, #tpu.memory_space<hbm>>, %arg7: memref<128x128xf32, #tpu.memory_space<hbm>>, %arg8: memref<2x2x10240x128xf32, #tpu.memory_space<hbm>>, %arg9: memref<2x10240x128xf32, #tpu.memory_space<hbm>>, %arg10: memref<40x128xi32, #tpu.memory_space<vmem>>, %arg11: memref<40x128xi32, #tpu.memory_space<vmem>>, %arg12: memref<128x128xf32, #tpu.memory_space<vmem>>, %arg13: memref<128x128xf32, #tpu.memory_space<vmem>>, %arg14: memref<10240x128xf32, #tpu.memory_space<vmem_shared>>, %arg15: memref<!tpu.dma_semaphore, #tpu.memory_space<semaphore_mem>>, %arg16: memref<!tpu.dma_semaphore, #tpu.memory_space<semaphore_mem>>, %arg17: memref<!tpu.dma_semaphore, #tpu.memory_space<semaphore_mem>>, %arg18: memref<!tpu.dma_semaphore, #tpu.memory_space<semaphore_mem>>) attributes {dimension_semantics = [#tpu.dimension_semantics<core_parallel>, #tpu.dimension_semantics<subcore_parallel>], iteration_bounds = array<i64: 2, 16>, scalar_prefetch = 0 : i64, scratch_operands = 9 : i64, tpu.core_type = #tpu.core_type<sc_vector_subcore>, window_params = [{transform_indices = #map}, {transform_indices = #map1}, {transform_indices = #map}, {transform_indices = #map1}, {transform_indices = #map2}, {transform_indices = #map2}, {transform_indices = #map1}, {transform_indices = #map}]} {
    "tpu.region"() ({
      %run_scoped3A_342 = tpu.sem_alloc : memref<!tpu.dma_semaphore, #tpu.memory_space<semaphore_mem>>
      tpu.enqueue_dma source(%arg6 : memref<128x128xf32, #tpu.memory_space<hbm>>) target(%arg12 : memref<128x128xf32, #tpu.memory_space<vmem>>) target_semaphore(%run_scoped3A_342 : memref<!tpu.dma_semaphore, #tpu.memory_space<semaphore_mem>>)
      tpu.wait_dma2 semaphore(%run_scoped3A_342 : memref<!tpu.dma_semaphore, #tpu.memory_space<semaphore_mem>>) src(%arg6 : memref<128x128xf32, #tpu.memory_space<hbm>>) dst(%arg12 : memref<128x128xf32, #tpu.memory_space<vmem>>)
      tpu.yield
    }) : () -> ()
    %mul3A = arith.constant 640 : i32
    %mul3A_0 = arith.muli %arg1, %mul3A : i32
    %add3A = arith.constant 0 : i32
    %add3A_1 = arith.addi %mul3A_0, %add3A : i32
    "tpu.region"() ({
      %run_scoped3A_342 = tpu.sem_alloc : memref<!tpu.dma_semaphore, #tpu.memory_space<semaphore_mem>>
      %dma_start3A_343 = arith.constant 0 : i32
      %dma_start3A_344 = tpu.memref_slice %arg14[%add3A_1, %dma_start3A_343] : memref<10240x128xf32, #tpu.memory_space<vmem_shared>> -> memref<128x128xf32, #tpu.memory_space<vmem_shared>>
      %dma_start3A_345 = arith.constant 0 : i32
      %dma_start3A_346 = tpu.memref_slice %arg14[%add3A_1, %dma_start3A_345] : memref<10240x128xf32, #tpu.memory_space<vmem_shared>> -> memref<128x128xf32, #tpu.memory_space<vmem_shared>>
      tpu.enqueue_dma source(%arg12 : memref<128x128xf32, #tpu.memory_space<vmem>>) target(%dma_start3A_346 : memref<128x128xf32, #tpu.memory_space<vmem_shared>>) target_semaphore(%run_scoped3A_342 : memref<!tpu.dma_semaphore, #tpu.memory_space<semaphore_mem>>)
      %dma_wait3A_347 = arith.constant 0 : i32
      %dma_wait3A_348 = tpu.memref_slice %arg14[%add3A_1, %dma_wait3A_347] : memref<10240x128xf32, #tpu.memory_space<vmem_shared>> -> memref<128x128xf32, #tpu.memory_space<vmem_shared>>
      %dma_wait3A_349 = arith.constant 0 : i32
      %dma_wait3A_350 = tpu.memref_slice %arg14[%add3A_1, %dma_wait3A_349] : memref<10240x128xf32, #tpu.memory_space<vmem_shared>> -> memref<128x128xf32, #tpu.memory_space<vmem_shared>>
      tpu.wait_dma2 semaphore(%run_scoped3A_342 : memref<!tpu.dma_semaphore, #tpu.memory_space<semaphore_mem>>) src(%arg12 : memref<128x128xf32, #tpu.memory_space<vmem>>) dst(%dma_wait3A_350 : memref<128x128xf32, #tpu.memory_space<vmem_shared>>)
      tpu.yield
    }) : () -> ()
    %mul3A_2 = arith.constant 640 : i32
    %mul3A_3 = arith.muli %arg1, %mul3A_2 : i32
    %add3A_4 = arith.constant 128 : i32
    %add3A_5 = arith.addi %mul3A_3, %add3A_4 : i32
    "tpu.region"() ({
      %run_scoped3A_342 = tpu.sem_alloc : memref<!tpu.dma_semaphore, #tpu.memory_space<semaphore_mem>>
      %dma_start3A_343 = arith.constant 0 : i32
      %dma_start3A_344 = tpu.memref_slice %arg14[%add3A_5, %dma_start3A_343] : memref<10240x128xf32, #tpu.memory_space<vmem_shared>> -> memref<128x128xf32, #tpu.memory_space<vmem_shared>>
      %dma_start3A_345 = arith.constant 0 : i32
      %dma_start3A_346 = tpu.memref_slice %arg14[%add3A_5, %dma_start3A_345] : memref<10240x128xf32, #tpu.memory_space<vmem_shared>> -> memref<128x128xf32, #tpu.memory_space<vmem_shared>>
      tpu.enqueue_dma source(%arg12 : memref<128x128xf32, #tpu.memory_space<vmem>>) target(%dma_start3A_346 : memref<128x128xf32, #tpu.memory_space<vmem_shared>>) target_semaphore(%run_scoped3A_342 : memref<!tpu.dma_semaphore, #tpu.memory_space<semaphore_mem>>)
      %dma_wait3A_347 = arith.constant 0 : i32
      %dma_wait3A_348 = tpu.memref_slice %arg14[%add3A_5, %dma_wait3A_347] : memref<10240x128xf32, #tpu.memory_space<vmem_shared>> -> memref<128x128xf32, #tpu.memory_space<vmem_shared>>
      %dma_wait3A_349 = arith.constant 0 : i32
      %dma_wait3A_350 = tpu.memref_slice %arg14[%add3A_5, %dma_wait3A_349] : memref<10240x128xf32, #tpu.memory_space<vmem_shared>> -> memref<128x128xf32, #tpu.memory_space<vmem_shared>>
      tpu.wait_dma2 semaphore(%run_scoped3A_342 : memref<!tpu.dma_semaphore, #tpu.memory_space<semaphore_mem>>) src(%arg12 : memref<128x128xf32, #tpu.memory_space<vmem>>) dst(%dma_wait3A_350 : memref<128x128xf32, #tpu.memory_space<vmem_shared>>)
      tpu.yield
    }) : () -> ()
    %mul3A_6 = arith.constant 640 : i32
    %mul3A_7 = arith.muli %arg1, %mul3A_6 : i32
    %add3A_8 = arith.constant 256 : i32
    %add3A_9 = arith.addi %mul3A_7, %add3A_8 : i32
    "tpu.region"() ({
      %run_scoped3A_342 = tpu.sem_alloc : memref<!tpu.dma_semaphore, #tpu.memory_space<semaphore_mem>>
      %dma_start3A_343 = arith.constant 0 : i32
      %dma_start3A_344 = tpu.memref_slice %arg14[%add3A_9, %dma_start3A_343] : memref<10240x128xf32, #tpu.memory_space<vmem_shared>> -> memref<128x128xf32, #tpu.memory_space<vmem_shared>>
      %dma_start3A_345 = arith.constant 0 : i32
      %dma_start3A_346 = tpu.memref_slice %arg14[%add3A_9, %dma_start3A_345] : memref<10240x128xf32, #tpu.memory_space<vmem_shared>> -> memref<128x128xf32, #tpu.memory_space<vmem_shared>>
      tpu.enqueue_dma source(%arg12 : memref<128x128xf32, #tpu.memory_space<vmem>>) target(%dma_start3A_346 : memref<128x128xf32, #tpu.memory_space<vmem_shared>>) target_semaphore(%run_scoped3A_342 : memref<!tpu.dma_semaphore, #tpu.memory_space<semaphore_mem>>)
      %dma_wait3A_347 = arith.constant 0 : i32
      %dma_wait3A_348 = tpu.memref_slice %arg14[%add3A_9, %dma_wait3A_347] : memref<10240x128xf32, #tpu.memory_space<vmem_shared>> -> memref<128x128xf32, #tpu.memory_space<vmem_shared>>
      %dma_wait3A_349 = arith.constant 0 : i32
      %dma_wait3A_350 = tpu.memref_slice %arg14[%add3A_9, %dma_wait3A_349] : memref<10240x128xf32, #tpu.memory_space<vmem_shared>> -> memref<128x128xf32, #tpu.memory_space<vmem_shared>>
      tpu.wait_dma2 semaphore(%run_scoped3A_342 : memref<!tpu.dma_semaphore, #tpu.memory_space<semaphore_mem>>) src(%arg12 : memref<128x128xf32, #tpu.memory_space<vmem>>) dst(%dma_wait3A_350 : memref<128x128xf32, #tpu.memory_space<vmem_shared>>)
      tpu.yield
    }) : () -> ()
    %mul3A_10 = arith.constant 640 : i32
    %mul3A_11 = arith.muli %arg1, %mul3A_10 : i32
    %add3A_12 = arith.constant 384 : i32
    %add3A_13 = arith.addi %mul3A_11, %add3A_12 : i32
    "tpu.region"() ({
      %run_scoped3A_342 = tpu.sem_alloc : memref<!tpu.dma_semaphore, #tpu.memory_space<semaphore_mem>>
      %dma_start3A_343 = arith.constant 0 : i32
      %dma_start3A_344 = tpu.memref_slice %arg14[%add3A_13, %dma_start3A_343] : memref<10240x128xf32, #tpu.memory_space<vmem_shared>> -> memref<128x128xf32, #tpu.memory_space<vmem_shared>>
      %dma_start3A_345 = arith.constant 0 : i32
      %dma_start3A_346 = tpu.memref_slice %arg14[%add3A_13, %dma_start3A_345] : memref<10240x128xf32, #tpu.memory_space<vmem_shared>> -> memref<128x128xf32, #tpu.memory_space<vmem_shared>>
      tpu.enqueue_dma source(%arg12 : memref<128x128xf32, #tpu.memory_space<vmem>>) target(%dma_start3A_346 : memref<128x128xf32, #tpu.memory_space<vmem_shared>>) target_semaphore(%run_scoped3A_342 : memref<!tpu.dma_semaphore, #tpu.memory_space<semaphore_mem>>)
      %dma_wait3A_347 = arith.constant 0 : i32
      %dma_wait3A_348 = tpu.memref_slice %arg14[%add3A_13, %dma_wait3A_347] : memref<10240x128xf32, #tpu.memory_space<vmem_shared>> -> memref<128x128xf32, #tpu.memory_space<vmem_shared>>
      %dma_wait3A_349 = arith.constant 0 : i32
      %dma_wait3A_350 = tpu.memref_slice %arg14[%add3A_13, %dma_wait3A_349] : memref<10240x128xf32, #tpu.memory_space<vmem_shared>> -> memref<128x128xf32, #tpu.memory_space<vmem_shared>>
      tpu.wait_dma2 semaphore(%run_scoped3A_342 : memref<!tpu.dma_semaphore, #tpu.memory_space<semaphore_mem>>) src(%arg12 : memref<128x128xf32, #tpu.memory_space<vmem>>) dst(%dma_wait3A_350 : memref<128x128xf32, #tpu.memory_space<vmem_shared>>)
      tpu.yield
    }) : () -> ()
    %mul3A_14 = arith.constant 640 : i32
    %mul3A_15 = arith.muli %arg1, %mul3A_14 : i32
    %add3A_16 = arith.constant 512 : i32
    %add3A_17 = arith.addi %mul3A_15, %add3A_16 : i32
    "tpu.region"() ({
      %run_scoped3A_342 = tpu.sem_alloc : memref<!tpu.dma_semaphore, #tpu.memory_space<semaphore_mem>>
      %dma_start3A_343 = arith.constant 0 : i32
      %dma_start3A_344 = tpu.memref_slice %arg14[%add3A_17, %dma_start3A_343] : memref<10240x128xf32, #tpu.memory_space<vmem_shared>> -> memref<128x128xf32, #tpu.memory_space<vmem_shared>>
      %dma_start3A_345 = arith.constant 0 : i32
      %dma_start3A_346 = tpu.memref_slice %arg14[%add3A_17, %dma_start3A_345] : memref<10240x128xf32, #tpu.memory_space<vmem_shared>> -> memref<128x128xf32, #tpu.memory_space<vmem_shared>>
      tpu.enqueue_dma source(%arg12 : memref<128x128xf32, #tpu.memory_space<vmem>>) target(%dma_start3A_346 : memref<128x128xf32, #tpu.memory_space<vmem_shared>>) target_semaphore(%run_scoped3A_342 : memref<!tpu.dma_semaphore, #tpu.memory_space<semaphore_mem>>)
      %dma_wait3A_347 = arith.constant 0 : i32
      %dma_wait3A_348 = tpu.memref_slice %arg14[%add3A_17, %dma_wait3A_347] : memref<10240x128xf32, #tpu.memory_space<vmem_shared>> -> memref<128x128xf32, #tpu.memory_space<vmem_shared>>
      %dma_wait3A_349 = arith.constant 0 : i32
      %dma_wait3A_350 = tpu.memref_slice %arg14[%add3A_17, %dma_wait3A_349] : memref<10240x128xf32, #tpu.memory_space<vmem_shared>> -> memref<128x128xf32, #tpu.memory_space<vmem_shared>>
      tpu.wait_dma2 semaphore(%run_scoped3A_342 : memref<!tpu.dma_semaphore, #tpu.memory_space<semaphore_mem>>) src(%arg12 : memref<128x128xf32, #tpu.memory_space<vmem>>) dst(%dma_wait3A_350 : memref<128x128xf32, #tpu.memory_space<vmem_shared>>)
      tpu.yield
    }) : () -> ()
    %barrier3A = arith.constant 0 : index
    tpu.barrier barrier_id(%barrier3A)
    %mul3A_18 = arith.constant 80 : i32
    %mul3A_19 = arith.muli %arg1, %mul3A_18 : i32
    %add3A_20 = arith.constant 0 : i32
    %add3A_21 = arith.addi %mul3A_19, %add3A_20 : i32
    %run_scoped3A = arith.constant 0 : i32
    "tpu.region"() ({
      %run_scoped3A_342 = tpu.sem_alloc : memref<!tpu.dma_semaphore, #tpu.memory_space<semaphore_mem>>
      %dma_start3A_343 = arith.constant 0 : i32
      %dma_start3A_344 = tpu.memref_slice %arg3[%run_scoped3A, %arg0, %add3A_21, %dma_start3A_343] : memref<2x2x1280x128xi32, #tpu.memory_space<hbm>> -> memref<1x1x40x128xi32, #tpu.memory_space<hbm>>
      %dma_start3A_345 = tpu.memref_squeeze %dma_start3A_344 : memref<1x1x40x128xi32, #tpu.memory_space<hbm>> -> memref<40x128xi32, #tpu.memory_space<hbm>>
      %dma_start3A_346 = arith.constant 0 : i32
      %dma_start3A_347 = tpu.memref_slice %arg3[%run_scoped3A, %arg0, %add3A_21, %dma_start3A_346] : memref<2x2x1280x128xi32, #tpu.memory_space<hbm>> -> memref<1x1x40x128xi32, #tpu.memory_space<hbm>>
      %dma_start3A_348 = tpu.memref_squeeze %dma_start3A_347 : memref<1x1x40x128xi32, #tpu.memory_space<hbm>> -> memref<40x128xi32, #tpu.memory_space<hbm>>
      tpu.enqueue_dma source(%dma_start3A_348 : memref<40x128xi32, #tpu.memory_space<hbm>>) target(%arg10 : memref<40x128xi32, #tpu.memory_space<vmem>>) target_semaphore(%run_scoped3A_342 : memref<!tpu.dma_semaphore, #tpu.memory_space<semaphore_mem>>)
      %dma_wait3A_349 = arith.constant 0 : i32
      %dma_wait3A_350 = tpu.memref_slice %arg3[%run_scoped3A, %arg0, %add3A_21, %dma_wait3A_349] : memref<2x2x1280x128xi32, #tpu.memory_space<hbm>> -> memref<1x1x40x128xi32, #tpu.memory_space<hbm>>
      %dma_wait3A_351 = tpu.memref_squeeze %dma_wait3A_350 : memref<1x1x40x128xi32, #tpu.memory_space<hbm>> -> memref<40x128xi32, #tpu.memory_space<hbm>>
      %dma_wait3A_352 = arith.constant 0 : i32
      %dma_wait3A_353 = tpu.memref_slice %arg3[%run_scoped3A, %arg0, %add3A_21, %dma_wait3A_352] : memref<2x2x1280x128xi32, #tpu.memory_space<hbm>> -> memref<1x1x40x128xi32, #tpu.memory_space<hbm>>
      %dma_wait3A_354 = tpu.memref_squeeze %dma_wait3A_353 : memref<1x1x40x128xi32, #tpu.memory_space<hbm>> -> memref<40x128xi32, #tpu.memory_space<hbm>>
      tpu.wait_dma2 semaphore(%run_scoped3A_342 : memref<!tpu.dma_semaphore, #tpu.memory_space<semaphore_mem>>) src(%dma_wait3A_354 : memref<40x128xi32, #tpu.memory_space<hbm>>) dst(%arg10 : memref<40x128xi32, #tpu.memory_space<vmem>>)
      tpu.yield
    }) : () -> ()
    %run_scoped3A_22 = arith.constant 0 : i32
    "tpu.region"() ({
      %run_scoped3A_342 = tpu.sem_alloc : memref<!tpu.dma_semaphore, #tpu.memory_space<semaphore_mem>>
      %dma_start3A_343 = arith.constant 0 : i32
      %dma_start3A_344 = tpu.memref_slice %arg4[%run_scoped3A_22, %add3A_21, %dma_start3A_343] : memref<2x1280x128xi32, #tpu.memory_space<hbm>> -> memref<1x40x128xi32, #tpu.memory_space<hbm>>
      %dma_start3A_345 = tpu.memref_squeeze %dma_start3A_344 : memref<1x40x128xi32, #tpu.memory_space<hbm>> -> memref<40x128xi32, #tpu.memory_space<hbm>>
      %dma_start3A_346 = arith.constant 0 : i32
      %dma_start3A_347 = tpu.memref_slice %arg4[%run_scoped3A_22, %add3A_21, %dma_start3A_346] : memref<2x1280x128xi32, #tpu.memory_space<hbm>> -> memref<1x40x128xi32, #tpu.memory_space<hbm>>
      %dma_start3A_348 = tpu.memref_squeeze %dma_start3A_347 : memref<1x40x128xi32, #tpu.memory_space<hbm>> -> memref<40x128xi32, #tpu.memory_space<hbm>>
      tpu.enqueue_dma source(%dma_start3A_348 : memref<40x128xi32, #tpu.memory_space<hbm>>) target(%arg11 : memref<40x128xi32, #tpu.memory_space<vmem>>) target_semaphore(%run_scoped3A_342 : memref<!tpu.dma_semaphore, #tpu.memory_space<semaphore_mem>>)
      %dma_wait3A_349 = arith.constant 0 : i32
      %dma_wait3A_350 = tpu.memref_slice %arg4[%run_scoped3A_22, %add3A_21, %dma_wait3A_349] : memref<2x1280x128xi32, #tpu.memory_space<hbm>> -> memref<1x40x128xi32, #tpu.memory_space<hbm>>
      %dma_wait3A_351 = tpu.memref_squeeze %dma_wait3A_350 : memref<1x40x128xi32, #tpu.memory_space<hbm>> -> memref<40x128xi32, #tpu.memory_space<hbm>>
      %dma_wait3A_352 = arith.constant 0 : i32
      %dma_wait3A_353 = tpu.memref_slice %arg4[%run_scoped3A_22, %add3A_21, %dma_wait3A_352] : memref<2x1280x128xi32, #tpu.memory_space<hbm>> -> memref<1x40x128xi32, #tpu.memory_space<hbm>>
      %dma_wait3A_354 = tpu.memref_squeeze %dma_wait3A_353 : memref<1x40x128xi32, #tpu.memory_space<hbm>> -> memref<40x128xi32, #tpu.memory_space<hbm>>
      tpu.wait_dma2 semaphore(%run_scoped3A_342 : memref<!tpu.dma_semaphore, #tpu.memory_space<semaphore_mem>>) src(%dma_wait3A_354 : memref<40x128xi32, #tpu.memory_space<hbm>>) dst(%arg11 : memref<40x128xi32, #tpu.memory_space<vmem>>)
      tpu.yield
    }) : () -> ()
    %dma_start3A = arith.constant 0 : i32
    %dma_start3A_23 = arith.constant 0 : i32
    %dma_start3A_24 = arith.constant 0 : i32
    %dma_start3A_25 = tpu.memref_slice %arg10[%dma_start3A_23, %dma_start3A_24] : memref<40x128xi32, #tpu.memory_space<vmem>> -> memref<1x128xi32, #tpu.memory_space<vmem>>
    %dma_start3A_26 = tpu.memref_squeeze %dma_start3A_25 : memref<1x128xi32, #tpu.memory_space<vmem>> -> memref<128xi32, #tpu.memory_space<vmem>>
    %dma_start3A_27 = arith.constant 0 : i32
    %dma_start3A_28 = arith.constant 0 : i32
    %dma_start3A_29 = tpu.memref_slice %arg2[%dma_start3A, %dma_start3A_27, %dma_start3A_28] : memref<2x20000x128xf32, #tpu.memory_space<hbm>> -> memref<1x20000x128xf32, #tpu.memory_space<hbm>>
    %dma_start3A_30 = tpu.memref_squeeze %dma_start3A_29 : memref<1x20000x128xf32, #tpu.memory_space<hbm>> -> memref<20000x128xf32, #tpu.memory_space<hbm>>
    %dma_start3A_31 = arith.constant 0 : i32
    %dma_start3A_32 = arith.constant 0 : i32
    %dma_start3A_33 = tpu.memref_slice %dma_start3A_30[%dma_start3A_31, %dma_start3A_32] : memref<20000x128xf32, #tpu.memory_space<hbm>> -> memref<20000x128xf32, #tpu.memory_space<hbm>>
    tpu.enqueue_indirect_dma source(%dma_start3A_33 : memref<20000x128xf32, #tpu.memory_space<hbm>>) target(%arg12 : memref<128x128xf32, #tpu.memory_space<vmem>>) offsets(%dma_start3A_26 : memref<128xi32, #tpu.memory_space<vmem>>) semaphore(%arg15 : memref<!tpu.dma_semaphore, #tpu.memory_space<semaphore_mem>>)
    %dma_start3A_34 = arith.constant 0 : i32
    %dma_start3A_35 = arith.constant 1 : i32
    %dma_start3A_36 = arith.constant 0 : i32
    %dma_start3A_37 = tpu.memref_slice %arg10[%dma_start3A_35, %dma_start3A_36] : memref<40x128xi32, #tpu.memory_space<vmem>> -> memref<1x128xi32, #tpu.memory_space<vmem>>
    %dma_start3A_38 = tpu.memref_squeeze %dma_start3A_37 : memref<1x128xi32, #tpu.memory_space<vmem>> -> memref<128xi32, #tpu.memory_space<vmem>>
    %dma_start3A_39 = arith.constant 0 : i32
    %dma_start3A_40 = arith.constant 0 : i32
    %dma_start3A_41 = tpu.memref_slice %arg2[%dma_start3A_34, %dma_start3A_39, %dma_start3A_40] : memref<2x20000x128xf32, #tpu.memory_space<hbm>> -> memref<1x20000x128xf32, #tpu.memory_space<hbm>>
    %dma_start3A_42 = tpu.memref_squeeze %dma_start3A_41 : memref<1x20000x128xf32, #tpu.memory_space<hbm>> -> memref<20000x128xf32, #tpu.memory_space<hbm>>
    %dma_start3A_43 = arith.constant 0 : i32
    %dma_start3A_44 = arith.constant 0 : i32
    %dma_start3A_45 = tpu.memref_slice %dma_start3A_42[%dma_start3A_43, %dma_start3A_44] : memref<20000x128xf32, #tpu.memory_space<hbm>> -> memref<20000x128xf32, #tpu.memory_space<hbm>>
    tpu.enqueue_indirect_dma source(%dma_start3A_45 : memref<20000x128xf32, #tpu.memory_space<hbm>>) target(%arg13 : memref<128x128xf32, #tpu.memory_space<vmem>>) offsets(%dma_start3A_38 : memref<128xi32, #tpu.memory_space<vmem>>) semaphore(%arg16 : memref<!tpu.dma_semaphore, #tpu.memory_space<semaphore_mem>>)
    %scan3A = arith.constant 0 : i32
    %scan3A_46 = arith.constant 0 : i32
    %scan3A_47 = arith.constant 0 : i32
    %scan3A_48 = arith.constant 20 : i32
    %scan3A_49 = arith.addi %scan3A_47, %scan3A_48 : i32
    %scan3A_50 = arith.constant 1 : i32
    scf.for %scan3A_342 = %scan3A_47 to %scan3A_49 step %scan3A_50  : i32 {
      %mul3A_343 = arith.constant 2 : i32
      %mul3A_344 = arith.muli %scan3A_342, %mul3A_343 : i32
      %dma_wait3A_345 = arith.constant 0 : i32
      %dma_wait3A_346 = arith.constant 0 : i32
      %dma_wait3A_347 = tpu.memref_slice %arg10[%dma_wait3A_345, %dma_wait3A_346] : memref<40x128xi32, #tpu.memory_space<vmem>> -> memref<1x128xi32, #tpu.memory_space<vmem>>
      %dma_wait3A_348 = tpu.memref_squeeze %dma_wait3A_347 : memref<1x128xi32, #tpu.memory_space<vmem>> -> memref<128xi32, #tpu.memory_space<vmem>>
      %dma_wait3A_349 = arith.constant 0 : i32
      %dma_wait3A_350 = arith.constant 0 : i32
      %dma_wait3A_351 = tpu.memref_slice %arg2[%scan3A_46, %dma_wait3A_349, %dma_wait3A_350] : memref<2x20000x128xf32, #tpu.memory_space<hbm>> -> memref<1x20000x128xf32, #tpu.memory_space<hbm>>
      %dma_wait3A_352 = tpu.memref_squeeze %dma_wait3A_351 : memref<1x20000x128xf32, #tpu.memory_space<hbm>> -> memref<20000x128xf32, #tpu.memory_space<hbm>>
      %dma_wait3A_353 = arith.constant 0 : i32
      %dma_wait3A_354 = arith.constant 0 : i32
      %dma_wait3A_355 = tpu.memref_slice %dma_wait3A_352[%dma_wait3A_353, %dma_wait3A_354] : memref<20000x128xf32, #tpu.memory_space<hbm>> -> memref<20000x128xf32, #tpu.memory_space<hbm>>
      tpu.wait_indirect_dma semaphore(%arg15 : memref<!tpu.dma_semaphore, #tpu.memory_space<semaphore_mem>>) src(%dma_wait3A_355 : memref<20000x128xf32, #tpu.memory_space<hbm>>) dst(%arg12 : memref<128x128xf32, #tpu.memory_space<vmem>>)
      %add3A_356 = arith.constant 0 : i32
      %add3A_357 = arith.addi %mul3A_344, %add3A_356 : i32
      %dma_start3A_358 = arith.constant 0 : i32
      %dma_start3A_359 = tpu.memref_slice %arg11[%add3A_357, %dma_start3A_358] : memref<40x128xi32, #tpu.memory_space<vmem>> -> memref<1x128xi32, #tpu.memory_space<vmem>>
      %dma_start3A_360 = tpu.memref_squeeze %dma_start3A_359 : memref<1x128xi32, #tpu.memory_space<vmem>> -> memref<128xi32, #tpu.memory_space<vmem>>
      %dma_start3A_361 = arith.constant 0 : i32
      %dma_start3A_362 = arith.constant 0 : i32
      %dma_start3A_363 = tpu.memref_slice %arg14[%dma_start3A_361, %dma_start3A_362] : memref<10240x128xf32, #tpu.memory_space<vmem_shared>> -> memref<10240x128xf32, #tpu.memory_space<vmem_shared>>
      tpu.enqueue_indirect_dma source(%arg12 : memref<128x128xf32, #tpu.memory_space<vmem>>) target(%dma_start3A_363 : memref<10240x128xf32, #tpu.memory_space<vmem_shared>>) offsets(%dma_start3A_360 : memref<128xi32, #tpu.memory_space<vmem>>) semaphore(%arg17 : memref<!tpu.dma_semaphore, #tpu.memory_space<semaphore_mem>>) {add = true}
      %dma_wait3A_364 = arith.constant 0 : i32
      %dma_wait3A_365 = arith.constant 0 : i32
      %dma_wait3A_366 = tpu.memref_slice %arg10[%dma_wait3A_364, %dma_wait3A_365] : memref<40x128xi32, #tpu.memory_space<vmem>> -> memref<1x128xi32, #tpu.memory_space<vmem>>
      %dma_wait3A_367 = tpu.memref_squeeze %dma_wait3A_366 : memref<1x128xi32, #tpu.memory_space<vmem>> -> memref<128xi32, #tpu.memory_space<vmem>>
      %dma_wait3A_368 = arith.constant 0 : i32
      %dma_wait3A_369 = arith.constant 0 : i32
      %dma_wait3A_370 = tpu.memref_slice %arg2[%scan3A_46, %dma_wait3A_368, %dma_wait3A_369] : memref<2x20000x128xf32, #tpu.memory_space<hbm>> -> memref<1x20000x128xf32, #tpu.memory_space<hbm>>
      %dma_wait3A_371 = tpu.memref_squeeze %dma_wait3A_370 : memref<1x20000x128xf32, #tpu.memory_space<hbm>> -> memref<20000x128xf32, #tpu.memory_space<hbm>>
      %dma_wait3A_372 = arith.constant 0 : i32
      %dma_wait3A_373 = arith.constant 0 : i32
      %dma_wait3A_374 = tpu.memref_slice %dma_wait3A_371[%dma_wait3A_372, %dma_wait3A_373] : memref<20000x128xf32, #tpu.memory_space<hbm>> -> memref<20000x128xf32, #tpu.memory_space<hbm>>
      tpu.wait_indirect_dma semaphore(%arg16 : memref<!tpu.dma_semaphore, #tpu.memory_space<semaphore_mem>>) src(%dma_wait3A_374 : memref<20000x128xf32, #tpu.memory_space<hbm>>) dst(%arg13 : memref<128x128xf32, #tpu.memory_space<vmem>>)
      %add3A_375 = arith.constant 1 : i32
      %add3A_376 = arith.addi %mul3A_344, %add3A_375 : i32
      %dma_start3A_377 = arith.constant 0 : i32
      %dma_start3A_378 = tpu.memref_slice %arg11[%add3A_376, %dma_start3A_377] : memref<40x128xi32, #tpu.memory_space<vmem>> -> memref<1x128xi32, #tpu.memory_space<vmem>>
      %dma_start3A_379 = tpu.memref_squeeze %dma_start3A_378 : memref<1x128xi32, #tpu.memory_space<vmem>> -> memref<128xi32, #tpu.memory_space<vmem>>
      %dma_start3A_380 = arith.constant 0 : i32
      %dma_start3A_381 = arith.constant 0 : i32
      %dma_start3A_382 = tpu.memref_slice %arg14[%dma_start3A_380, %dma_start3A_381] : memref<10240x128xf32, #tpu.memory_space<vmem_shared>> -> memref<10240x128xf32, #tpu.memory_space<vmem_shared>>
      tpu.enqueue_indirect_dma source(%arg13 : memref<128x128xf32, #tpu.memory_space<vmem>>) target(%dma_start3A_382 : memref<10240x128xf32, #tpu.memory_space<vmem_shared>>) offsets(%dma_start3A_379 : memref<128xi32, #tpu.memory_space<vmem>>) semaphore(%arg18 : memref<!tpu.dma_semaphore, #tpu.memory_space<semaphore_mem>>) {add = true}
      %lt3A_383 = arith.constant 19 : i32
      %lt3A_384 = arith.cmpi slt, %scan3A_342, %lt3A_383 : i32
      %convert_element_type3A_385 = arith.extui %lt3A_384 : i1 to i32
      %cond3A_386 = arith.constant 0 : i32
      %cond3A_387 = arith.cmpi ne, %convert_element_type3A_385, %cond3A_386 : i32
      scf.if %cond3A_387 {
        %dma_wait3A_393 = arith.constant 0 : i32
        %dma_wait3A_394 = arith.constant 0 : i32
        %dma_wait3A_395 = tpu.memref_slice %arg11[%dma_wait3A_393, %dma_wait3A_394] : memref<40x128xi32, #tpu.memory_space<vmem>> -> memref<1x128xi32, #tpu.memory_space<vmem>>
        %dma_wait3A_396 = tpu.memref_squeeze %dma_wait3A_395 : memref<1x128xi32, #tpu.memory_space<vmem>> -> memref<128xi32, #tpu.memory_space<vmem>>
        %dma_wait3A_397 = arith.constant 0 : i32
        %dma_wait3A_398 = arith.constant 0 : i32
        %dma_wait3A_399 = tpu.memref_slice %arg14[%dma_wait3A_397, %dma_wait3A_398] : memref<10240x128xf32, #tpu.memory_space<vmem_shared>> -> memref<10240x128xf32, #tpu.memory_space<vmem_shared>>
        tpu.wait_indirect_dma semaphore(%arg17 : memref<!tpu.dma_semaphore, #tpu.memory_space<semaphore_mem>>) src(%arg12 : memref<128x128xf32, #tpu.memory_space<vmem>>) dst(%dma_wait3A_399 : memref<10240x128xf32, #tpu.memory_space<vmem_shared>>)
        %add3A_400 = arith.constant 2 : i32
        %add3A_401 = arith.addi %mul3A_344, %add3A_400 : i32
        %add3A_402 = arith.constant 0 : i32
        %add3A_403 = arith.addi %add3A_401, %add3A_402 : i32
        %dma_start3A_404 = arith.constant 0 : i32
        %dma_start3A_405 = tpu.memref_slice %arg10[%add3A_403, %dma_start3A_404] : memref<40x128xi32, #tpu.memory_space<vmem>> -> memref<1x128xi32, #tpu.memory_space<vmem>>
        %dma_start3A_406 = tpu.memref_squeeze %dma_start3A_405 : memref<1x128xi32, #tpu.memory_space<vmem>> -> memref<128xi32, #tpu.memory_space<vmem>>
        %dma_start3A_407 = arith.constant 0 : i32
        %dma_start3A_408 = arith.constant 0 : i32
        %dma_start3A_409 = tpu.memref_slice %arg2[%scan3A_46, %dma_start3A_407, %dma_start3A_408] : memref<2x20000x128xf32, #tpu.memory_space<hbm>> -> memref<1x20000x128xf32, #tpu.memory_space<hbm>>
        %dma_start3A_410 = tpu.memref_squeeze %dma_start3A_409 : memref<1x20000x128xf32, #tpu.memory_space<hbm>> -> memref<20000x128xf32, #tpu.memory_space<hbm>>
        %dma_start3A_411 = arith.constant 0 : i32
        %dma_start3A_412 = arith.constant 0 : i32
        %dma_start3A_413 = tpu.memref_slice %dma_start3A_410[%dma_start3A_411, %dma_start3A_412] : memref<20000x128xf32, #tpu.memory_space<hbm>> -> memref<20000x128xf32, #tpu.memory_space<hbm>>
        tpu.enqueue_indirect_dma source(%dma_start3A_413 : memref<20000x128xf32, #tpu.memory_space<hbm>>) target(%arg12 : memref<128x128xf32, #tpu.memory_space<vmem>>) offsets(%dma_start3A_406 : memref<128xi32, #tpu.memory_space<vmem>>) semaphore(%arg15 : memref<!tpu.dma_semaphore, #tpu.memory_space<semaphore_mem>>)
      } else {
      }
      %lt3A_388 = arith.constant 19 : i32
      %lt3A_389 = arith.cmpi slt, %scan3A_342, %lt3A_388 : i32
      %convert_element_type3A_390 = arith.extui %lt3A_389 : i1 to i32
      %cond3A_391 = arith.constant 0 : i32
      %cond3A_392 = arith.cmpi ne, %convert_element_type3A_390, %cond3A_391 : i32
      scf.if %cond3A_392 {
        %dma_wait3A_393 = arith.constant 0 : i32
        %dma_wait3A_394 = arith.constant 0 : i32
        %dma_wait3A_395 = tpu.memref_slice %arg11[%dma_wait3A_393, %dma_wait3A_394] : memref<40x128xi32, #tpu.memory_space<vmem>> -> memref<1x128xi32, #tpu.memory_space<vmem>>
        %dma_wait3A_396 = tpu.memref_squeeze %dma_wait3A_395 : memref<1x128xi32, #tpu.memory_space<vmem>> -> memref<128xi32, #tpu.memory_space<vmem>>
        %dma_wait3A_397 = arith.constant 0 : i32
        %dma_wait3A_398 = arith.constant 0 : i32
        %dma_wait3A_399 = tpu.memref_slice %arg14[%dma_wait3A_397, %dma_wait3A_398] : memref<10240x128xf32, #tpu.memory_space<vmem_shared>> -> memref<10240x128xf32, #tpu.memory_space<vmem_shared>>
        tpu.wait_indirect_dma semaphore(%arg18 : memref<!tpu.dma_semaphore, #tpu.memory_space<semaphore_mem>>) src(%arg13 : memref<128x128xf32, #tpu.memory_space<vmem>>) dst(%dma_wait3A_399 : memref<10240x128xf32, #tpu.memory_space<vmem_shared>>)
        %add3A_400 = arith.constant 2 : i32
        %add3A_401 = arith.addi %mul3A_344, %add3A_400 : i32
        %add3A_402 = arith.constant 1 : i32
        %add3A_403 = arith.addi %add3A_401, %add3A_402 : i32
        %dma_start3A_404 = arith.constant 0 : i32
        %dma_start3A_405 = tpu.memref_slice %arg10[%add3A_403, %dma_start3A_404] : memref<40x128xi32, #tpu.memory_space<vmem>> -> memref<1x128xi32, #tpu.memory_space<vmem>>
        %dma_start3A_406 = tpu.memref_squeeze %dma_start3A_405 : memref<1x128xi32, #tpu.memory_space<vmem>> -> memref<128xi32, #tpu.memory_space<vmem>>
        %dma_start3A_407 = arith.constant 0 : i32
        %dma_start3A_408 = arith.constant 0 : i32
        %dma_start3A_409 = tpu.memref_slice %arg2[%scan3A_46, %dma_start3A_407, %dma_start3A_408] : memref<2x20000x128xf32, #tpu.memory_space<hbm>> -> memref<1x20000x128xf32, #tpu.memory_space<hbm>>
        %dma_start3A_410 = tpu.memref_squeeze %dma_start3A_409 : memref<1x20000x128xf32, #tpu.memory_space<hbm>> -> memref<20000x128xf32, #tpu.memory_space<hbm>>
        %dma_start3A_411 = arith.constant 0 : i32
        %dma_start3A_412 = arith.constant 0 : i32
        %dma_start3A_413 = tpu.memref_slice %dma_start3A_410[%dma_start3A_411, %dma_start3A_412] : memref<20000x128xf32, #tpu.memory_space<hbm>> -> memref<20000x128xf32, #tpu.memory_space<hbm>>
        tpu.enqueue_indirect_dma source(%dma_start3A_413 : memref<20000x128xf32, #tpu.memory_space<hbm>>) target(%arg13 : memref<128x128xf32, #tpu.memory_space<vmem>>) offsets(%dma_start3A_406 : memref<128xi32, #tpu.memory_space<vmem>>) semaphore(%arg16 : memref<!tpu.dma_semaphore, #tpu.memory_space<semaphore_mem>>)
      } else {
      }
    }
    %scan3A_51 = arith.constant 20 : i32
    %dma_wait3A = arith.constant 0 : i32
    %dma_wait3A_52 = arith.constant 0 : i32
    %dma_wait3A_53 = tpu.memref_slice %arg11[%dma_wait3A, %dma_wait3A_52] : memref<40x128xi32, #tpu.memory_space<vmem>> -> memref<1x128xi32, #tpu.memory_space<vmem>>
    %dma_wait3A_54 = tpu.memref_squeeze %dma_wait3A_53 : memref<1x128xi32, #tpu.memory_space<vmem>> -> memref<128xi32, #tpu.memory_space<vmem>>
    %dma_wait3A_55 = arith.constant 0 : i32
    %dma_wait3A_56 = arith.constant 0 : i32
    %dma_wait3A_57 = tpu.memref_slice %arg14[%dma_wait3A_55, %dma_wait3A_56] : memref<10240x128xf32, #tpu.memory_space<vmem_shared>> -> memref<10240x128xf32, #tpu.memory_space<vmem_shared>>
    tpu.wait_indirect_dma semaphore(%arg17 : memref<!tpu.dma_semaphore, #tpu.memory_space<semaphore_mem>>) src(%arg12 : memref<128x128xf32, #tpu.memory_space<vmem>>) dst(%dma_wait3A_57 : memref<10240x128xf32, #tpu.memory_space<vmem_shared>>)
    %dma_wait3A_58 = arith.constant 0 : i32
    %dma_wait3A_59 = arith.constant 0 : i32
    %dma_wait3A_60 = tpu.memref_slice %arg11[%dma_wait3A_58, %dma_wait3A_59] : memref<40x128xi32, #tpu.memory_space<vmem>> -> memref<1x128xi32, #tpu.memory_space<vmem>>
    %dma_wait3A_61 = tpu.memref_squeeze %dma_wait3A_60 : memref<1x128xi32, #tpu.memory_space<vmem>> -> memref<128xi32, #tpu.memory_space<vmem>>
    %dma_wait3A_62 = arith.constant 0 : i32
    %dma_wait3A_63 = arith.constant 0 : i32
    %dma_wait3A_64 = tpu.memref_slice %arg14[%dma_wait3A_62, %dma_wait3A_63] : memref<10240x128xf32, #tpu.memory_space<vmem_shared>> -> memref<10240x128xf32, #tpu.memory_space<vmem_shared>>
    tpu.wait_indirect_dma semaphore(%arg18 : memref<!tpu.dma_semaphore, #tpu.memory_space<semaphore_mem>>) src(%arg13 : memref<128x128xf32, #tpu.memory_space<vmem>>) dst(%dma_wait3A_64 : memref<10240x128xf32, #tpu.memory_space<vmem_shared>>)
    %mul3A_65 = arith.constant 80 : i32
    %mul3A_66 = arith.muli %arg1, %mul3A_65 : i32
    %add3A_67 = arith.constant 40 : i32
    %add3A_68 = arith.addi %mul3A_66, %add3A_67 : i32
    %run_scoped3A_69 = arith.constant 0 : i32
    "tpu.region"() ({
      %run_scoped3A_342 = tpu.sem_alloc : memref<!tpu.dma_semaphore, #tpu.memory_space<semaphore_mem>>
      %dma_start3A_343 = arith.constant 0 : i32
      %dma_start3A_344 = tpu.memref_slice %arg3[%run_scoped3A_69, %arg0, %add3A_68, %dma_start3A_343] : memref<2x2x1280x128xi32, #tpu.memory_space<hbm>> -> memref<1x1x40x128xi32, #tpu.memory_space<hbm>>
      %dma_start3A_345 = tpu.memref_squeeze %dma_start3A_344 : memref<1x1x40x128xi32, #tpu.memory_space<hbm>> -> memref<40x128xi32, #tpu.memory_space<hbm>>
      %dma_start3A_346 = arith.constant 0 : i32
      %dma_start3A_347 = tpu.memref_slice %arg3[%run_scoped3A_69, %arg0, %add3A_68, %dma_start3A_346] : memref<2x2x1280x128xi32, #tpu.memory_space<hbm>> -> memref<1x1x40x128xi32, #tpu.memory_space<hbm>>
      %dma_start3A_348 = tpu.memref_squeeze %dma_start3A_347 : memref<1x1x40x128xi32, #tpu.memory_space<hbm>> -> memref<40x128xi32, #tpu.memory_space<hbm>>
      tpu.enqueue_dma source(%dma_start3A_348 : memref<40x128xi32, #tpu.memory_space<hbm>>) target(%arg10 : memref<40x128xi32, #tpu.memory_space<vmem>>) target_semaphore(%run_scoped3A_342 : memref<!tpu.dma_semaphore, #tpu.memory_space<semaphore_mem>>)
      %dma_wait3A_349 = arith.constant 0 : i32
      %dma_wait3A_350 = tpu.memref_slice %arg3[%run_scoped3A_69, %arg0, %add3A_68, %dma_wait3A_349] : memref<2x2x1280x128xi32, #tpu.memory_space<hbm>> -> memref<1x1x40x128xi32, #tpu.memory_space<hbm>>
      %dma_wait3A_351 = tpu.memref_squeeze %dma_wait3A_350 : memref<1x1x40x128xi32, #tpu.memory_space<hbm>> -> memref<40x128xi32, #tpu.memory_space<hbm>>
      %dma_wait3A_352 = arith.constant 0 : i32
      %dma_wait3A_353 = tpu.memref_slice %arg3[%run_scoped3A_69, %arg0, %add3A_68, %dma_wait3A_352] : memref<2x2x1280x128xi32, #tpu.memory_space<hbm>> -> memref<1x1x40x128xi32, #tpu.memory_space<hbm>>
      %dma_wait3A_354 = tpu.memref_squeeze %dma_wait3A_353 : memref<1x1x40x128xi32, #tpu.memory_space<hbm>> -> memref<40x128xi32, #tpu.memory_space<hbm>>
      tpu.wait_dma2 semaphore(%run_scoped3A_342 : memref<!tpu.dma_semaphore, #tpu.memory_space<semaphore_mem>>) src(%dma_wait3A_354 : memref<40x128xi32, #tpu.memory_space<hbm>>) dst(%arg10 : memref<40x128xi32, #tpu.memory_space<vmem>>)
      tpu.yield
    }) : () -> ()
    %run_scoped3A_70 = arith.constant 0 : i32
    "tpu.region"() ({
      %run_scoped3A_342 = tpu.sem_alloc : memref<!tpu.dma_semaphore, #tpu.memory_space<semaphore_mem>>
      %dma_start3A_343 = arith.constant 0 : i32
      %dma_start3A_344 = tpu.memref_slice %arg4[%run_scoped3A_70, %add3A_68, %dma_start3A_343] : memref<2x1280x128xi32, #tpu.memory_space<hbm>> -> memref<1x40x128xi32, #tpu.memory_space<hbm>>
      %dma_start3A_345 = tpu.memref_squeeze %dma_start3A_344 : memref<1x40x128xi32, #tpu.memory_space<hbm>> -> memref<40x128xi32, #tpu.memory_space<hbm>>
      %dma_start3A_346 = arith.constant 0 : i32
      %dma_start3A_347 = tpu.memref_slice %arg4[%run_scoped3A_70, %add3A_68, %dma_start3A_346] : memref<2x1280x128xi32, #tpu.memory_space<hbm>> -> memref<1x40x128xi32, #tpu.memory_space<hbm>>
      %dma_start3A_348 = tpu.memref_squeeze %dma_start3A_347 : memref<1x40x128xi32, #tpu.memory_space<hbm>> -> memref<40x128xi32, #tpu.memory_space<hbm>>
      tpu.enqueue_dma source(%dma_start3A_348 : memref<40x128xi32, #tpu.memory_space<hbm>>) target(%arg11 : memref<40x128xi32, #tpu.memory_space<vmem>>) target_semaphore(%run_scoped3A_342 : memref<!tpu.dma_semaphore, #tpu.memory_space<semaphore_mem>>)
      %dma_wait3A_349 = arith.constant 0 : i32
      %dma_wait3A_350 = tpu.memref_slice %arg4[%run_scoped3A_70, %add3A_68, %dma_wait3A_349] : memref<2x1280x128xi32, #tpu.memory_space<hbm>> -> memref<1x40x128xi32, #tpu.memory_space<hbm>>
      %dma_wait3A_351 = tpu.memref_squeeze %dma_wait3A_350 : memref<1x40x128xi32, #tpu.memory_space<hbm>> -> memref<40x128xi32, #tpu.memory_space<hbm>>
      %dma_wait3A_352 = arith.constant 0 : i32
      %dma_wait3A_353 = tpu.memref_slice %arg4[%run_scoped3A_70, %add3A_68, %dma_wait3A_352] : memref<2x1280x128xi32, #tpu.memory_space<hbm>> -> memref<1x40x128xi32, #tpu.memory_space<hbm>>
      %dma_wait3A_354 = tpu.memref_squeeze %dma_wait3A_353 : memref<1x40x128xi32, #tpu.memory_space<hbm>> -> memref<40x128xi32, #tpu.memory_space<hbm>>
      tpu.wait_dma2 semaphore(%run_scoped3A_342 : memref<!tpu.dma_semaphore, #tpu.memory_space<semaphore_mem>>) src(%dma_wait3A_354 : memref<40x128xi32, #tpu.memory_space<hbm>>) dst(%arg11 : memref<40x128xi32, #tpu.memory_space<vmem>>)
      tpu.yield
    }) : () -> ()
    %dma_start3A_71 = arith.constant 0 : i32
    %dma_start3A_72 = arith.constant 0 : i32
    %dma_start3A_73 = arith.constant 0 : i32
    %dma_start3A_74 = tpu.memref_slice %arg10[%dma_start3A_72, %dma_start3A_73] : memref<40x128xi32, #tpu.memory_space<vmem>> -> memref<1x128xi32, #tpu.memory_space<vmem>>
    %dma_start3A_75 = tpu.memref_squeeze %dma_start3A_74 : memref<1x128xi32, #tpu.memory_space<vmem>> -> memref<128xi32, #tpu.memory_space<vmem>>
    %dma_start3A_76 = arith.constant 0 : i32
    %dma_start3A_77 = arith.constant 0 : i32
    %dma_start3A_78 = tpu.memref_slice %arg2[%dma_start3A_71, %dma_start3A_76, %dma_start3A_77] : memref<2x20000x128xf32, #tpu.memory_space<hbm>> -> memref<1x20000x128xf32, #tpu.memory_space<hbm>>
    %dma_start3A_79 = tpu.memref_squeeze %dma_start3A_78 : memref<1x20000x128xf32, #tpu.memory_space<hbm>> -> memref<20000x128xf32, #tpu.memory_space<hbm>>
    %dma_start3A_80 = arith.constant 0 : i32
    %dma_start3A_81 = arith.constant 0 : i32
    %dma_start3A_82 = tpu.memref_slice %dma_start3A_79[%dma_start3A_80, %dma_start3A_81] : memref<20000x128xf32, #tpu.memory_space<hbm>> -> memref<20000x128xf32, #tpu.memory_space<hbm>>
    tpu.enqueue_indirect_dma source(%dma_start3A_82 : memref<20000x128xf32, #tpu.memory_space<hbm>>) target(%arg12 : memref<128x128xf32, #tpu.memory_space<vmem>>) offsets(%dma_start3A_75 : memref<128xi32, #tpu.memory_space<vmem>>) semaphore(%arg15 : memref<!tpu.dma_semaphore, #tpu.memory_space<semaphore_mem>>)
    %dma_start3A_83 = arith.constant 0 : i32
    %dma_start3A_84 = arith.constant 1 : i32
    %dma_start3A_85 = arith.constant 0 : i32
    %dma_start3A_86 = tpu.memref_slice %arg10[%dma_start3A_84, %dma_start3A_85] : memref<40x128xi32, #tpu.memory_space<vmem>> -> memref<1x128xi32, #tpu.memory_space<vmem>>
    %dma_start3A_87 = tpu.memref_squeeze %dma_start3A_86 : memref<1x128xi32, #tpu.memory_space<vmem>> -> memref<128xi32, #tpu.memory_space<vmem>>
    %dma_start3A_88 = arith.constant 0 : i32
    %dma_start3A_89 = arith.constant 0 : i32
    %dma_start3A_90 = tpu.memref_slice %arg2[%dma_start3A_83, %dma_start3A_88, %dma_start3A_89] : memref<2x20000x128xf32, #tpu.memory_space<hbm>> -> memref<1x20000x128xf32, #tpu.memory_space<hbm>>
    %dma_start3A_91 = tpu.memref_squeeze %dma_start3A_90 : memref<1x20000x128xf32, #tpu.memory_space<hbm>> -> memref<20000x128xf32, #tpu.memory_space<hbm>>
    %dma_start3A_92 = arith.constant 0 : i32
    %dma_start3A_93 = arith.constant 0 : i32
    %dma_start3A_94 = tpu.memref_slice %dma_start3A_91[%dma_start3A_92, %dma_start3A_93] : memref<20000x128xf32, #tpu.memory_space<hbm>> -> memref<20000x128xf32, #tpu.memory_space<hbm>>
    tpu.enqueue_indirect_dma source(%dma_start3A_94 : memref<20000x128xf32, #tpu.memory_space<hbm>>) target(%arg13 : memref<128x128xf32, #tpu.memory_space<vmem>>) offsets(%dma_start3A_87 : memref<128xi32, #tpu.memory_space<vmem>>) semaphore(%arg16 : memref<!tpu.dma_semaphore, #tpu.memory_space<semaphore_mem>>)
    %scan3A_95 = arith.constant 0 : i32
    %scan3A_96 = arith.constant 0 : i32
    %scan3A_97 = arith.constant 0 : i32
    %scan3A_98 = arith.constant 20 : i32
    %scan3A_99 = arith.addi %scan3A_97, %scan3A_98 : i32
    %scan3A_100 = arith.constant 1 : i32
    scf.for %scan3A_342 = %scan3A_97 to %scan3A_99 step %scan3A_100  : i32 {
      %mul3A_343 = arith.constant 2 : i32
      %mul3A_344 = arith.muli %scan3A_342, %mul3A_343 : i32
      %dma_wait3A_345 = arith.constant 0 : i32
      %dma_wait3A_346 = arith.constant 0 : i32
      %dma_wait3A_347 = tpu.memref_slice %arg10[%dma_wait3A_345, %dma_wait3A_346] : memref<40x128xi32, #tpu.memory_space<vmem>> -> memref<1x128xi32, #tpu.memory_space<vmem>>
      %dma_wait3A_348 = tpu.memref_squeeze %dma_wait3A_347 : memref<1x128xi32, #tpu.memory_space<vmem>> -> memref<128xi32, #tpu.memory_space<vmem>>
      %dma_wait3A_349 = arith.constant 0 : i32
      %dma_wait3A_350 = arith.constant 0 : i32
      %dma_wait3A_351 = tpu.memref_slice %arg2[%scan3A_96, %dma_wait3A_349, %dma_wait3A_350] : memref<2x20000x128xf32, #tpu.memory_space<hbm>> -> memref<1x20000x128xf32, #tpu.memory_space<hbm>>
      %dma_wait3A_352 = tpu.memref_squeeze %dma_wait3A_351 : memref<1x20000x128xf32, #tpu.memory_space<hbm>> -> memref<20000x128xf32, #tpu.memory_space<hbm>>
      %dma_wait3A_353 = arith.constant 0 : i32
      %dma_wait3A_354 = arith.constant 0 : i32
      %dma_wait3A_355 = tpu.memref_slice %dma_wait3A_352[%dma_wait3A_353, %dma_wait3A_354] : memref<20000x128xf32, #tpu.memory_space<hbm>> -> memref<20000x128xf32, #tpu.memory_space<hbm>>
      tpu.wait_indirect_dma semaphore(%arg15 : memref<!tpu.dma_semaphore, #tpu.memory_space<semaphore_mem>>) src(%dma_wait3A_355 : memref<20000x128xf32, #tpu.memory_space<hbm>>) dst(%arg12 : memref<128x128xf32, #tpu.memory_space<vmem>>)
      %add3A_356 = arith.constant 0 : i32
      %add3A_357 = arith.addi %mul3A_344, %add3A_356 : i32
      %dma_start3A_358 = arith.constant 0 : i32
      %dma_start3A_359 = tpu.memref_slice %arg11[%add3A_357, %dma_start3A_358] : memref<40x128xi32, #tpu.memory_space<vmem>> -> memref<1x128xi32, #tpu.memory_space<vmem>>
      %dma_start3A_360 = tpu.memref_squeeze %dma_start3A_359 : memref<1x128xi32, #tpu.memory_space<vmem>> -> memref<128xi32, #tpu.memory_space<vmem>>
      %dma_start3A_361 = arith.constant 0 : i32
      %dma_start3A_362 = arith.constant 0 : i32
      %dma_start3A_363 = tpu.memref_slice %arg14[%dma_start3A_361, %dma_start3A_362] : memref<10240x128xf32, #tpu.memory_space<vmem_shared>> -> memref<10240x128xf32, #tpu.memory_space<vmem_shared>>
      tpu.enqueue_indirect_dma source(%arg12 : memref<128x128xf32, #tpu.memory_space<vmem>>) target(%dma_start3A_363 : memref<10240x128xf32, #tpu.memory_space<vmem_shared>>) offsets(%dma_start3A_360 : memref<128xi32, #tpu.memory_space<vmem>>) semaphore(%arg17 : memref<!tpu.dma_semaphore, #tpu.memory_space<semaphore_mem>>) {add = true}
      %dma_wait3A_364 = arith.constant 0 : i32
      %dma_wait3A_365 = arith.constant 0 : i32
      %dma_wait3A_366 = tpu.memref_slice %arg10[%dma_wait3A_364, %dma_wait3A_365] : memref<40x128xi32, #tpu.memory_space<vmem>> -> memref<1x128xi32, #tpu.memory_space<vmem>>
      %dma_wait3A_367 = tpu.memref_squeeze %dma_wait3A_366 : memref<1x128xi32, #tpu.memory_space<vmem>> -> memref<128xi32, #tpu.memory_space<vmem>>
      %dma_wait3A_368 = arith.constant 0 : i32
      %dma_wait3A_369 = arith.constant 0 : i32
      %dma_wait3A_370 = tpu.memref_slice %arg2[%scan3A_96, %dma_wait3A_368, %dma_wait3A_369] : memref<2x20000x128xf32, #tpu.memory_space<hbm>> -> memref<1x20000x128xf32, #tpu.memory_space<hbm>>
      %dma_wait3A_371 = tpu.memref_squeeze %dma_wait3A_370 : memref<1x20000x128xf32, #tpu.memory_space<hbm>> -> memref<20000x128xf32, #tpu.memory_space<hbm>>
      %dma_wait3A_372 = arith.constant 0 : i32
      %dma_wait3A_373 = arith.constant 0 : i32
      %dma_wait3A_374 = tpu.memref_slice %dma_wait3A_371[%dma_wait3A_372, %dma_wait3A_373] : memref<20000x128xf32, #tpu.memory_space<hbm>> -> memref<20000x128xf32, #tpu.memory_space<hbm>>
      tpu.wait_indirect_dma semaphore(%arg16 : memref<!tpu.dma_semaphore, #tpu.memory_space<semaphore_mem>>) src(%dma_wait3A_374 : memref<20000x128xf32, #tpu.memory_space<hbm>>) dst(%arg13 : memref<128x128xf32, #tpu.memory_space<vmem>>)
      %add3A_375 = arith.constant 1 : i32
      %add3A_376 = arith.addi %mul3A_344, %add3A_375 : i32
      %dma_start3A_377 = arith.constant 0 : i32
      %dma_start3A_378 = tpu.memref_slice %arg11[%add3A_376, %dma_start3A_377] : memref<40x128xi32, #tpu.memory_space<vmem>> -> memref<1x128xi32, #tpu.memory_space<vmem>>
      %dma_start3A_379 = tpu.memref_squeeze %dma_start3A_378 : memref<1x128xi32, #tpu.memory_space<vmem>> -> memref<128xi32, #tpu.memory_space<vmem>>
      %dma_start3A_380 = arith.constant 0 : i32
      %dma_start3A_381 = arith.constant 0 : i32
      %dma_start3A_382 = tpu.memref_slice %arg14[%dma_start3A_380, %dma_start3A_381] : memref<10240x128xf32, #tpu.memory_space<vmem_shared>> -> memref<10240x128xf32, #tpu.memory_space<vmem_shared>>
      tpu.enqueue_indirect_dma source(%arg13 : memref<128x128xf32, #tpu.memory_space<vmem>>) target(%dma_start3A_382 : memref<10240x128xf32, #tpu.memory_space<vmem_shared>>) offsets(%dma_start3A_379 : memref<128xi32, #tpu.memory_space<vmem>>) semaphore(%arg18 : memref<!tpu.dma_semaphore, #tpu.memory_space<semaphore_mem>>) {add = true}
      %lt3A_383 = arith.constant 19 : i32
      %lt3A_384 = arith.cmpi slt, %scan3A_342, %lt3A_383 : i32
      %convert_element_type3A_385 = arith.extui %lt3A_384 : i1 to i32
      %cond3A_386 = arith.constant 0 : i32
      %cond3A_387 = arith.cmpi ne, %convert_element_type3A_385, %cond3A_386 : i32
      scf.if %cond3A_387 {
        %dma_wait3A_393 = arith.constant 0 : i32
        %dma_wait3A_394 = arith.constant 0 : i32
        %dma_wait3A_395 = tpu.memref_slice %arg11[%dma_wait3A_393, %dma_wait3A_394] : memref<40x128xi32, #tpu.memory_space<vmem>> -> memref<1x128xi32, #tpu.memory_space<vmem>>
        %dma_wait3A_396 = tpu.memref_squeeze %dma_wait3A_395 : memref<1x128xi32, #tpu.memory_space<vmem>> -> memref<128xi32, #tpu.memory_space<vmem>>
        %dma_wait3A_397 = arith.constant 0 : i32
        %dma_wait3A_398 = arith.constant 0 : i32
        %dma_wait3A_399 = tpu.memref_slice %arg14[%dma_wait3A_397, %dma_wait3A_398] : memref<10240x128xf32, #tpu.memory_space<vmem_shared>> -> memref<10240x128xf32, #tpu.memory_space<vmem_shared>>
        tpu.wait_indirect_dma semaphore(%arg17 : memref<!tpu.dma_semaphore, #tpu.memory_space<semaphore_mem>>) src(%arg12 : memref<128x128xf32, #tpu.memory_space<vmem>>) dst(%dma_wait3A_399 : memref<10240x128xf32, #tpu.memory_space<vmem_shared>>)
        %add3A_400 = arith.constant 2 : i32
        %add3A_401 = arith.addi %mul3A_344, %add3A_400 : i32
        %add3A_402 = arith.constant 0 : i32
        %add3A_403 = arith.addi %add3A_401, %add3A_402 : i32
        %dma_start3A_404 = arith.constant 0 : i32
        %dma_start3A_405 = tpu.memref_slice %arg10[%add3A_403, %dma_start3A_404] : memref<40x128xi32, #tpu.memory_space<vmem>> -> memref<1x128xi32, #tpu.memory_space<vmem>>
        %dma_start3A_406 = tpu.memref_squeeze %dma_start3A_405 : memref<1x128xi32, #tpu.memory_space<vmem>> -> memref<128xi32, #tpu.memory_space<vmem>>
        %dma_start3A_407 = arith.constant 0 : i32
        %dma_start3A_408 = arith.constant 0 : i32
        %dma_start3A_409 = tpu.memref_slice %arg2[%scan3A_96, %dma_start3A_407, %dma_start3A_408] : memref<2x20000x128xf32, #tpu.memory_space<hbm>> -> memref<1x20000x128xf32, #tpu.memory_space<hbm>>
        %dma_start3A_410 = tpu.memref_squeeze %dma_start3A_409 : memref<1x20000x128xf32, #tpu.memory_space<hbm>> -> memref<20000x128xf32, #tpu.memory_space<hbm>>
        %dma_start3A_411 = arith.constant 0 : i32
        %dma_start3A_412 = arith.constant 0 : i32
        %dma_start3A_413 = tpu.memref_slice %dma_start3A_410[%dma_start3A_411, %dma_start3A_412] : memref<20000x128xf32, #tpu.memory_space<hbm>> -> memref<20000x128xf32, #tpu.memory_space<hbm>>
        tpu.enqueue_indirect_dma source(%dma_start3A_413 : memref<20000x128xf32, #tpu.memory_space<hbm>>) target(%arg12 : memref<128x128xf32, #tpu.memory_space<vmem>>) offsets(%dma_start3A_406 : memref<128xi32, #tpu.memory_space<vmem>>) semaphore(%arg15 : memref<!tpu.dma_semaphore, #tpu.memory_space<semaphore_mem>>)
      } else {
      }
      %lt3A_388 = arith.constant 19 : i32
      %lt3A_389 = arith.cmpi slt, %scan3A_342, %lt3A_388 : i32
      %convert_element_type3A_390 = arith.extui %lt3A_389 : i1 to i32
      %cond3A_391 = arith.constant 0 : i32
      %cond3A_392 = arith.cmpi ne, %convert_element_type3A_390, %cond3A_391 : i32
      scf.if %cond3A_392 {
        %dma_wait3A_393 = arith.constant 0 : i32
        %dma_wait3A_394 = arith.constant 0 : i32
        %dma_wait3A_395 = tpu.memref_slice %arg11[%dma_wait3A_393, %dma_wait3A_394] : memref<40x128xi32, #tpu.memory_space<vmem>> -> memref<1x128xi32, #tpu.memory_space<vmem>>
        %dma_wait3A_396 = tpu.memref_squeeze %dma_wait3A_395 : memref<1x128xi32, #tpu.memory_space<vmem>> -> memref<128xi32, #tpu.memory_space<vmem>>
        %dma_wait3A_397 = arith.constant 0 : i32
        %dma_wait3A_398 = arith.constant 0 : i32
        %dma_wait3A_399 = tpu.memref_slice %arg14[%dma_wait3A_397, %dma_wait3A_398] : memref<10240x128xf32, #tpu.memory_space<vmem_shared>> -> memref<10240x128xf32, #tpu.memory_space<vmem_shared>>
        tpu.wait_indirect_dma semaphore(%arg18 : memref<!tpu.dma_semaphore, #tpu.memory_space<semaphore_mem>>) src(%arg13 : memref<128x128xf32, #tpu.memory_space<vmem>>) dst(%dma_wait3A_399 : memref<10240x128xf32, #tpu.memory_space<vmem_shared>>)
        %add3A_400 = arith.constant 2 : i32
        %add3A_401 = arith.addi %mul3A_344, %add3A_400 : i32
        %add3A_402 = arith.constant 1 : i32
        %add3A_403 = arith.addi %add3A_401, %add3A_402 : i32
        %dma_start3A_404 = arith.constant 0 : i32
        %dma_start3A_405 = tpu.memref_slice %arg10[%add3A_403, %dma_start3A_404] : memref<40x128xi32, #tpu.memory_space<vmem>> -> memref<1x128xi32, #tpu.memory_space<vmem>>
        %dma_start3A_406 = tpu.memref_squeeze %dma_start3A_405 : memref<1x128xi32, #tpu.memory_space<vmem>> -> memref<128xi32, #tpu.memory_space<vmem>>
        %dma_start3A_407 = arith.constant 0 : i32
        %dma_start3A_408 = arith.constant 0 : i32
        %dma_start3A_409 = tpu.memref_slice %arg2[%scan3A_96, %dma_start3A_407, %dma_start3A_408] : memref<2x20000x128xf32, #tpu.memory_space<hbm>> -> memref<1x20000x128xf32, #tpu.memory_space<hbm>>
        %dma_start3A_410 = tpu.memref_squeeze %dma_start3A_409 : memref<1x20000x128xf32, #tpu.memory_space<hbm>> -> memref<20000x128xf32, #tpu.memory_space<hbm>>
        %dma_start3A_411 = arith.constant 0 : i32
        %dma_start3A_412 = arith.constant 0 : i32
        %dma_start3A_413 = tpu.memref_slice %dma_start3A_410[%dma_start3A_411, %dma_start3A_412] : memref<20000x128xf32, #tpu.memory_space<hbm>> -> memref<20000x128xf32, #tpu.memory_space<hbm>>
        tpu.enqueue_indirect_dma source(%dma_start3A_413 : memref<20000x128xf32, #tpu.memory_space<hbm>>) target(%arg13 : memref<128x128xf32, #tpu.memory_space<vmem>>) offsets(%dma_start3A_406 : memref<128xi32, #tpu.memory_space<vmem>>) semaphore(%arg16 : memref<!tpu.dma_semaphore, #tpu.memory_space<semaphore_mem>>)
      } else {
      }
    }
    %scan3A_101 = arith.constant 20 : i32
    %dma_wait3A_102 = arith.constant 0 : i32
    %dma_wait3A_103 = arith.constant 0 : i32
    %dma_wait3A_104 = tpu.memref_slice %arg11[%dma_wait3A_102, %dma_wait3A_103] : memref<40x128xi32, #tpu.memory_space<vmem>> -> memref<1x128xi32, #tpu.memory_space<vmem>>
    %dma_wait3A_105 = tpu.memref_squeeze %dma_wait3A_104 : memref<1x128xi32, #tpu.memory_space<vmem>> -> memref<128xi32, #tpu.memory_space<vmem>>
    %dma_wait3A_106 = arith.constant 0 : i32
    %dma_wait3A_107 = arith.constant 0 : i32
    %dma_wait3A_108 = tpu.memref_slice %arg14[%dma_wait3A_106, %dma_wait3A_107] : memref<10240x128xf32, #tpu.memory_space<vmem_shared>> -> memref<10240x128xf32, #tpu.memory_space<vmem_shared>>
    tpu.wait_indirect_dma semaphore(%arg17 : memref<!tpu.dma_semaphore, #tpu.memory_space<semaphore_mem>>) src(%arg12 : memref<128x128xf32, #tpu.memory_space<vmem>>) dst(%dma_wait3A_108 : memref<10240x128xf32, #tpu.memory_space<vmem_shared>>)
    %dma_wait3A_109 = arith.constant 0 : i32
    %dma_wait3A_110 = arith.constant 0 : i32
    %dma_wait3A_111 = tpu.memref_slice %arg11[%dma_wait3A_109, %dma_wait3A_110] : memref<40x128xi32, #tpu.memory_space<vmem>> -> memref<1x128xi32, #tpu.memory_space<vmem>>
    %dma_wait3A_112 = tpu.memref_squeeze %dma_wait3A_111 : memref<1x128xi32, #tpu.memory_space<vmem>> -> memref<128xi32, #tpu.memory_space<vmem>>
    %dma_wait3A_113 = arith.constant 0 : i32
    %dma_wait3A_114 = arith.constant 0 : i32
    %dma_wait3A_115 = tpu.memref_slice %arg14[%dma_wait3A_113, %dma_wait3A_114] : memref<10240x128xf32, #tpu.memory_space<vmem_shared>> -> memref<10240x128xf32, #tpu.memory_space<vmem_shared>>
    tpu.wait_indirect_dma semaphore(%arg18 : memref<!tpu.dma_semaphore, #tpu.memory_space<semaphore_mem>>) src(%arg13 : memref<128x128xf32, #tpu.memory_space<vmem>>) dst(%dma_wait3A_115 : memref<10240x128xf32, #tpu.memory_space<vmem_shared>>)
    %barrier3A_116 = arith.constant 0 : index
    tpu.barrier barrier_id(%barrier3A_116)
    %mul3A_117 = arith.constant 640 : i32
    %mul3A_118 = arith.muli %arg1, %mul3A_117 : i32
    %mul3A_119 = arith.constant 640 : i32
    %mul3A_120 = arith.muli %arg1, %mul3A_119 : i32
    %run_scoped3A_121 = arith.constant 0 : i32
    "tpu.region"() ({
      %run_scoped3A_342 = tpu.sem_alloc : memref<!tpu.dma_semaphore, #tpu.memory_space<semaphore_mem>>
      %dma_start3A_343 = arith.constant 0 : i32
      %dma_start3A_344 = tpu.memref_slice %arg8[%run_scoped3A_121, %arg0, %mul3A_120, %dma_start3A_343] : memref<2x2x10240x128xf32, #tpu.memory_space<hbm>> -> memref<1x1x640x128xf32, #tpu.memory_space<hbm>>
      %dma_start3A_345 = tpu.memref_squeeze %dma_start3A_344 : memref<1x1x640x128xf32, #tpu.memory_space<hbm>> -> memref<640x128xf32, #tpu.memory_space<hbm>>
      %dma_start3A_346 = arith.constant 0 : i32
      %dma_start3A_347 = tpu.memref_slice %arg14[%mul3A_118, %dma_start3A_346] : memref<10240x128xf32, #tpu.memory_space<vmem_shared>> -> memref<640x128xf32, #tpu.memory_space<vmem_shared>>
      tpu.enqueue_dma source(%dma_start3A_347 : memref<640x128xf32, #tpu.memory_space<vmem_shared>>) target(%dma_start3A_345 : memref<640x128xf32, #tpu.memory_space<hbm>>) target_semaphore(%run_scoped3A_342 : memref<!tpu.dma_semaphore, #tpu.memory_space<semaphore_mem>>)
      %dma_wait3A_348 = arith.constant 0 : i32
      %dma_wait3A_349 = tpu.memref_slice %arg8[%run_scoped3A_121, %arg0, %mul3A_120, %dma_wait3A_348] : memref<2x2x10240x128xf32, #tpu.memory_space<hbm>> -> memref<1x1x640x128xf32, #tpu.memory_space<hbm>>
      %dma_wait3A_350 = tpu.memref_squeeze %dma_wait3A_349 : memref<1x1x640x128xf32, #tpu.memory_space<hbm>> -> memref<640x128xf32, #tpu.memory_space<hbm>>
      %dma_wait3A_351 = arith.constant 0 : i32
      %dma_wait3A_352 = tpu.memref_slice %arg14[%mul3A_118, %dma_wait3A_351] : memref<10240x128xf32, #tpu.memory_space<vmem_shared>> -> memref<640x128xf32, #tpu.memory_space<vmem_shared>>
      tpu.wait_dma2 semaphore(%run_scoped3A_342 : memref<!tpu.dma_semaphore, #tpu.memory_space<semaphore_mem>>) src(%dma_wait3A_352 : memref<640x128xf32, #tpu.memory_space<vmem_shared>>) dst(%dma_wait3A_350 : memref<640x128xf32, #tpu.memory_space<hbm>>)
      tpu.yield
    }) : () -> ()
    %barrier3A_122 = arith.constant 0 : index
    tpu.barrier barrier_id(%barrier3A_122)
    "tpu.region"() ({
      %run_scoped3A_342 = tpu.sem_alloc : memref<!tpu.dma_semaphore, #tpu.memory_space<semaphore_mem>>
      tpu.enqueue_dma source(%arg6 : memref<128x128xf32, #tpu.memory_space<hbm>>) target(%arg12 : memref<128x128xf32, #tpu.memory_space<vmem>>) target_semaphore(%run_scoped3A_342 : memref<!tpu.dma_semaphore, #tpu.memory_space<semaphore_mem>>)
      tpu.wait_dma2 semaphore(%run_scoped3A_342 : memref<!tpu.dma_semaphore, #tpu.memory_space<semaphore_mem>>) src(%arg6 : memref<128x128xf32, #tpu.memory_space<hbm>>) dst(%arg12 : memref<128x128xf32, #tpu.memory_space<vmem>>)
      tpu.yield
    }) : () -> ()
    %mul3A_123 = arith.constant 640 : i32
    %mul3A_124 = arith.muli %arg1, %mul3A_123 : i32
    %add3A_125 = arith.constant 0 : i32
    %add3A_126 = arith.addi %mul3A_124, %add3A_125 : i32
    "tpu.region"() ({
      %run_scoped3A_342 = tpu.sem_alloc : memref<!tpu.dma_semaphore, #tpu.memory_space<semaphore_mem>>
      %dma_start3A_343 = arith.constant 0 : i32
      %dma_start3A_344 = tpu.memref_slice %arg14[%add3A_126, %dma_start3A_343] : memref<10240x128xf32, #tpu.memory_space<vmem_shared>> -> memref<128x128xf32, #tpu.memory_space<vmem_shared>>
      %dma_start3A_345 = arith.constant 0 : i32
      %dma_start3A_346 = tpu.memref_slice %arg14[%add3A_126, %dma_start3A_345] : memref<10240x128xf32, #tpu.memory_space<vmem_shared>> -> memref<128x128xf32, #tpu.memory_space<vmem_shared>>
      tpu.enqueue_dma source(%arg12 : memref<128x128xf32, #tpu.memory_space<vmem>>) target(%dma_start3A_346 : memref<128x128xf32, #tpu.memory_space<vmem_shared>>) target_semaphore(%run_scoped3A_342 : memref<!tpu.dma_semaphore, #tpu.memory_space<semaphore_mem>>)
      %dma_wait3A_347 = arith.constant 0 : i32
      %dma_wait3A_348 = tpu.memref_slice %arg14[%add3A_126, %dma_wait3A_347] : memref<10240x128xf32, #tpu.memory_space<vmem_shared>> -> memref<128x128xf32, #tpu.memory_space<vmem_shared>>
      %dma_wait3A_349 = arith.constant 0 : i32
      %dma_wait3A_350 = tpu.memref_slice %arg14[%add3A_126, %dma_wait3A_349] : memref<10240x128xf32, #tpu.memory_space<vmem_shared>> -> memref<128x128xf32, #tpu.memory_space<vmem_shared>>
      tpu.wait_dma2 semaphore(%run_scoped3A_342 : memref<!tpu.dma_semaphore, #tpu.memory_space<semaphore_mem>>) src(%arg12 : memref<128x128xf32, #tpu.memory_space<vmem>>) dst(%dma_wait3A_350 : memref<128x128xf32, #tpu.memory_space<vmem_shared>>)
      tpu.yield
    }) : () -> ()
    %mul3A_127 = arith.constant 640 : i32
    %mul3A_128 = arith.muli %arg1, %mul3A_127 : i32
    %add3A_129 = arith.constant 128 : i32
    %add3A_130 = arith.addi %mul3A_128, %add3A_129 : i32
    "tpu.region"() ({
      %run_scoped3A_342 = tpu.sem_alloc : memref<!tpu.dma_semaphore, #tpu.memory_space<semaphore_mem>>
      %dma_start3A_343 = arith.constant 0 : i32
      %dma_start3A_344 = tpu.memref_slice %arg14[%add3A_130, %dma_start3A_343] : memref<10240x128xf32, #tpu.memory_space<vmem_shared>> -> memref<128x128xf32, #tpu.memory_space<vmem_shared>>
      %dma_start3A_345 = arith.constant 0 : i32
      %dma_start3A_346 = tpu.memref_slice %arg14[%add3A_130, %dma_start3A_345] : memref<10240x128xf32, #tpu.memory_space<vmem_shared>> -> memref<128x128xf32, #tpu.memory_space<vmem_shared>>
      tpu.enqueue_dma source(%arg12 : memref<128x128xf32, #tpu.memory_space<vmem>>) target(%dma_start3A_346 : memref<128x128xf32, #tpu.memory_space<vmem_shared>>) target_semaphore(%run_scoped3A_342 : memref<!tpu.dma_semaphore, #tpu.memory_space<semaphore_mem>>)
      %dma_wait3A_347 = arith.constant 0 : i32
      %dma_wait3A_348 = tpu.memref_slice %arg14[%add3A_130, %dma_wait3A_347] : memref<10240x128xf32, #tpu.memory_space<vmem_shared>> -> memref<128x128xf32, #tpu.memory_space<vmem_shared>>
      %dma_wait3A_349 = arith.constant 0 : i32
      %dma_wait3A_350 = tpu.memref_slice %arg14[%add3A_130, %dma_wait3A_349] : memref<10240x128xf32, #tpu.memory_space<vmem_shared>> -> memref<128x128xf32, #tpu.memory_space<vmem_shared>>
      tpu.wait_dma2 semaphore(%run_scoped3A_342 : memref<!tpu.dma_semaphore, #tpu.memory_space<semaphore_mem>>) src(%arg12 : memref<128x128xf32, #tpu.memory_space<vmem>>) dst(%dma_wait3A_350 : memref<128x128xf32, #tpu.memory_space<vmem_shared>>)
      tpu.yield
    }) : () -> ()
    %mul3A_131 = arith.constant 640 : i32
    %mul3A_132 = arith.muli %arg1, %mul3A_131 : i32
    %add3A_133 = arith.constant 256 : i32
    %add3A_134 = arith.addi %mul3A_132, %add3A_133 : i32
    "tpu.region"() ({
      %run_scoped3A_342 = tpu.sem_alloc : memref<!tpu.dma_semaphore, #tpu.memory_space<semaphore_mem>>
      %dma_start3A_343 = arith.constant 0 : i32
      %dma_start3A_344 = tpu.memref_slice %arg14[%add3A_134, %dma_start3A_343] : memref<10240x128xf32, #tpu.memory_space<vmem_shared>> -> memref<128x128xf32, #tpu.memory_space<vmem_shared>>
      %dma_start3A_345 = arith.constant 0 : i32
      %dma_start3A_346 = tpu.memref_slice %arg14[%add3A_134, %dma_start3A_345] : memref<10240x128xf32, #tpu.memory_space<vmem_shared>> -> memref<128x128xf32, #tpu.memory_space<vmem_shared>>
      tpu.enqueue_dma source(%arg12 : memref<128x128xf32, #tpu.memory_space<vmem>>) target(%dma_start3A_346 : memref<128x128xf32, #tpu.memory_space<vmem_shared>>) target_semaphore(%run_scoped3A_342 : memref<!tpu.dma_semaphore, #tpu.memory_space<semaphore_mem>>)
      %dma_wait3A_347 = arith.constant 0 : i32
      %dma_wait3A_348 = tpu.memref_slice %arg14[%add3A_134, %dma_wait3A_347] : memref<10240x128xf32, #tpu.memory_space<vmem_shared>> -> memref<128x128xf32, #tpu.memory_space<vmem_shared>>
      %dma_wait3A_349 = arith.constant 0 : i32
      %dma_wait3A_350 = tpu.memref_slice %arg14[%add3A_134, %dma_wait3A_349] : memref<10240x128xf32, #tpu.memory_space<vmem_shared>> -> memref<128x128xf32, #tpu.memory_space<vmem_shared>>
      tpu.wait_dma2 semaphore(%run_scoped3A_342 : memref<!tpu.dma_semaphore, #tpu.memory_space<semaphore_mem>>) src(%arg12 : memref<128x128xf32, #tpu.memory_space<vmem>>) dst(%dma_wait3A_350 : memref<128x128xf32, #tpu.memory_space<vmem_shared>>)
      tpu.yield
    }) : () -> ()
    %mul3A_135 = arith.constant 640 : i32
    %mul3A_136 = arith.muli %arg1, %mul3A_135 : i32
    %add3A_137 = arith.constant 384 : i32
    %add3A_138 = arith.addi %mul3A_136, %add3A_137 : i32
    "tpu.region"() ({
      %run_scoped3A_342 = tpu.sem_alloc : memref<!tpu.dma_semaphore, #tpu.memory_space<semaphore_mem>>
      %dma_start3A_343 = arith.constant 0 : i32
      %dma_start3A_344 = tpu.memref_slice %arg14[%add3A_138, %dma_start3A_343] : memref<10240x128xf32, #tpu.memory_space<vmem_shared>> -> memref<128x128xf32, #tpu.memory_space<vmem_shared>>
      %dma_start3A_345 = arith.constant 0 : i32
      %dma_start3A_346 = tpu.memref_slice %arg14[%add3A_138, %dma_start3A_345] : memref<10240x128xf32, #tpu.memory_space<vmem_shared>> -> memref<128x128xf32, #tpu.memory_space<vmem_shared>>
      tpu.enqueue_dma source(%arg12 : memref<128x128xf32, #tpu.memory_space<vmem>>) target(%dma_start3A_346 : memref<128x128xf32, #tpu.memory_space<vmem_shared>>) target_semaphore(%run_scoped3A_342 : memref<!tpu.dma_semaphore, #tpu.memory_space<semaphore_mem>>)
      %dma_wait3A_347 = arith.constant 0 : i32
      %dma_wait3A_348 = tpu.memref_slice %arg14[%add3A_138, %dma_wait3A_347] : memref<10240x128xf32, #tpu.memory_space<vmem_shared>> -> memref<128x128xf32, #tpu.memory_space<vmem_shared>>
      %dma_wait3A_349 = arith.constant 0 : i32
      %dma_wait3A_350 = tpu.memref_slice %arg14[%add3A_138, %dma_wait3A_349] : memref<10240x128xf32, #tpu.memory_space<vmem_shared>> -> memref<128x128xf32, #tpu.memory_space<vmem_shared>>
      tpu.wait_dma2 semaphore(%run_scoped3A_342 : memref<!tpu.dma_semaphore, #tpu.memory_space<semaphore_mem>>) src(%arg12 : memref<128x128xf32, #tpu.memory_space<vmem>>) dst(%dma_wait3A_350 : memref<128x128xf32, #tpu.memory_space<vmem_shared>>)
      tpu.yield
    }) : () -> ()
    %mul3A_139 = arith.constant 640 : i32
    %mul3A_140 = arith.muli %arg1, %mul3A_139 : i32
    %add3A_141 = arith.constant 512 : i32
    %add3A_142 = arith.addi %mul3A_140, %add3A_141 : i32
    "tpu.region"() ({
      %run_scoped3A_342 = tpu.sem_alloc : memref<!tpu.dma_semaphore, #tpu.memory_space<semaphore_mem>>
      %dma_start3A_343 = arith.constant 0 : i32
      %dma_start3A_344 = tpu.memref_slice %arg14[%add3A_142, %dma_start3A_343] : memref<10240x128xf32, #tpu.memory_space<vmem_shared>> -> memref<128x128xf32, #tpu.memory_space<vmem_shared>>
      %dma_start3A_345 = arith.constant 0 : i32
      %dma_start3A_346 = tpu.memref_slice %arg14[%add3A_142, %dma_start3A_345] : memref<10240x128xf32, #tpu.memory_space<vmem_shared>> -> memref<128x128xf32, #tpu.memory_space<vmem_shared>>
      tpu.enqueue_dma source(%arg12 : memref<128x128xf32, #tpu.memory_space<vmem>>) target(%dma_start3A_346 : memref<128x128xf32, #tpu.memory_space<vmem_shared>>) target_semaphore(%run_scoped3A_342 : memref<!tpu.dma_semaphore, #tpu.memory_space<semaphore_mem>>)
      %dma_wait3A_347 = arith.constant 0 : i32
      %dma_wait3A_348 = tpu.memref_slice %arg14[%add3A_142, %dma_wait3A_347] : memref<10240x128xf32, #tpu.memory_space<vmem_shared>> -> memref<128x128xf32, #tpu.memory_space<vmem_shared>>
      %dma_wait3A_349 = arith.constant 0 : i32
      %dma_wait3A_350 = tpu.memref_slice %arg14[%add3A_142, %dma_wait3A_349] : memref<10240x128xf32, #tpu.memory_space<vmem_shared>> -> memref<128x128xf32, #tpu.memory_space<vmem_shared>>
      tpu.wait_dma2 semaphore(%run_scoped3A_342 : memref<!tpu.dma_semaphore, #tpu.memory_space<semaphore_mem>>) src(%arg12 : memref<128x128xf32, #tpu.memory_space<vmem>>) dst(%dma_wait3A_350 : memref<128x128xf32, #tpu.memory_space<vmem_shared>>)
      tpu.yield
    }) : () -> ()
    %mul3A_143 = arith.constant 80 : i32
    %mul3A_144 = arith.muli %arg1, %mul3A_143 : i32
    %run_scoped3A_145 = arith.constant 0 : i32
    "tpu.region"() ({
      %run_scoped3A_342 = tpu.sem_alloc : memref<!tpu.dma_semaphore, #tpu.memory_space<semaphore_mem>>
      %dma_start3A_343 = arith.constant 0 : i32
      %dma_start3A_344 = tpu.memref_slice %arg5[%run_scoped3A_145, %arg0, %mul3A_144, %dma_start3A_343] : memref<2x2x1280x128xi32, #tpu.memory_space<hbm>> -> memref<1x1x40x128xi32, #tpu.memory_space<hbm>>
      %dma_start3A_345 = tpu.memref_squeeze %dma_start3A_344 : memref<1x1x40x128xi32, #tpu.memory_space<hbm>> -> memref<40x128xi32, #tpu.memory_space<hbm>>
      %dma_start3A_346 = arith.constant 0 : i32
      %dma_start3A_347 = tpu.memref_slice %arg5[%run_scoped3A_145, %arg0, %mul3A_144, %dma_start3A_346] : memref<2x2x1280x128xi32, #tpu.memory_space<hbm>> -> memref<1x1x40x128xi32, #tpu.memory_space<hbm>>
      %dma_start3A_348 = tpu.memref_squeeze %dma_start3A_347 : memref<1x1x40x128xi32, #tpu.memory_space<hbm>> -> memref<40x128xi32, #tpu.memory_space<hbm>>
      tpu.enqueue_dma source(%dma_start3A_348 : memref<40x128xi32, #tpu.memory_space<hbm>>) target(%arg11 : memref<40x128xi32, #tpu.memory_space<vmem>>) target_semaphore(%run_scoped3A_342 : memref<!tpu.dma_semaphore, #tpu.memory_space<semaphore_mem>>)
      %dma_wait3A_349 = arith.constant 0 : i32
      %dma_wait3A_350 = tpu.memref_slice %arg5[%run_scoped3A_145, %arg0, %mul3A_144, %dma_wait3A_349] : memref<2x2x1280x128xi32, #tpu.memory_space<hbm>> -> memref<1x1x40x128xi32, #tpu.memory_space<hbm>>
      %dma_wait3A_351 = tpu.memref_squeeze %dma_wait3A_350 : memref<1x1x40x128xi32, #tpu.memory_space<hbm>> -> memref<40x128xi32, #tpu.memory_space<hbm>>
      %dma_wait3A_352 = arith.constant 0 : i32
      %dma_wait3A_353 = tpu.memref_slice %arg5[%run_scoped3A_145, %arg0, %mul3A_144, %dma_wait3A_352] : memref<2x2x1280x128xi32, #tpu.memory_space<hbm>> -> memref<1x1x40x128xi32, #tpu.memory_space<hbm>>
      %dma_wait3A_354 = tpu.memref_squeeze %dma_wait3A_353 : memref<1x1x40x128xi32, #tpu.memory_space<hbm>> -> memref<40x128xi32, #tpu.memory_space<hbm>>
      tpu.wait_dma2 semaphore(%run_scoped3A_342 : memref<!tpu.dma_semaphore, #tpu.memory_space<semaphore_mem>>) src(%dma_wait3A_354 : memref<40x128xi32, #tpu.memory_space<hbm>>) dst(%arg11 : memref<40x128xi32, #tpu.memory_space<vmem>>)
      tpu.yield
    }) : () -> ()
    %add3A_146 = arith.constant 40 : i32
    %add3A_147 = arith.addi %mul3A_144, %add3A_146 : i32
    %run_scoped3A_148 = arith.constant 0 : i32
    "tpu.region"() ({
      %run_scoped3A_342 = tpu.sem_alloc : memref<!tpu.dma_semaphore, #tpu.memory_space<semaphore_mem>>
      %dma_start3A_343 = arith.constant 0 : i32
      %dma_start3A_344 = tpu.memref_slice %arg5[%run_scoped3A_148, %arg0, %add3A_147, %dma_start3A_343] : memref<2x2x1280x128xi32, #tpu.memory_space<hbm>> -> memref<1x1x40x128xi32, #tpu.memory_space<hbm>>
      %dma_start3A_345 = tpu.memref_squeeze %dma_start3A_344 : memref<1x1x40x128xi32, #tpu.memory_space<hbm>> -> memref<40x128xi32, #tpu.memory_space<hbm>>
      %dma_start3A_346 = arith.constant 0 : i32
      %dma_start3A_347 = tpu.memref_slice %arg5[%run_scoped3A_148, %arg0, %add3A_147, %dma_start3A_346] : memref<2x2x1280x128xi32, #tpu.memory_space<hbm>> -> memref<1x1x40x128xi32, #tpu.memory_space<hbm>>
      %dma_start3A_348 = tpu.memref_squeeze %dma_start3A_347 : memref<1x1x40x128xi32, #tpu.memory_space<hbm>> -> memref<40x128xi32, #tpu.memory_space<hbm>>
      tpu.enqueue_dma source(%dma_start3A_348 : memref<40x128xi32, #tpu.memory_space<hbm>>) target(%arg10 : memref<40x128xi32, #tpu.memory_space<vmem>>) target_semaphore(%run_scoped3A_342 : memref<!tpu.dma_semaphore, #tpu.memory_space<semaphore_mem>>)
      %dma_wait3A_349 = arith.constant 0 : i32
      %dma_wait3A_350 = tpu.memref_slice %arg5[%run_scoped3A_148, %arg0, %add3A_147, %dma_wait3A_349] : memref<2x2x1280x128xi32, #tpu.memory_space<hbm>> -> memref<1x1x40x128xi32, #tpu.memory_space<hbm>>
      %dma_wait3A_351 = tpu.memref_squeeze %dma_wait3A_350 : memref<1x1x40x128xi32, #tpu.memory_space<hbm>> -> memref<40x128xi32, #tpu.memory_space<hbm>>
      %dma_wait3A_352 = arith.constant 0 : i32
      %dma_wait3A_353 = tpu.memref_slice %arg5[%run_scoped3A_148, %arg0, %add3A_147, %dma_wait3A_352] : memref<2x2x1280x128xi32, #tpu.memory_space<hbm>> -> memref<1x1x40x128xi32, #tpu.memory_space<hbm>>
      %dma_wait3A_354 = tpu.memref_squeeze %dma_wait3A_353 : memref<1x1x40x128xi32, #tpu.memory_space<hbm>> -> memref<40x128xi32, #tpu.memory_space<hbm>>
      tpu.wait_dma2 semaphore(%run_scoped3A_342 : memref<!tpu.dma_semaphore, #tpu.memory_space<semaphore_mem>>) src(%dma_wait3A_354 : memref<40x128xi32, #tpu.memory_space<hbm>>) dst(%arg10 : memref<40x128xi32, #tpu.memory_space<vmem>>)
      tpu.yield
    }) : () -> ()
    %barrier3A_149 = arith.constant 0 : index
    tpu.barrier barrier_id(%barrier3A_149)
    "tpu.region"() ({
      %run_scoped3A_342 = tpu.sem_alloc : memref<!tpu.dma_semaphore, #tpu.memory_space<semaphore_mem>>
      tpu.enqueue_dma source(%arg7 : memref<128x128xf32, #tpu.memory_space<hbm>>) target(%arg12 : memref<128x128xf32, #tpu.memory_space<vmem>>) target_semaphore(%run_scoped3A_342 : memref<!tpu.dma_semaphore, #tpu.memory_space<semaphore_mem>>)
      tpu.wait_dma2 semaphore(%run_scoped3A_342 : memref<!tpu.dma_semaphore, #tpu.memory_space<semaphore_mem>>) src(%arg7 : memref<128x128xf32, #tpu.memory_space<hbm>>) dst(%arg12 : memref<128x128xf32, #tpu.memory_space<vmem>>)
      tpu.yield
    }) : () -> ()
    %scan3A_150 = arith.constant 0 : i32
    %scan3A_151 = arith.constant 0 : i32
    %scan3A_152 = arith.constant 40 : i32
    %scan3A_153 = arith.addi %scan3A_151, %scan3A_152 : i32
    %scan3A_154 = arith.constant 1 : i32
    scf.for %scan3A_342 = %scan3A_151 to %scan3A_153 step %scan3A_154  : i32 {
      %dma_start3A_343 = arith.constant 0 : i32
      %dma_start3A_344 = tpu.memref_slice %arg11[%scan3A_342, %dma_start3A_343] : memref<40x128xi32, #tpu.memory_space<vmem>> -> memref<1x128xi32, #tpu.memory_space<vmem>>
      %dma_start3A_345 = tpu.memref_squeeze %dma_start3A_344 : memref<1x128xi32, #tpu.memory_space<vmem>> -> memref<128xi32, #tpu.memory_space<vmem>>
      %dma_start3A_346 = arith.constant 0 : i32
      %dma_start3A_347 = arith.constant 0 : i32
      %dma_start3A_348 = tpu.memref_slice %arg14[%dma_start3A_346, %dma_start3A_347] : memref<10240x128xf32, #tpu.memory_space<vmem_shared>> -> memref<10240x128xf32, #tpu.memory_space<vmem_shared>>
      tpu.enqueue_indirect_dma source(%arg12 : memref<128x128xf32, #tpu.memory_space<vmem>>) target(%dma_start3A_348 : memref<10240x128xf32, #tpu.memory_space<vmem_shared>>) offsets(%dma_start3A_345 : memref<128xi32, #tpu.memory_space<vmem>>) semaphore(%arg17 : memref<!tpu.dma_semaphore, #tpu.memory_space<semaphore_mem>>) {add = true}
      %dma_start3A_349 = arith.constant 0 : i32
      %dma_start3A_350 = tpu.memref_slice %arg10[%scan3A_342, %dma_start3A_349] : memref<40x128xi32, #tpu.memory_space<vmem>> -> memref<1x128xi32, #tpu.memory_space<vmem>>
      %dma_start3A_351 = tpu.memref_squeeze %dma_start3A_350 : memref<1x128xi32, #tpu.memory_space<vmem>> -> memref<128xi32, #tpu.memory_space<vmem>>
      %dma_start3A_352 = arith.constant 0 : i32
      %dma_start3A_353 = arith.constant 0 : i32
      %dma_start3A_354 = tpu.memref_slice %arg14[%dma_start3A_352, %dma_start3A_353] : memref<10240x128xf32, #tpu.memory_space<vmem_shared>> -> memref<10240x128xf32, #tpu.memory_space<vmem_shared>>
      tpu.enqueue_indirect_dma source(%arg12 : memref<128x128xf32, #tpu.memory_space<vmem>>) target(%dma_start3A_354 : memref<10240x128xf32, #tpu.memory_space<vmem_shared>>) offsets(%dma_start3A_351 : memref<128xi32, #tpu.memory_space<vmem>>) semaphore(%arg17 : memref<!tpu.dma_semaphore, #tpu.memory_space<semaphore_mem>>) {add = true}
    }
    %scan3A_155 = arith.constant 40 : i32
    %scan3A_156 = arith.constant 0 : i32
    %scan3A_157 = arith.constant 0 : i32
    %scan3A_158 = arith.constant 40 : i32
    %scan3A_159 = arith.addi %scan3A_157, %scan3A_158 : i32
    %scan3A_160 = arith.constant 1 : i32
    scf.for %scan3A_342 = %scan3A_157 to %scan3A_159 step %scan3A_160  : i32 {
      %dma_wait3A_343 = arith.constant 0 : i32
      %dma_wait3A_344 = arith.constant 0 : i32
      %dma_wait3A_345 = tpu.memref_slice %arg11[%dma_wait3A_343, %dma_wait3A_344] : memref<40x128xi32, #tpu.memory_space<vmem>> -> memref<1x128xi32, #tpu.memory_space<vmem>>
      %dma_wait3A_346 = tpu.memref_squeeze %dma_wait3A_345 : memref<1x128xi32, #tpu.memory_space<vmem>> -> memref<128xi32, #tpu.memory_space<vmem>>
      %dma_wait3A_347 = arith.constant 0 : i32
      %dma_wait3A_348 = arith.constant 0 : i32
      %dma_wait3A_349 = tpu.memref_slice %arg14[%dma_wait3A_347, %dma_wait3A_348] : memref<10240x128xf32, #tpu.memory_space<vmem_shared>> -> memref<10240x128xf32, #tpu.memory_space<vmem_shared>>
      tpu.wait_indirect_dma semaphore(%arg17 : memref<!tpu.dma_semaphore, #tpu.memory_space<semaphore_mem>>) src(%arg12 : memref<128x128xf32, #tpu.memory_space<vmem>>) dst(%dma_wait3A_349 : memref<10240x128xf32, #tpu.memory_space<vmem_shared>>)
      %dma_wait3A_350 = arith.constant 0 : i32
      %dma_wait3A_351 = arith.constant 0 : i32
      %dma_wait3A_352 = tpu.memref_slice %arg10[%dma_wait3A_350, %dma_wait3A_351] : memref<40x128xi32, #tpu.memory_space<vmem>> -> memref<1x128xi32, #tpu.memory_space<vmem>>
      %dma_wait3A_353 = tpu.memref_squeeze %dma_wait3A_352 : memref<1x128xi32, #tpu.memory_space<vmem>> -> memref<128xi32, #tpu.memory_space<vmem>>
      %dma_wait3A_354 = arith.constant 0 : i32
      %dma_wait3A_355 = arith.constant 0 : i32
      %dma_wait3A_356 = tpu.memref_slice %arg14[%dma_wait3A_354, %dma_wait3A_355] : memref<10240x128xf32, #tpu.memory_space<vmem_shared>> -> memref<10240x128xf32, #tpu.memory_space<vmem_shared>>
      tpu.wait_indirect_dma semaphore(%arg17 : memref<!tpu.dma_semaphore, #tpu.memory_space<semaphore_mem>>) src(%arg12 : memref<128x128xf32, #tpu.memory_space<vmem>>) dst(%dma_wait3A_356 : memref<10240x128xf32, #tpu.memory_space<vmem_shared>>)
    }
    %scan3A_161 = arith.constant 40 : i32
    %barrier3A_162 = arith.constant 0 : index
    tpu.barrier barrier_id(%barrier3A_162)
    %lt3A = arith.constant 8 : i32
    %lt3A_163 = arith.cmpi slt, %arg1, %lt3A : i32
    %convert_element_type3A = arith.extui %lt3A_163 : i1 to i32
    %cond3A = arith.constant 0 : i32
    %cond3A_164 = arith.cmpi ne, %convert_element_type3A, %cond3A : i32
    scf.if %cond3A_164 {
      %mul3A_342 = arith.constant 640 : i32
      %mul3A_343 = arith.muli %arg1, %mul3A_342 : i32
      %mul3A_344 = arith.constant 5120 : i32
      %mul3A_345 = arith.muli %arg0, %mul3A_344 : i32
      %mul3A_346 = arith.constant 640 : i32
      %mul3A_347 = arith.muli %arg1, %mul3A_346 : i32
      %add3A_348 = arith.addi %mul3A_345, %mul3A_347 : i32
      %run_scoped3A_349 = arith.constant 0 : i32
      "tpu.region"() ({
        %run_scoped3A_350 = tpu.sem_alloc : memref<!tpu.dma_semaphore, #tpu.memory_space<semaphore_mem>>
        %dma_start3A_351 = arith.constant 0 : i32
        %dma_start3A_352 = tpu.memref_slice %arg9[%run_scoped3A_349, %add3A_348, %dma_start3A_351] : memref<2x10240x128xf32, #tpu.memory_space<hbm>> -> memref<1x640x128xf32, #tpu.memory_space<hbm>>
        %dma_start3A_353 = tpu.memref_squeeze %dma_start3A_352 : memref<1x640x128xf32, #tpu.memory_space<hbm>> -> memref<640x128xf32, #tpu.memory_space<hbm>>
        %dma_start3A_354 = arith.constant 0 : i32
        %dma_start3A_355 = tpu.memref_slice %arg14[%mul3A_343, %dma_start3A_354] : memref<10240x128xf32, #tpu.memory_space<vmem_shared>> -> memref<640x128xf32, #tpu.memory_space<vmem_shared>>
        tpu.enqueue_dma source(%dma_start3A_355 : memref<640x128xf32, #tpu.memory_space<vmem_shared>>) target(%dma_start3A_353 : memref<640x128xf32, #tpu.memory_space<hbm>>) target_semaphore(%run_scoped3A_350 : memref<!tpu.dma_semaphore, #tpu.memory_space<semaphore_mem>>)
        %dma_wait3A_356 = arith.constant 0 : i32
        %dma_wait3A_357 = tpu.memref_slice %arg9[%run_scoped3A_349, %add3A_348, %dma_wait3A_356] : memref<2x10240x128xf32, #tpu.memory_space<hbm>> -> memref<1x640x128xf32, #tpu.memory_space<hbm>>
        %dma_wait3A_358 = tpu.memref_squeeze %dma_wait3A_357 : memref<1x640x128xf32, #tpu.memory_space<hbm>> -> memref<640x128xf32, #tpu.memory_space<hbm>>
        %dma_wait3A_359 = arith.constant 0 : i32
        %dma_wait3A_360 = tpu.memref_slice %arg14[%mul3A_343, %dma_wait3A_359] : memref<10240x128xf32, #tpu.memory_space<vmem_shared>> -> memref<640x128xf32, #tpu.memory_space<vmem_shared>>
        tpu.wait_dma2 semaphore(%run_scoped3A_350 : memref<!tpu.dma_semaphore, #tpu.memory_space<semaphore_mem>>) src(%dma_wait3A_360 : memref<640x128xf32, #tpu.memory_space<vmem_shared>>) dst(%dma_wait3A_358 : memref<640x128xf32, #tpu.memory_space<hbm>>)
        tpu.yield
      }) : () -> ()
    } else {
    }
    %barrier3A_165 = arith.constant 0 : index
    tpu.barrier barrier_id(%barrier3A_165)
    "tpu.region"() ({
      %run_scoped3A_342 = tpu.sem_alloc : memref<!tpu.dma_semaphore, #tpu.memory_space<semaphore_mem>>
      tpu.enqueue_dma source(%arg6 : memref<128x128xf32, #tpu.memory_space<hbm>>) target(%arg12 : memref<128x128xf32, #tpu.memory_space<vmem>>) target_semaphore(%run_scoped3A_342 : memref<!tpu.dma_semaphore, #tpu.memory_space<semaphore_mem>>)
      tpu.wait_dma2 semaphore(%run_scoped3A_342 : memref<!tpu.dma_semaphore, #tpu.memory_space<semaphore_mem>>) src(%arg6 : memref<128x128xf32, #tpu.memory_space<hbm>>) dst(%arg12 : memref<128x128xf32, #tpu.memory_space<vmem>>)
      tpu.yield
    }) : () -> ()
    %mul3A_166 = arith.constant 640 : i32
    %mul3A_167 = arith.muli %arg1, %mul3A_166 : i32
    %add3A_168 = arith.constant 0 : i32
    %add3A_169 = arith.addi %mul3A_167, %add3A_168 : i32
    "tpu.region"() ({
      %run_scoped3A_342 = tpu.sem_alloc : memref<!tpu.dma_semaphore, #tpu.memory_space<semaphore_mem>>
      %dma_start3A_343 = arith.constant 0 : i32
      %dma_start3A_344 = tpu.memref_slice %arg14[%add3A_169, %dma_start3A_343] : memref<10240x128xf32, #tpu.memory_space<vmem_shared>> -> memref<128x128xf32, #tpu.memory_space<vmem_shared>>
      %dma_start3A_345 = arith.constant 0 : i32
      %dma_start3A_346 = tpu.memref_slice %arg14[%add3A_169, %dma_start3A_345] : memref<10240x128xf32, #tpu.memory_space<vmem_shared>> -> memref<128x128xf32, #tpu.memory_space<vmem_shared>>
      tpu.enqueue_dma source(%arg12 : memref<128x128xf32, #tpu.memory_space<vmem>>) target(%dma_start3A_346 : memref<128x128xf32, #tpu.memory_space<vmem_shared>>) target_semaphore(%run_scoped3A_342 : memref<!tpu.dma_semaphore, #tpu.memory_space<semaphore_mem>>)
      %dma_wait3A_347 = arith.constant 0 : i32
      %dma_wait3A_348 = tpu.memref_slice %arg14[%add3A_169, %dma_wait3A_347] : memref<10240x128xf32, #tpu.memory_space<vmem_shared>> -> memref<128x128xf32, #tpu.memory_space<vmem_shared>>
      %dma_wait3A_349 = arith.constant 0 : i32
      %dma_wait3A_350 = tpu.memref_slice %arg14[%add3A_169, %dma_wait3A_349] : memref<10240x128xf32, #tpu.memory_space<vmem_shared>> -> memref<128x128xf32, #tpu.memory_space<vmem_shared>>
      tpu.wait_dma2 semaphore(%run_scoped3A_342 : memref<!tpu.dma_semaphore, #tpu.memory_space<semaphore_mem>>) src(%arg12 : memref<128x128xf32, #tpu.memory_space<vmem>>) dst(%dma_wait3A_350 : memref<128x128xf32, #tpu.memory_space<vmem_shared>>)
      tpu.yield
    }) : () -> ()
    %mul3A_170 = arith.constant 640 : i32
    %mul3A_171 = arith.muli %arg1, %mul3A_170 : i32
    %add3A_172 = arith.constant 128 : i32
    %add3A_173 = arith.addi %mul3A_171, %add3A_172 : i32
    "tpu.region"() ({
      %run_scoped3A_342 = tpu.sem_alloc : memref<!tpu.dma_semaphore, #tpu.memory_space<semaphore_mem>>
      %dma_start3A_343 = arith.constant 0 : i32
      %dma_start3A_344 = tpu.memref_slice %arg14[%add3A_173, %dma_start3A_343] : memref<10240x128xf32, #tpu.memory_space<vmem_shared>> -> memref<128x128xf32, #tpu.memory_space<vmem_shared>>
      %dma_start3A_345 = arith.constant 0 : i32
      %dma_start3A_346 = tpu.memref_slice %arg14[%add3A_173, %dma_start3A_345] : memref<10240x128xf32, #tpu.memory_space<vmem_shared>> -> memref<128x128xf32, #tpu.memory_space<vmem_shared>>
      tpu.enqueue_dma source(%arg12 : memref<128x128xf32, #tpu.memory_space<vmem>>) target(%dma_start3A_346 : memref<128x128xf32, #tpu.memory_space<vmem_shared>>) target_semaphore(%run_scoped3A_342 : memref<!tpu.dma_semaphore, #tpu.memory_space<semaphore_mem>>)
      %dma_wait3A_347 = arith.constant 0 : i32
      %dma_wait3A_348 = tpu.memref_slice %arg14[%add3A_173, %dma_wait3A_347] : memref<10240x128xf32, #tpu.memory_space<vmem_shared>> -> memref<128x128xf32, #tpu.memory_space<vmem_shared>>
      %dma_wait3A_349 = arith.constant 0 : i32
      %dma_wait3A_350 = tpu.memref_slice %arg14[%add3A_173, %dma_wait3A_349] : memref<10240x128xf32, #tpu.memory_space<vmem_shared>> -> memref<128x128xf32, #tpu.memory_space<vmem_shared>>
      tpu.wait_dma2 semaphore(%run_scoped3A_342 : memref<!tpu.dma_semaphore, #tpu.memory_space<semaphore_mem>>) src(%arg12 : memref<128x128xf32, #tpu.memory_space<vmem>>) dst(%dma_wait3A_350 : memref<128x128xf32, #tpu.memory_space<vmem_shared>>)
      tpu.yield
    }) : () -> ()
    %mul3A_174 = arith.constant 640 : i32
    %mul3A_175 = arith.muli %arg1, %mul3A_174 : i32
    %add3A_176 = arith.constant 256 : i32
    %add3A_177 = arith.addi %mul3A_175, %add3A_176 : i32
    "tpu.region"() ({
      %run_scoped3A_342 = tpu.sem_alloc : memref<!tpu.dma_semaphore, #tpu.memory_space<semaphore_mem>>
      %dma_start3A_343 = arith.constant 0 : i32
      %dma_start3A_344 = tpu.memref_slice %arg14[%add3A_177, %dma_start3A_343] : memref<10240x128xf32, #tpu.memory_space<vmem_shared>> -> memref<128x128xf32, #tpu.memory_space<vmem_shared>>
      %dma_start3A_345 = arith.constant 0 : i32
      %dma_start3A_346 = tpu.memref_slice %arg14[%add3A_177, %dma_start3A_345] : memref<10240x128xf32, #tpu.memory_space<vmem_shared>> -> memref<128x128xf32, #tpu.memory_space<vmem_shared>>
      tpu.enqueue_dma source(%arg12 : memref<128x128xf32, #tpu.memory_space<vmem>>) target(%dma_start3A_346 : memref<128x128xf32, #tpu.memory_space<vmem_shared>>) target_semaphore(%run_scoped3A_342 : memref<!tpu.dma_semaphore, #tpu.memory_space<semaphore_mem>>)
      %dma_wait3A_347 = arith.constant 0 : i32
      %dma_wait3A_348 = tpu.memref_slice %arg14[%add3A_177, %dma_wait3A_347] : memref<10240x128xf32, #tpu.memory_space<vmem_shared>> -> memref<128x128xf32, #tpu.memory_space<vmem_shared>>
      %dma_wait3A_349 = arith.constant 0 : i32
      %dma_wait3A_350 = tpu.memref_slice %arg14[%add3A_177, %dma_wait3A_349] : memref<10240x128xf32, #tpu.memory_space<vmem_shared>> -> memref<128x128xf32, #tpu.memory_space<vmem_shared>>
      tpu.wait_dma2 semaphore(%run_scoped3A_342 : memref<!tpu.dma_semaphore, #tpu.memory_space<semaphore_mem>>) src(%arg12 : memref<128x128xf32, #tpu.memory_space<vmem>>) dst(%dma_wait3A_350 : memref<128x128xf32, #tpu.memory_space<vmem_shared>>)
      tpu.yield
    }) : () -> ()
    %mul3A_178 = arith.constant 640 : i32
    %mul3A_179 = arith.muli %arg1, %mul3A_178 : i32
    %add3A_180 = arith.constant 384 : i32
    %add3A_181 = arith.addi %mul3A_179, %add3A_180 : i32
    "tpu.region"() ({
      %run_scoped3A_342 = tpu.sem_alloc : memref<!tpu.dma_semaphore, #tpu.memory_space<semaphore_mem>>
      %dma_start3A_343 = arith.constant 0 : i32
      %dma_start3A_344 = tpu.memref_slice %arg14[%add3A_181, %dma_start3A_343] : memref<10240x128xf32, #tpu.memory_space<vmem_shared>> -> memref<128x128xf32, #tpu.memory_space<vmem_shared>>
      %dma_start3A_345 = arith.constant 0 : i32
      %dma_start3A_346 = tpu.memref_slice %arg14[%add3A_181, %dma_start3A_345] : memref<10240x128xf32, #tpu.memory_space<vmem_shared>> -> memref<128x128xf32, #tpu.memory_space<vmem_shared>>
      tpu.enqueue_dma source(%arg12 : memref<128x128xf32, #tpu.memory_space<vmem>>) target(%dma_start3A_346 : memref<128x128xf32, #tpu.memory_space<vmem_shared>>) target_semaphore(%run_scoped3A_342 : memref<!tpu.dma_semaphore, #tpu.memory_space<semaphore_mem>>)
      %dma_wait3A_347 = arith.constant 0 : i32
      %dma_wait3A_348 = tpu.memref_slice %arg14[%add3A_181, %dma_wait3A_347] : memref<10240x128xf32, #tpu.memory_space<vmem_shared>> -> memref<128x128xf32, #tpu.memory_space<vmem_shared>>
      %dma_wait3A_349 = arith.constant 0 : i32
      %dma_wait3A_350 = tpu.memref_slice %arg14[%add3A_181, %dma_wait3A_349] : memref<10240x128xf32, #tpu.memory_space<vmem_shared>> -> memref<128x128xf32, #tpu.memory_space<vmem_shared>>
      tpu.wait_dma2 semaphore(%run_scoped3A_342 : memref<!tpu.dma_semaphore, #tpu.memory_space<semaphore_mem>>) src(%arg12 : memref<128x128xf32, #tpu.memory_space<vmem>>) dst(%dma_wait3A_350 : memref<128x128xf32, #tpu.memory_space<vmem_shared>>)
      tpu.yield
    }) : () -> ()
    %mul3A_182 = arith.constant 640 : i32
    %mul3A_183 = arith.muli %arg1, %mul3A_182 : i32
    %add3A_184 = arith.constant 512 : i32
    %add3A_185 = arith.addi %mul3A_183, %add3A_184 : i32
    "tpu.region"() ({
      %run_scoped3A_342 = tpu.sem_alloc : memref<!tpu.dma_semaphore, #tpu.memory_space<semaphore_mem>>
      %dma_start3A_343 = arith.constant 0 : i32
      %dma_start3A_344 = tpu.memref_slice %arg14[%add3A_185, %dma_start3A_343] : memref<10240x128xf32, #tpu.memory_space<vmem_shared>> -> memref<128x128xf32, #tpu.memory_space<vmem_shared>>
      %dma_start3A_345 = arith.constant 0 : i32
      %dma_start3A_346 = tpu.memref_slice %arg14[%add3A_185, %dma_start3A_345] : memref<10240x128xf32, #tpu.memory_space<vmem_shared>> -> memref<128x128xf32, #tpu.memory_space<vmem_shared>>
      tpu.enqueue_dma source(%arg12 : memref<128x128xf32, #tpu.memory_space<vmem>>) target(%dma_start3A_346 : memref<128x128xf32, #tpu.memory_space<vmem_shared>>) target_semaphore(%run_scoped3A_342 : memref<!tpu.dma_semaphore, #tpu.memory_space<semaphore_mem>>)
      %dma_wait3A_347 = arith.constant 0 : i32
      %dma_wait3A_348 = tpu.memref_slice %arg14[%add3A_185, %dma_wait3A_347] : memref<10240x128xf32, #tpu.memory_space<vmem_shared>> -> memref<128x128xf32, #tpu.memory_space<vmem_shared>>
      %dma_wait3A_349 = arith.constant 0 : i32
      %dma_wait3A_350 = tpu.memref_slice %arg14[%add3A_185, %dma_wait3A_349] : memref<10240x128xf32, #tpu.memory_space<vmem_shared>> -> memref<128x128xf32, #tpu.memory_space<vmem_shared>>
      tpu.wait_dma2 semaphore(%run_scoped3A_342 : memref<!tpu.dma_semaphore, #tpu.memory_space<semaphore_mem>>) src(%arg12 : memref<128x128xf32, #tpu.memory_space<vmem>>) dst(%dma_wait3A_350 : memref<128x128xf32, #tpu.memory_space<vmem_shared>>)
      tpu.yield
    }) : () -> ()
    %barrier3A_186 = arith.constant 0 : index
    tpu.barrier barrier_id(%barrier3A_186)
    %mul3A_187 = arith.constant 80 : i32
    %mul3A_188 = arith.muli %arg1, %mul3A_187 : i32
    %add3A_189 = arith.constant 0 : i32
    %add3A_190 = arith.addi %mul3A_188, %add3A_189 : i32
    %run_scoped3A_191 = arith.constant 1 : i32
    "tpu.region"() ({
      %run_scoped3A_342 = tpu.sem_alloc : memref<!tpu.dma_semaphore, #tpu.memory_space<semaphore_mem>>
      %dma_start3A_343 = arith.constant 0 : i32
      %dma_start3A_344 = tpu.memref_slice %arg3[%run_scoped3A_191, %arg0, %add3A_190, %dma_start3A_343] : memref<2x2x1280x128xi32, #tpu.memory_space<hbm>> -> memref<1x1x40x128xi32, #tpu.memory_space<hbm>>
      %dma_start3A_345 = tpu.memref_squeeze %dma_start3A_344 : memref<1x1x40x128xi32, #tpu.memory_space<hbm>> -> memref<40x128xi32, #tpu.memory_space<hbm>>
      %dma_start3A_346 = arith.constant 0 : i32
      %dma_start3A_347 = tpu.memref_slice %arg3[%run_scoped3A_191, %arg0, %add3A_190, %dma_start3A_346] : memref<2x2x1280x128xi32, #tpu.memory_space<hbm>> -> memref<1x1x40x128xi32, #tpu.memory_space<hbm>>
      %dma_start3A_348 = tpu.memref_squeeze %dma_start3A_347 : memref<1x1x40x128xi32, #tpu.memory_space<hbm>> -> memref<40x128xi32, #tpu.memory_space<hbm>>
      tpu.enqueue_dma source(%dma_start3A_348 : memref<40x128xi32, #tpu.memory_space<hbm>>) target(%arg10 : memref<40x128xi32, #tpu.memory_space<vmem>>) target_semaphore(%run_scoped3A_342 : memref<!tpu.dma_semaphore, #tpu.memory_space<semaphore_mem>>)
      %dma_wait3A_349 = arith.constant 0 : i32
      %dma_wait3A_350 = tpu.memref_slice %arg3[%run_scoped3A_191, %arg0, %add3A_190, %dma_wait3A_349] : memref<2x2x1280x128xi32, #tpu.memory_space<hbm>> -> memref<1x1x40x128xi32, #tpu.memory_space<hbm>>
      %dma_wait3A_351 = tpu.memref_squeeze %dma_wait3A_350 : memref<1x1x40x128xi32, #tpu.memory_space<hbm>> -> memref<40x128xi32, #tpu.memory_space<hbm>>
      %dma_wait3A_352 = arith.constant 0 : i32
      %dma_wait3A_353 = tpu.memref_slice %arg3[%run_scoped3A_191, %arg0, %add3A_190, %dma_wait3A_352] : memref<2x2x1280x128xi32, #tpu.memory_space<hbm>> -> memref<1x1x40x128xi32, #tpu.memory_space<hbm>>
      %dma_wait3A_354 = tpu.memref_squeeze %dma_wait3A_353 : memref<1x1x40x128xi32, #tpu.memory_space<hbm>> -> memref<40x128xi32, #tpu.memory_space<hbm>>
      tpu.wait_dma2 semaphore(%run_scoped3A_342 : memref<!tpu.dma_semaphore, #tpu.memory_space<semaphore_mem>>) src(%dma_wait3A_354 : memref<40x128xi32, #tpu.memory_space<hbm>>) dst(%arg10 : memref<40x128xi32, #tpu.memory_space<vmem>>)
      tpu.yield
    }) : () -> ()
    %run_scoped3A_192 = arith.constant 1 : i32
    "tpu.region"() ({
      %run_scoped3A_342 = tpu.sem_alloc : memref<!tpu.dma_semaphore, #tpu.memory_space<semaphore_mem>>
      %dma_start3A_343 = arith.constant 0 : i32
      %dma_start3A_344 = tpu.memref_slice %arg4[%run_scoped3A_192, %add3A_190, %dma_start3A_343] : memref<2x1280x128xi32, #tpu.memory_space<hbm>> -> memref<1x40x128xi32, #tpu.memory_space<hbm>>
      %dma_start3A_345 = tpu.memref_squeeze %dma_start3A_344 : memref<1x40x128xi32, #tpu.memory_space<hbm>> -> memref<40x128xi32, #tpu.memory_space<hbm>>
      %dma_start3A_346 = arith.constant 0 : i32
      %dma_start3A_347 = tpu.memref_slice %arg4[%run_scoped3A_192, %add3A_190, %dma_start3A_346] : memref<2x1280x128xi32, #tpu.memory_space<hbm>> -> memref<1x40x128xi32, #tpu.memory_space<hbm>>
      %dma_start3A_348 = tpu.memref_squeeze %dma_start3A_347 : memref<1x40x128xi32, #tpu.memory_space<hbm>> -> memref<40x128xi32, #tpu.memory_space<hbm>>
      tpu.enqueue_dma source(%dma_start3A_348 : memref<40x128xi32, #tpu.memory_space<hbm>>) target(%arg11 : memref<40x128xi32, #tpu.memory_space<vmem>>) target_semaphore(%run_scoped3A_342 : memref<!tpu.dma_semaphore, #tpu.memory_space<semaphore_mem>>)
      %dma_wait3A_349 = arith.constant 0 : i32
      %dma_wait3A_350 = tpu.memref_slice %arg4[%run_scoped3A_192, %add3A_190, %dma_wait3A_349] : memref<2x1280x128xi32, #tpu.memory_space<hbm>> -> memref<1x40x128xi32, #tpu.memory_space<hbm>>
      %dma_wait3A_351 = tpu.memref_squeeze %dma_wait3A_350 : memref<1x40x128xi32, #tpu.memory_space<hbm>> -> memref<40x128xi32, #tpu.memory_space<hbm>>
      %dma_wait3A_352 = arith.constant 0 : i32
      %dma_wait3A_353 = tpu.memref_slice %arg4[%run_scoped3A_192, %add3A_190, %dma_wait3A_352] : memref<2x1280x128xi32, #tpu.memory_space<hbm>> -> memref<1x40x128xi32, #tpu.memory_space<hbm>>
      %dma_wait3A_354 = tpu.memref_squeeze %dma_wait3A_353 : memref<1x40x128xi32, #tpu.memory_space<hbm>> -> memref<40x128xi32, #tpu.memory_space<hbm>>
      tpu.wait_dma2 semaphore(%run_scoped3A_342 : memref<!tpu.dma_semaphore, #tpu.memory_space<semaphore_mem>>) src(%dma_wait3A_354 : memref<40x128xi32, #tpu.memory_space<hbm>>) dst(%arg11 : memref<40x128xi32, #tpu.memory_space<vmem>>)
      tpu.yield
    }) : () -> ()
    %dma_start3A_193 = arith.constant 1 : i32
    %dma_start3A_194 = arith.constant 0 : i32
    %dma_start3A_195 = arith.constant 0 : i32
    %dma_start3A_196 = tpu.memref_slice %arg10[%dma_start3A_194, %dma_start3A_195] : memref<40x128xi32, #tpu.memory_space<vmem>> -> memref<1x128xi32, #tpu.memory_space<vmem>>
    %dma_start3A_197 = tpu.memref_squeeze %dma_start3A_196 : memref<1x128xi32, #tpu.memory_space<vmem>> -> memref<128xi32, #tpu.memory_space<vmem>>
    %dma_start3A_198 = arith.constant 0 : i32
    %dma_start3A_199 = arith.constant 0 : i32
    %dma_start3A_200 = tpu.memref_slice %arg2[%dma_start3A_193, %dma_start3A_198, %dma_start3A_199] : memref<2x20000x128xf32, #tpu.memory_space<hbm>> -> memref<1x20000x128xf32, #tpu.memory_space<hbm>>
    %dma_start3A_201 = tpu.memref_squeeze %dma_start3A_200 : memref<1x20000x128xf32, #tpu.memory_space<hbm>> -> memref<20000x128xf32, #tpu.memory_space<hbm>>
    %dma_start3A_202 = arith.constant 0 : i32
    %dma_start3A_203 = arith.constant 0 : i32
    %dma_start3A_204 = tpu.memref_slice %dma_start3A_201[%dma_start3A_202, %dma_start3A_203] : memref<20000x128xf32, #tpu.memory_space<hbm>> -> memref<20000x128xf32, #tpu.memory_space<hbm>>
    tpu.enqueue_indirect_dma source(%dma_start3A_204 : memref<20000x128xf32, #tpu.memory_space<hbm>>) target(%arg12 : memref<128x128xf32, #tpu.memory_space<vmem>>) offsets(%dma_start3A_197 : memref<128xi32, #tpu.memory_space<vmem>>) semaphore(%arg15 : memref<!tpu.dma_semaphore, #tpu.memory_space<semaphore_mem>>)
    %dma_start3A_205 = arith.constant 1 : i32
    %dma_start3A_206 = arith.constant 1 : i32
    %dma_start3A_207 = arith.constant 0 : i32
    %dma_start3A_208 = tpu.memref_slice %arg10[%dma_start3A_206, %dma_start3A_207] : memref<40x128xi32, #tpu.memory_space<vmem>> -> memref<1x128xi32, #tpu.memory_space<vmem>>
    %dma_start3A_209 = tpu.memref_squeeze %dma_start3A_208 : memref<1x128xi32, #tpu.memory_space<vmem>> -> memref<128xi32, #tpu.memory_space<vmem>>
    %dma_start3A_210 = arith.constant 0 : i32
    %dma_start3A_211 = arith.constant 0 : i32
    %dma_start3A_212 = tpu.memref_slice %arg2[%dma_start3A_205, %dma_start3A_210, %dma_start3A_211] : memref<2x20000x128xf32, #tpu.memory_space<hbm>> -> memref<1x20000x128xf32, #tpu.memory_space<hbm>>
    %dma_start3A_213 = tpu.memref_squeeze %dma_start3A_212 : memref<1x20000x128xf32, #tpu.memory_space<hbm>> -> memref<20000x128xf32, #tpu.memory_space<hbm>>
    %dma_start3A_214 = arith.constant 0 : i32
    %dma_start3A_215 = arith.constant 0 : i32
    %dma_start3A_216 = tpu.memref_slice %dma_start3A_213[%dma_start3A_214, %dma_start3A_215] : memref<20000x128xf32, #tpu.memory_space<hbm>> -> memref<20000x128xf32, #tpu.memory_space<hbm>>
    tpu.enqueue_indirect_dma source(%dma_start3A_216 : memref<20000x128xf32, #tpu.memory_space<hbm>>) target(%arg13 : memref<128x128xf32, #tpu.memory_space<vmem>>) offsets(%dma_start3A_209 : memref<128xi32, #tpu.memory_space<vmem>>) semaphore(%arg16 : memref<!tpu.dma_semaphore, #tpu.memory_space<semaphore_mem>>)
    %scan3A_217 = arith.constant 0 : i32
    %scan3A_218 = arith.constant 1 : i32
    %scan3A_219 = arith.constant 0 : i32
    %scan3A_220 = arith.constant 20 : i32
    %scan3A_221 = arith.addi %scan3A_219, %scan3A_220 : i32
    %scan3A_222 = arith.constant 1 : i32
    scf.for %scan3A_342 = %scan3A_219 to %scan3A_221 step %scan3A_222  : i32 {
      %mul3A_343 = arith.constant 2 : i32
      %mul3A_344 = arith.muli %scan3A_342, %mul3A_343 : i32
      %dma_wait3A_345 = arith.constant 0 : i32
      %dma_wait3A_346 = arith.constant 0 : i32
      %dma_wait3A_347 = tpu.memref_slice %arg10[%dma_wait3A_345, %dma_wait3A_346] : memref<40x128xi32, #tpu.memory_space<vmem>> -> memref<1x128xi32, #tpu.memory_space<vmem>>
      %dma_wait3A_348 = tpu.memref_squeeze %dma_wait3A_347 : memref<1x128xi32, #tpu.memory_space<vmem>> -> memref<128xi32, #tpu.memory_space<vmem>>
      %dma_wait3A_349 = arith.constant 0 : i32
      %dma_wait3A_350 = arith.constant 0 : i32
      %dma_wait3A_351 = tpu.memref_slice %arg2[%scan3A_218, %dma_wait3A_349, %dma_wait3A_350] : memref<2x20000x128xf32, #tpu.memory_space<hbm>> -> memref<1x20000x128xf32, #tpu.memory_space<hbm>>
      %dma_wait3A_352 = tpu.memref_squeeze %dma_wait3A_351 : memref<1x20000x128xf32, #tpu.memory_space<hbm>> -> memref<20000x128xf32, #tpu.memory_space<hbm>>
      %dma_wait3A_353 = arith.constant 0 : i32
      %dma_wait3A_354 = arith.constant 0 : i32
      %dma_wait3A_355 = tpu.memref_slice %dma_wait3A_352[%dma_wait3A_353, %dma_wait3A_354] : memref<20000x128xf32, #tpu.memory_space<hbm>> -> memref<20000x128xf32, #tpu.memory_space<hbm>>
      tpu.wait_indirect_dma semaphore(%arg15 : memref<!tpu.dma_semaphore, #tpu.memory_space<semaphore_mem>>) src(%dma_wait3A_355 : memref<20000x128xf32, #tpu.memory_space<hbm>>) dst(%arg12 : memref<128x128xf32, #tpu.memory_space<vmem>>)
      %add3A_356 = arith.constant 0 : i32
      %add3A_357 = arith.addi %mul3A_344, %add3A_356 : i32
      %dma_start3A_358 = arith.constant 0 : i32
      %dma_start3A_359 = tpu.memref_slice %arg11[%add3A_357, %dma_start3A_358] : memref<40x128xi32, #tpu.memory_space<vmem>> -> memref<1x128xi32, #tpu.memory_space<vmem>>
      %dma_start3A_360 = tpu.memref_squeeze %dma_start3A_359 : memref<1x128xi32, #tpu.memory_space<vmem>> -> memref<128xi32, #tpu.memory_space<vmem>>
      %dma_start3A_361 = arith.constant 0 : i32
      %dma_start3A_362 = arith.constant 0 : i32
      %dma_start3A_363 = tpu.memref_slice %arg14[%dma_start3A_361, %dma_start3A_362] : memref<10240x128xf32, #tpu.memory_space<vmem_shared>> -> memref<10240x128xf32, #tpu.memory_space<vmem_shared>>
      tpu.enqueue_indirect_dma source(%arg12 : memref<128x128xf32, #tpu.memory_space<vmem>>) target(%dma_start3A_363 : memref<10240x128xf32, #tpu.memory_space<vmem_shared>>) offsets(%dma_start3A_360 : memref<128xi32, #tpu.memory_space<vmem>>) semaphore(%arg17 : memref<!tpu.dma_semaphore, #tpu.memory_space<semaphore_mem>>) {add = true}
      %dma_wait3A_364 = arith.constant 0 : i32
      %dma_wait3A_365 = arith.constant 0 : i32
      %dma_wait3A_366 = tpu.memref_slice %arg10[%dma_wait3A_364, %dma_wait3A_365] : memref<40x128xi32, #tpu.memory_space<vmem>> -> memref<1x128xi32, #tpu.memory_space<vmem>>
      %dma_wait3A_367 = tpu.memref_squeeze %dma_wait3A_366 : memref<1x128xi32, #tpu.memory_space<vmem>> -> memref<128xi32, #tpu.memory_space<vmem>>
      %dma_wait3A_368 = arith.constant 0 : i32
      %dma_wait3A_369 = arith.constant 0 : i32
      %dma_wait3A_370 = tpu.memref_slice %arg2[%scan3A_218, %dma_wait3A_368, %dma_wait3A_369] : memref<2x20000x128xf32, #tpu.memory_space<hbm>> -> memref<1x20000x128xf32, #tpu.memory_space<hbm>>
      %dma_wait3A_371 = tpu.memref_squeeze %dma_wait3A_370 : memref<1x20000x128xf32, #tpu.memory_space<hbm>> -> memref<20000x128xf32, #tpu.memory_space<hbm>>
      %dma_wait3A_372 = arith.constant 0 : i32
      %dma_wait3A_373 = arith.constant 0 : i32
      %dma_wait3A_374 = tpu.memref_slice %dma_wait3A_371[%dma_wait3A_372, %dma_wait3A_373] : memref<20000x128xf32, #tpu.memory_space<hbm>> -> memref<20000x128xf32, #tpu.memory_space<hbm>>
      tpu.wait_indirect_dma semaphore(%arg16 : memref<!tpu.dma_semaphore, #tpu.memory_space<semaphore_mem>>) src(%dma_wait3A_374 : memref<20000x128xf32, #tpu.memory_space<hbm>>) dst(%arg13 : memref<128x128xf32, #tpu.memory_space<vmem>>)
      %add3A_375 = arith.constant 1 : i32
      %add3A_376 = arith.addi %mul3A_344, %add3A_375 : i32
      %dma_start3A_377 = arith.constant 0 : i32
      %dma_start3A_378 = tpu.memref_slice %arg11[%add3A_376, %dma_start3A_377] : memref<40x128xi32, #tpu.memory_space<vmem>> -> memref<1x128xi32, #tpu.memory_space<vmem>>
      %dma_start3A_379 = tpu.memref_squeeze %dma_start3A_378 : memref<1x128xi32, #tpu.memory_space<vmem>> -> memref<128xi32, #tpu.memory_space<vmem>>
      %dma_start3A_380 = arith.constant 0 : i32
      %dma_start3A_381 = arith.constant 0 : i32
      %dma_start3A_382 = tpu.memref_slice %arg14[%dma_start3A_380, %dma_start3A_381] : memref<10240x128xf32, #tpu.memory_space<vmem_shared>> -> memref<10240x128xf32, #tpu.memory_space<vmem_shared>>
      tpu.enqueue_indirect_dma source(%arg13 : memref<128x128xf32, #tpu.memory_space<vmem>>) target(%dma_start3A_382 : memref<10240x128xf32, #tpu.memory_space<vmem_shared>>) offsets(%dma_start3A_379 : memref<128xi32, #tpu.memory_space<vmem>>) semaphore(%arg18 : memref<!tpu.dma_semaphore, #tpu.memory_space<semaphore_mem>>) {add = true}
      %lt3A_383 = arith.constant 19 : i32
      %lt3A_384 = arith.cmpi slt, %scan3A_342, %lt3A_383 : i32
      %convert_element_type3A_385 = arith.extui %lt3A_384 : i1 to i32
      %cond3A_386 = arith.constant 0 : i32
      %cond3A_387 = arith.cmpi ne, %convert_element_type3A_385, %cond3A_386 : i32
      scf.if %cond3A_387 {
        %dma_wait3A_393 = arith.constant 0 : i32
        %dma_wait3A_394 = arith.constant 0 : i32
        %dma_wait3A_395 = tpu.memref_slice %arg11[%dma_wait3A_393, %dma_wait3A_394] : memref<40x128xi32, #tpu.memory_space<vmem>> -> memref<1x128xi32, #tpu.memory_space<vmem>>
        %dma_wait3A_396 = tpu.memref_squeeze %dma_wait3A_395 : memref<1x128xi32, #tpu.memory_space<vmem>> -> memref<128xi32, #tpu.memory_space<vmem>>
        %dma_wait3A_397 = arith.constant 0 : i32
        %dma_wait3A_398 = arith.constant 0 : i32
        %dma_wait3A_399 = tpu.memref_slice %arg14[%dma_wait3A_397, %dma_wait3A_398] : memref<10240x128xf32, #tpu.memory_space<vmem_shared>> -> memref<10240x128xf32, #tpu.memory_space<vmem_shared>>
        tpu.wait_indirect_dma semaphore(%arg17 : memref<!tpu.dma_semaphore, #tpu.memory_space<semaphore_mem>>) src(%arg12 : memref<128x128xf32, #tpu.memory_space<vmem>>) dst(%dma_wait3A_399 : memref<10240x128xf32, #tpu.memory_space<vmem_shared>>)
        %add3A_400 = arith.constant 2 : i32
        %add3A_401 = arith.addi %mul3A_344, %add3A_400 : i32
        %add3A_402 = arith.constant 0 : i32
        %add3A_403 = arith.addi %add3A_401, %add3A_402 : i32
        %dma_start3A_404 = arith.constant 0 : i32
        %dma_start3A_405 = tpu.memref_slice %arg10[%add3A_403, %dma_start3A_404] : memref<40x128xi32, #tpu.memory_space<vmem>> -> memref<1x128xi32, #tpu.memory_space<vmem>>
        %dma_start3A_406 = tpu.memref_squeeze %dma_start3A_405 : memref<1x128xi32, #tpu.memory_space<vmem>> -> memref<128xi32, #tpu.memory_space<vmem>>
        %dma_start3A_407 = arith.constant 0 : i32
        %dma_start3A_408 = arith.constant 0 : i32
        %dma_start3A_409 = tpu.memref_slice %arg2[%scan3A_218, %dma_start3A_407, %dma_start3A_408] : memref<2x20000x128xf32, #tpu.memory_space<hbm>> -> memref<1x20000x128xf32, #tpu.memory_space<hbm>>
        %dma_start3A_410 = tpu.memref_squeeze %dma_start3A_409 : memref<1x20000x128xf32, #tpu.memory_space<hbm>> -> memref<20000x128xf32, #tpu.memory_space<hbm>>
        %dma_start3A_411 = arith.constant 0 : i32
        %dma_start3A_412 = arith.constant 0 : i32
        %dma_start3A_413 = tpu.memref_slice %dma_start3A_410[%dma_start3A_411, %dma_start3A_412] : memref<20000x128xf32, #tpu.memory_space<hbm>> -> memref<20000x128xf32, #tpu.memory_space<hbm>>
        tpu.enqueue_indirect_dma source(%dma_start3A_413 : memref<20000x128xf32, #tpu.memory_space<hbm>>) target(%arg12 : memref<128x128xf32, #tpu.memory_space<vmem>>) offsets(%dma_start3A_406 : memref<128xi32, #tpu.memory_space<vmem>>) semaphore(%arg15 : memref<!tpu.dma_semaphore, #tpu.memory_space<semaphore_mem>>)
      } else {
      }
      %lt3A_388 = arith.constant 19 : i32
      %lt3A_389 = arith.cmpi slt, %scan3A_342, %lt3A_388 : i32
      %convert_element_type3A_390 = arith.extui %lt3A_389 : i1 to i32
      %cond3A_391 = arith.constant 0 : i32
      %cond3A_392 = arith.cmpi ne, %convert_element_type3A_390, %cond3A_391 : i32
      scf.if %cond3A_392 {
        %dma_wait3A_393 = arith.constant 0 : i32
        %dma_wait3A_394 = arith.constant 0 : i32
        %dma_wait3A_395 = tpu.memref_slice %arg11[%dma_wait3A_393, %dma_wait3A_394] : memref<40x128xi32, #tpu.memory_space<vmem>> -> memref<1x128xi32, #tpu.memory_space<vmem>>
        %dma_wait3A_396 = tpu.memref_squeeze %dma_wait3A_395 : memref<1x128xi32, #tpu.memory_space<vmem>> -> memref<128xi32, #tpu.memory_space<vmem>>
        %dma_wait3A_397 = arith.constant 0 : i32
        %dma_wait3A_398 = arith.constant 0 : i32
        %dma_wait3A_399 = tpu.memref_slice %arg14[%dma_wait3A_397, %dma_wait3A_398] : memref<10240x128xf32, #tpu.memory_space<vmem_shared>> -> memref<10240x128xf32, #tpu.memory_space<vmem_shared>>
        tpu.wait_indirect_dma semaphore(%arg18 : memref<!tpu.dma_semaphore, #tpu.memory_space<semaphore_mem>>) src(%arg13 : memref<128x128xf32, #tpu.memory_space<vmem>>) dst(%dma_wait3A_399 : memref<10240x128xf32, #tpu.memory_space<vmem_shared>>)
        %add3A_400 = arith.constant 2 : i32
        %add3A_401 = arith.addi %mul3A_344, %add3A_400 : i32
        %add3A_402 = arith.constant 1 : i32
        %add3A_403 = arith.addi %add3A_401, %add3A_402 : i32
        %dma_start3A_404 = arith.constant 0 : i32
        %dma_start3A_405 = tpu.memref_slice %arg10[%add3A_403, %dma_start3A_404] : memref<40x128xi32, #tpu.memory_space<vmem>> -> memref<1x128xi32, #tpu.memory_space<vmem>>
        %dma_start3A_406 = tpu.memref_squeeze %dma_start3A_405 : memref<1x128xi32, #tpu.memory_space<vmem>> -> memref<128xi32, #tpu.memory_space<vmem>>
        %dma_start3A_407 = arith.constant 0 : i32
        %dma_start3A_408 = arith.constant 0 : i32
        %dma_start3A_409 = tpu.memref_slice %arg2[%scan3A_218, %dma_start3A_407, %dma_start3A_408] : memref<2x20000x128xf32, #tpu.memory_space<hbm>> -> memref<1x20000x128xf32, #tpu.memory_space<hbm>>
        %dma_start3A_410 = tpu.memref_squeeze %dma_start3A_409 : memref<1x20000x128xf32, #tpu.memory_space<hbm>> -> memref<20000x128xf32, #tpu.memory_space<hbm>>
        %dma_start3A_411 = arith.constant 0 : i32
        %dma_start3A_412 = arith.constant 0 : i32
        %dma_start3A_413 = tpu.memref_slice %dma_start3A_410[%dma_start3A_411, %dma_start3A_412] : memref<20000x128xf32, #tpu.memory_space<hbm>> -> memref<20000x128xf32, #tpu.memory_space<hbm>>
        tpu.enqueue_indirect_dma source(%dma_start3A_413 : memref<20000x128xf32, #tpu.memory_space<hbm>>) target(%arg13 : memref<128x128xf32, #tpu.memory_space<vmem>>) offsets(%dma_start3A_406 : memref<128xi32, #tpu.memory_space<vmem>>) semaphore(%arg16 : memref<!tpu.dma_semaphore, #tpu.memory_space<semaphore_mem>>)
      } else {
      }
    }
    %scan3A_223 = arith.constant 20 : i32
    %dma_wait3A_224 = arith.constant 0 : i32
    %dma_wait3A_225 = arith.constant 0 : i32
    %dma_wait3A_226 = tpu.memref_slice %arg11[%dma_wait3A_224, %dma_wait3A_225] : memref<40x128xi32, #tpu.memory_space<vmem>> -> memref<1x128xi32, #tpu.memory_space<vmem>>
    %dma_wait3A_227 = tpu.memref_squeeze %dma_wait3A_226 : memref<1x128xi32, #tpu.memory_space<vmem>> -> memref<128xi32, #tpu.memory_space<vmem>>
    %dma_wait3A_228 = arith.constant 0 : i32
    %dma_wait3A_229 = arith.constant 0 : i32
    %dma_wait3A_230 = tpu.memref_slice %arg14[%dma_wait3A_228, %dma_wait3A_229] : memref<10240x128xf32, #tpu.memory_space<vmem_shared>> -> memref<10240x128xf32, #tpu.memory_space<vmem_shared>>
    tpu.wait_indirect_dma semaphore(%arg17 : memref<!tpu.dma_semaphore, #tpu.memory_space<semaphore_mem>>) src(%arg12 : memref<128x128xf32, #tpu.memory_space<vmem>>) dst(%dma_wait3A_230 : memref<10240x128xf32, #tpu.memory_space<vmem_shared>>)
    %dma_wait3A_231 = arith.constant 0 : i32
    %dma_wait3A_232 = arith.constant 0 : i32
    %dma_wait3A_233 = tpu.memref_slice %arg11[%dma_wait3A_231, %dma_wait3A_232] : memref<40x128xi32, #tpu.memory_space<vmem>> -> memref<1x128xi32, #tpu.memory_space<vmem>>
    %dma_wait3A_234 = tpu.memref_squeeze %dma_wait3A_233 : memref<1x128xi32, #tpu.memory_space<vmem>> -> memref<128xi32, #tpu.memory_space<vmem>>
    %dma_wait3A_235 = arith.constant 0 : i32
    %dma_wait3A_236 = arith.constant 0 : i32
    %dma_wait3A_237 = tpu.memref_slice %arg14[%dma_wait3A_235, %dma_wait3A_236] : memref<10240x128xf32, #tpu.memory_space<vmem_shared>> -> memref<10240x128xf32, #tpu.memory_space<vmem_shared>>
    tpu.wait_indirect_dma semaphore(%arg18 : memref<!tpu.dma_semaphore, #tpu.memory_space<semaphore_mem>>) src(%arg13 : memref<128x128xf32, #tpu.memory_space<vmem>>) dst(%dma_wait3A_237 : memref<10240x128xf32, #tpu.memory_space<vmem_shared>>)
    %mul3A_238 = arith.constant 80 : i32
    %mul3A_239 = arith.muli %arg1, %mul3A_238 : i32
    %add3A_240 = arith.constant 40 : i32
    %add3A_241 = arith.addi %mul3A_239, %add3A_240 : i32
    %run_scoped3A_242 = arith.constant 1 : i32
    "tpu.region"() ({
      %run_scoped3A_342 = tpu.sem_alloc : memref<!tpu.dma_semaphore, #tpu.memory_space<semaphore_mem>>
      %dma_start3A_343 = arith.constant 0 : i32
      %dma_start3A_344 = tpu.memref_slice %arg3[%run_scoped3A_242, %arg0, %add3A_241, %dma_start3A_343] : memref<2x2x1280x128xi32, #tpu.memory_space<hbm>> -> memref<1x1x40x128xi32, #tpu.memory_space<hbm>>
      %dma_start3A_345 = tpu.memref_squeeze %dma_start3A_344 : memref<1x1x40x128xi32, #tpu.memory_space<hbm>> -> memref<40x128xi32, #tpu.memory_space<hbm>>
      %dma_start3A_346 = arith.constant 0 : i32
      %dma_start3A_347 = tpu.memref_slice %arg3[%run_scoped3A_242, %arg0, %add3A_241, %dma_start3A_346] : memref<2x2x1280x128xi32, #tpu.memory_space<hbm>> -> memref<1x1x40x128xi32, #tpu.memory_space<hbm>>
      %dma_start3A_348 = tpu.memref_squeeze %dma_start3A_347 : memref<1x1x40x128xi32, #tpu.memory_space<hbm>> -> memref<40x128xi32, #tpu.memory_space<hbm>>
      tpu.enqueue_dma source(%dma_start3A_348 : memref<40x128xi32, #tpu.memory_space<hbm>>) target(%arg10 : memref<40x128xi32, #tpu.memory_space<vmem>>) target_semaphore(%run_scoped3A_342 : memref<!tpu.dma_semaphore, #tpu.memory_space<semaphore_mem>>)
      %dma_wait3A_349 = arith.constant 0 : i32
      %dma_wait3A_350 = tpu.memref_slice %arg3[%run_scoped3A_242, %arg0, %add3A_241, %dma_wait3A_349] : memref<2x2x1280x128xi32, #tpu.memory_space<hbm>> -> memref<1x1x40x128xi32, #tpu.memory_space<hbm>>
      %dma_wait3A_351 = tpu.memref_squeeze %dma_wait3A_350 : memref<1x1x40x128xi32, #tpu.memory_space<hbm>> -> memref<40x128xi32, #tpu.memory_space<hbm>>
      %dma_wait3A_352 = arith.constant 0 : i32
      %dma_wait3A_353 = tpu.memref_slice %arg3[%run_scoped3A_242, %arg0, %add3A_241, %dma_wait3A_352] : memref<2x2x1280x128xi32, #tpu.memory_space<hbm>> -> memref<1x1x40x128xi32, #tpu.memory_space<hbm>>
      %dma_wait3A_354 = tpu.memref_squeeze %dma_wait3A_353 : memref<1x1x40x128xi32, #tpu.memory_space<hbm>> -> memref<40x128xi32, #tpu.memory_space<hbm>>
      tpu.wait_dma2 semaphore(%run_scoped3A_342 : memref<!tpu.dma_semaphore, #tpu.memory_space<semaphore_mem>>) src(%dma_wait3A_354 : memref<40x128xi32, #tpu.memory_space<hbm>>) dst(%arg10 : memref<40x128xi32, #tpu.memory_space<vmem>>)
      tpu.yield
    }) : () -> ()
    %run_scoped3A_243 = arith.constant 1 : i32
    "tpu.region"() ({
      %run_scoped3A_342 = tpu.sem_alloc : memref<!tpu.dma_semaphore, #tpu.memory_space<semaphore_mem>>
      %dma_start3A_343 = arith.constant 0 : i32
      %dma_start3A_344 = tpu.memref_slice %arg4[%run_scoped3A_243, %add3A_241, %dma_start3A_343] : memref<2x1280x128xi32, #tpu.memory_space<hbm>> -> memref<1x40x128xi32, #tpu.memory_space<hbm>>
      %dma_start3A_345 = tpu.memref_squeeze %dma_start3A_344 : memref<1x40x128xi32, #tpu.memory_space<hbm>> -> memref<40x128xi32, #tpu.memory_space<hbm>>
      %dma_start3A_346 = arith.constant 0 : i32
      %dma_start3A_347 = tpu.memref_slice %arg4[%run_scoped3A_243, %add3A_241, %dma_start3A_346] : memref<2x1280x128xi32, #tpu.memory_space<hbm>> -> memref<1x40x128xi32, #tpu.memory_space<hbm>>
      %dma_start3A_348 = tpu.memref_squeeze %dma_start3A_347 : memref<1x40x128xi32, #tpu.memory_space<hbm>> -> memref<40x128xi32, #tpu.memory_space<hbm>>
      tpu.enqueue_dma source(%dma_start3A_348 : memref<40x128xi32, #tpu.memory_space<hbm>>) target(%arg11 : memref<40x128xi32, #tpu.memory_space<vmem>>) target_semaphore(%run_scoped3A_342 : memref<!tpu.dma_semaphore, #tpu.memory_space<semaphore_mem>>)
      %dma_wait3A_349 = arith.constant 0 : i32
      %dma_wait3A_350 = tpu.memref_slice %arg4[%run_scoped3A_243, %add3A_241, %dma_wait3A_349] : memref<2x1280x128xi32, #tpu.memory_space<hbm>> -> memref<1x40x128xi32, #tpu.memory_space<hbm>>
      %dma_wait3A_351 = tpu.memref_squeeze %dma_wait3A_350 : memref<1x40x128xi32, #tpu.memory_space<hbm>> -> memref<40x128xi32, #tpu.memory_space<hbm>>
      %dma_wait3A_352 = arith.constant 0 : i32
      %dma_wait3A_353 = tpu.memref_slice %arg4[%run_scoped3A_243, %add3A_241, %dma_wait3A_352] : memref<2x1280x128xi32, #tpu.memory_space<hbm>> -> memref<1x40x128xi32, #tpu.memory_space<hbm>>
      %dma_wait3A_354 = tpu.memref_squeeze %dma_wait3A_353 : memref<1x40x128xi32, #tpu.memory_space<hbm>> -> memref<40x128xi32, #tpu.memory_space<hbm>>
      tpu.wait_dma2 semaphore(%run_scoped3A_342 : memref<!tpu.dma_semaphore, #tpu.memory_space<semaphore_mem>>) src(%dma_wait3A_354 : memref<40x128xi32, #tpu.memory_space<hbm>>) dst(%arg11 : memref<40x128xi32, #tpu.memory_space<vmem>>)
      tpu.yield
    }) : () -> ()
    %dma_start3A_244 = arith.constant 1 : i32
    %dma_start3A_245 = arith.constant 0 : i32
    %dma_start3A_246 = arith.constant 0 : i32
    %dma_start3A_247 = tpu.memref_slice %arg10[%dma_start3A_245, %dma_start3A_246] : memref<40x128xi32, #tpu.memory_space<vmem>> -> memref<1x128xi32, #tpu.memory_space<vmem>>
    %dma_start3A_248 = tpu.memref_squeeze %dma_start3A_247 : memref<1x128xi32, #tpu.memory_space<vmem>> -> memref<128xi32, #tpu.memory_space<vmem>>
    %dma_start3A_249 = arith.constant 0 : i32
    %dma_start3A_250 = arith.constant 0 : i32
    %dma_start3A_251 = tpu.memref_slice %arg2[%dma_start3A_244, %dma_start3A_249, %dma_start3A_250] : memref<2x20000x128xf32, #tpu.memory_space<hbm>> -> memref<1x20000x128xf32, #tpu.memory_space<hbm>>
    %dma_start3A_252 = tpu.memref_squeeze %dma_start3A_251 : memref<1x20000x128xf32, #tpu.memory_space<hbm>> -> memref<20000x128xf32, #tpu.memory_space<hbm>>
    %dma_start3A_253 = arith.constant 0 : i32
    %dma_start3A_254 = arith.constant 0 : i32
    %dma_start3A_255 = tpu.memref_slice %dma_start3A_252[%dma_start3A_253, %dma_start3A_254] : memref<20000x128xf32, #tpu.memory_space<hbm>> -> memref<20000x128xf32, #tpu.memory_space<hbm>>
    tpu.enqueue_indirect_dma source(%dma_start3A_255 : memref<20000x128xf32, #tpu.memory_space<hbm>>) target(%arg12 : memref<128x128xf32, #tpu.memory_space<vmem>>) offsets(%dma_start3A_248 : memref<128xi32, #tpu.memory_space<vmem>>) semaphore(%arg15 : memref<!tpu.dma_semaphore, #tpu.memory_space<semaphore_mem>>)
    %dma_start3A_256 = arith.constant 1 : i32
    %dma_start3A_257 = arith.constant 1 : i32
    %dma_start3A_258 = arith.constant 0 : i32
    %dma_start3A_259 = tpu.memref_slice %arg10[%dma_start3A_257, %dma_start3A_258] : memref<40x128xi32, #tpu.memory_space<vmem>> -> memref<1x128xi32, #tpu.memory_space<vmem>>
    %dma_start3A_260 = tpu.memref_squeeze %dma_start3A_259 : memref<1x128xi32, #tpu.memory_space<vmem>> -> memref<128xi32, #tpu.memory_space<vmem>>
    %dma_start3A_261 = arith.constant 0 : i32
    %dma_start3A_262 = arith.constant 0 : i32
    %dma_start3A_263 = tpu.memref_slice %arg2[%dma_start3A_256, %dma_start3A_261, %dma_start3A_262] : memref<2x20000x128xf32, #tpu.memory_space<hbm>> -> memref<1x20000x128xf32, #tpu.memory_space<hbm>>
    %dma_start3A_264 = tpu.memref_squeeze %dma_start3A_263 : memref<1x20000x128xf32, #tpu.memory_space<hbm>> -> memref<20000x128xf32, #tpu.memory_space<hbm>>
    %dma_start3A_265 = arith.constant 0 : i32
    %dma_start3A_266 = arith.constant 0 : i32
    %dma_start3A_267 = tpu.memref_slice %dma_start3A_264[%dma_start3A_265, %dma_start3A_266] : memref<20000x128xf32, #tpu.memory_space<hbm>> -> memref<20000x128xf32, #tpu.memory_space<hbm>>
    tpu.enqueue_indirect_dma source(%dma_start3A_267 : memref<20000x128xf32, #tpu.memory_space<hbm>>) target(%arg13 : memref<128x128xf32, #tpu.memory_space<vmem>>) offsets(%dma_start3A_260 : memref<128xi32, #tpu.memory_space<vmem>>) semaphore(%arg16 : memref<!tpu.dma_semaphore, #tpu.memory_space<semaphore_mem>>)
    %scan3A_268 = arith.constant 0 : i32
    %scan3A_269 = arith.constant 1 : i32
    %scan3A_270 = arith.constant 0 : i32
    %scan3A_271 = arith.constant 20 : i32
    %scan3A_272 = arith.addi %scan3A_270, %scan3A_271 : i32
    %scan3A_273 = arith.constant 1 : i32
    scf.for %scan3A_342 = %scan3A_270 to %scan3A_272 step %scan3A_273  : i32 {
      %mul3A_343 = arith.constant 2 : i32
      %mul3A_344 = arith.muli %scan3A_342, %mul3A_343 : i32
      %dma_wait3A_345 = arith.constant 0 : i32
      %dma_wait3A_346 = arith.constant 0 : i32
      %dma_wait3A_347 = tpu.memref_slice %arg10[%dma_wait3A_345, %dma_wait3A_346] : memref<40x128xi32, #tpu.memory_space<vmem>> -> memref<1x128xi32, #tpu.memory_space<vmem>>
      %dma_wait3A_348 = tpu.memref_squeeze %dma_wait3A_347 : memref<1x128xi32, #tpu.memory_space<vmem>> -> memref<128xi32, #tpu.memory_space<vmem>>
      %dma_wait3A_349 = arith.constant 0 : i32
      %dma_wait3A_350 = arith.constant 0 : i32
      %dma_wait3A_351 = tpu.memref_slice %arg2[%scan3A_269, %dma_wait3A_349, %dma_wait3A_350] : memref<2x20000x128xf32, #tpu.memory_space<hbm>> -> memref<1x20000x128xf32, #tpu.memory_space<hbm>>
      %dma_wait3A_352 = tpu.memref_squeeze %dma_wait3A_351 : memref<1x20000x128xf32, #tpu.memory_space<hbm>> -> memref<20000x128xf32, #tpu.memory_space<hbm>>
      %dma_wait3A_353 = arith.constant 0 : i32
      %dma_wait3A_354 = arith.constant 0 : i32
      %dma_wait3A_355 = tpu.memref_slice %dma_wait3A_352[%dma_wait3A_353, %dma_wait3A_354] : memref<20000x128xf32, #tpu.memory_space<hbm>> -> memref<20000x128xf32, #tpu.memory_space<hbm>>
      tpu.wait_indirect_dma semaphore(%arg15 : memref<!tpu.dma_semaphore, #tpu.memory_space<semaphore_mem>>) src(%dma_wait3A_355 : memref<20000x128xf32, #tpu.memory_space<hbm>>) dst(%arg12 : memref<128x128xf32, #tpu.memory_space<vmem>>)
      %add3A_356 = arith.constant 0 : i32
      %add3A_357 = arith.addi %mul3A_344, %add3A_356 : i32
      %dma_start3A_358 = arith.constant 0 : i32
      %dma_start3A_359 = tpu.memref_slice %arg11[%add3A_357, %dma_start3A_358] : memref<40x128xi32, #tpu.memory_space<vmem>> -> memref<1x128xi32, #tpu.memory_space<vmem>>
      %dma_start3A_360 = tpu.memref_squeeze %dma_start3A_359 : memref<1x128xi32, #tpu.memory_space<vmem>> -> memref<128xi32, #tpu.memory_space<vmem>>
      %dma_start3A_361 = arith.constant 0 : i32
      %dma_start3A_362 = arith.constant 0 : i32
      %dma_start3A_363 = tpu.memref_slice %arg14[%dma_start3A_361, %dma_start3A_362] : memref<10240x128xf32, #tpu.memory_space<vmem_shared>> -> memref<10240x128xf32, #tpu.memory_space<vmem_shared>>
      tpu.enqueue_indirect_dma source(%arg12 : memref<128x128xf32, #tpu.memory_space<vmem>>) target(%dma_start3A_363 : memref<10240x128xf32, #tpu.memory_space<vmem_shared>>) offsets(%dma_start3A_360 : memref<128xi32, #tpu.memory_space<vmem>>) semaphore(%arg17 : memref<!tpu.dma_semaphore, #tpu.memory_space<semaphore_mem>>) {add = true}
      %dma_wait3A_364 = arith.constant 0 : i32
      %dma_wait3A_365 = arith.constant 0 : i32
      %dma_wait3A_366 = tpu.memref_slice %arg10[%dma_wait3A_364, %dma_wait3A_365] : memref<40x128xi32, #tpu.memory_space<vmem>> -> memref<1x128xi32, #tpu.memory_space<vmem>>
      %dma_wait3A_367 = tpu.memref_squeeze %dma_wait3A_366 : memref<1x128xi32, #tpu.memory_space<vmem>> -> memref<128xi32, #tpu.memory_space<vmem>>
      %dma_wait3A_368 = arith.constant 0 : i32
      %dma_wait3A_369 = arith.constant 0 : i32
      %dma_wait3A_370 = tpu.memref_slice %arg2[%scan3A_269, %dma_wait3A_368, %dma_wait3A_369] : memref<2x20000x128xf32, #tpu.memory_space<hbm>> -> memref<1x20000x128xf32, #tpu.memory_space<hbm>>
      %dma_wait3A_371 = tpu.memref_squeeze %dma_wait3A_370 : memref<1x20000x128xf32, #tpu.memory_space<hbm>> -> memref<20000x128xf32, #tpu.memory_space<hbm>>
      %dma_wait3A_372 = arith.constant 0 : i32
      %dma_wait3A_373 = arith.constant 0 : i32
      %dma_wait3A_374 = tpu.memref_slice %dma_wait3A_371[%dma_wait3A_372, %dma_wait3A_373] : memref<20000x128xf32, #tpu.memory_space<hbm>> -> memref<20000x128xf32, #tpu.memory_space<hbm>>
      tpu.wait_indirect_dma semaphore(%arg16 : memref<!tpu.dma_semaphore, #tpu.memory_space<semaphore_mem>>) src(%dma_wait3A_374 : memref<20000x128xf32, #tpu.memory_space<hbm>>) dst(%arg13 : memref<128x128xf32, #tpu.memory_space<vmem>>)
      %add3A_375 = arith.constant 1 : i32
      %add3A_376 = arith.addi %mul3A_344, %add3A_375 : i32
      %dma_start3A_377 = arith.constant 0 : i32
      %dma_start3A_378 = tpu.memref_slice %arg11[%add3A_376, %dma_start3A_377] : memref<40x128xi32, #tpu.memory_space<vmem>> -> memref<1x128xi32, #tpu.memory_space<vmem>>
      %dma_start3A_379 = tpu.memref_squeeze %dma_start3A_378 : memref<1x128xi32, #tpu.memory_space<vmem>> -> memref<128xi32, #tpu.memory_space<vmem>>
      %dma_start3A_380 = arith.constant 0 : i32
      %dma_start3A_381 = arith.constant 0 : i32
      %dma_start3A_382 = tpu.memref_slice %arg14[%dma_start3A_380, %dma_start3A_381] : memref<10240x128xf32, #tpu.memory_space<vmem_shared>> -> memref<10240x128xf32, #tpu.memory_space<vmem_shared>>
      tpu.enqueue_indirect_dma source(%arg13 : memref<128x128xf32, #tpu.memory_space<vmem>>) target(%dma_start3A_382 : memref<10240x128xf32, #tpu.memory_space<vmem_shared>>) offsets(%dma_start3A_379 : memref<128xi32, #tpu.memory_space<vmem>>) semaphore(%arg18 : memref<!tpu.dma_semaphore, #tpu.memory_space<semaphore_mem>>) {add = true}
      %lt3A_383 = arith.constant 19 : i32
      %lt3A_384 = arith.cmpi slt, %scan3A_342, %lt3A_383 : i32
      %convert_element_type3A_385 = arith.extui %lt3A_384 : i1 to i32
      %cond3A_386 = arith.constant 0 : i32
      %cond3A_387 = arith.cmpi ne, %convert_element_type3A_385, %cond3A_386 : i32
      scf.if %cond3A_387 {
        %dma_wait3A_393 = arith.constant 0 : i32
        %dma_wait3A_394 = arith.constant 0 : i32
        %dma_wait3A_395 = tpu.memref_slice %arg11[%dma_wait3A_393, %dma_wait3A_394] : memref<40x128xi32, #tpu.memory_space<vmem>> -> memref<1x128xi32, #tpu.memory_space<vmem>>
        %dma_wait3A_396 = tpu.memref_squeeze %dma_wait3A_395 : memref<1x128xi32, #tpu.memory_space<vmem>> -> memref<128xi32, #tpu.memory_space<vmem>>
        %dma_wait3A_397 = arith.constant 0 : i32
        %dma_wait3A_398 = arith.constant 0 : i32
        %dma_wait3A_399 = tpu.memref_slice %arg14[%dma_wait3A_397, %dma_wait3A_398] : memref<10240x128xf32, #tpu.memory_space<vmem_shared>> -> memref<10240x128xf32, #tpu.memory_space<vmem_shared>>
        tpu.wait_indirect_dma semaphore(%arg17 : memref<!tpu.dma_semaphore, #tpu.memory_space<semaphore_mem>>) src(%arg12 : memref<128x128xf32, #tpu.memory_space<vmem>>) dst(%dma_wait3A_399 : memref<10240x128xf32, #tpu.memory_space<vmem_shared>>)
        %add3A_400 = arith.constant 2 : i32
        %add3A_401 = arith.addi %mul3A_344, %add3A_400 : i32
        %add3A_402 = arith.constant 0 : i32
        %add3A_403 = arith.addi %add3A_401, %add3A_402 : i32
        %dma_start3A_404 = arith.constant 0 : i32
        %dma_start3A_405 = tpu.memref_slice %arg10[%add3A_403, %dma_start3A_404] : memref<40x128xi32, #tpu.memory_space<vmem>> -> memref<1x128xi32, #tpu.memory_space<vmem>>
        %dma_start3A_406 = tpu.memref_squeeze %dma_start3A_405 : memref<1x128xi32, #tpu.memory_space<vmem>> -> memref<128xi32, #tpu.memory_space<vmem>>
        %dma_start3A_407 = arith.constant 0 : i32
        %dma_start3A_408 = arith.constant 0 : i32
        %dma_start3A_409 = tpu.memref_slice %arg2[%scan3A_269, %dma_start3A_407, %dma_start3A_408] : memref<2x20000x128xf32, #tpu.memory_space<hbm>> -> memref<1x20000x128xf32, #tpu.memory_space<hbm>>
        %dma_start3A_410 = tpu.memref_squeeze %dma_start3A_409 : memref<1x20000x128xf32, #tpu.memory_space<hbm>> -> memref<20000x128xf32, #tpu.memory_space<hbm>>
        %dma_start3A_411 = arith.constant 0 : i32
        %dma_start3A_412 = arith.constant 0 : i32
        %dma_start3A_413 = tpu.memref_slice %dma_start3A_410[%dma_start3A_411, %dma_start3A_412] : memref<20000x128xf32, #tpu.memory_space<hbm>> -> memref<20000x128xf32, #tpu.memory_space<hbm>>
        tpu.enqueue_indirect_dma source(%dma_start3A_413 : memref<20000x128xf32, #tpu.memory_space<hbm>>) target(%arg12 : memref<128x128xf32, #tpu.memory_space<vmem>>) offsets(%dma_start3A_406 : memref<128xi32, #tpu.memory_space<vmem>>) semaphore(%arg15 : memref<!tpu.dma_semaphore, #tpu.memory_space<semaphore_mem>>)
      } else {
      }
      %lt3A_388 = arith.constant 19 : i32
      %lt3A_389 = arith.cmpi slt, %scan3A_342, %lt3A_388 : i32
      %convert_element_type3A_390 = arith.extui %lt3A_389 : i1 to i32
      %cond3A_391 = arith.constant 0 : i32
      %cond3A_392 = arith.cmpi ne, %convert_element_type3A_390, %cond3A_391 : i32
      scf.if %cond3A_392 {
        %dma_wait3A_393 = arith.constant 0 : i32
        %dma_wait3A_394 = arith.constant 0 : i32
        %dma_wait3A_395 = tpu.memref_slice %arg11[%dma_wait3A_393, %dma_wait3A_394] : memref<40x128xi32, #tpu.memory_space<vmem>> -> memref<1x128xi32, #tpu.memory_space<vmem>>
        %dma_wait3A_396 = tpu.memref_squeeze %dma_wait3A_395 : memref<1x128xi32, #tpu.memory_space<vmem>> -> memref<128xi32, #tpu.memory_space<vmem>>
        %dma_wait3A_397 = arith.constant 0 : i32
        %dma_wait3A_398 = arith.constant 0 : i32
        %dma_wait3A_399 = tpu.memref_slice %arg14[%dma_wait3A_397, %dma_wait3A_398] : memref<10240x128xf32, #tpu.memory_space<vmem_shared>> -> memref<10240x128xf32, #tpu.memory_space<vmem_shared>>
        tpu.wait_indirect_dma semaphore(%arg18 : memref<!tpu.dma_semaphore, #tpu.memory_space<semaphore_mem>>) src(%arg13 : memref<128x128xf32, #tpu.memory_space<vmem>>) dst(%dma_wait3A_399 : memref<10240x128xf32, #tpu.memory_space<vmem_shared>>)
        %add3A_400 = arith.constant 2 : i32
        %add3A_401 = arith.addi %mul3A_344, %add3A_400 : i32
        %add3A_402 = arith.constant 1 : i32
        %add3A_403 = arith.addi %add3A_401, %add3A_402 : i32
        %dma_start3A_404 = arith.constant 0 : i32
        %dma_start3A_405 = tpu.memref_slice %arg10[%add3A_403, %dma_start3A_404] : memref<40x128xi32, #tpu.memory_space<vmem>> -> memref<1x128xi32, #tpu.memory_space<vmem>>
        %dma_start3A_406 = tpu.memref_squeeze %dma_start3A_405 : memref<1x128xi32, #tpu.memory_space<vmem>> -> memref<128xi32, #tpu.memory_space<vmem>>
        %dma_start3A_407 = arith.constant 0 : i32
        %dma_start3A_408 = arith.constant 0 : i32
        %dma_start3A_409 = tpu.memref_slice %arg2[%scan3A_269, %dma_start3A_407, %dma_start3A_408] : memref<2x20000x128xf32, #tpu.memory_space<hbm>> -> memref<1x20000x128xf32, #tpu.memory_space<hbm>>
        %dma_start3A_410 = tpu.memref_squeeze %dma_start3A_409 : memref<1x20000x128xf32, #tpu.memory_space<hbm>> -> memref<20000x128xf32, #tpu.memory_space<hbm>>
        %dma_start3A_411 = arith.constant 0 : i32
        %dma_start3A_412 = arith.constant 0 : i32
        %dma_start3A_413 = tpu.memref_slice %dma_start3A_410[%dma_start3A_411, %dma_start3A_412] : memref<20000x128xf32, #tpu.memory_space<hbm>> -> memref<20000x128xf32, #tpu.memory_space<hbm>>
        tpu.enqueue_indirect_dma source(%dma_start3A_413 : memref<20000x128xf32, #tpu.memory_space<hbm>>) target(%arg13 : memref<128x128xf32, #tpu.memory_space<vmem>>) offsets(%dma_start3A_406 : memref<128xi32, #tpu.memory_space<vmem>>) semaphore(%arg16 : memref<!tpu.dma_semaphore, #tpu.memory_space<semaphore_mem>>)
      } else {
      }
    }
    %scan3A_274 = arith.constant 20 : i32
    %dma_wait3A_275 = arith.constant 0 : i32
    %dma_wait3A_276 = arith.constant 0 : i32
    %dma_wait3A_277 = tpu.memref_slice %arg11[%dma_wait3A_275, %dma_wait3A_276] : memref<40x128xi32, #tpu.memory_space<vmem>> -> memref<1x128xi32, #tpu.memory_space<vmem>>
    %dma_wait3A_278 = tpu.memref_squeeze %dma_wait3A_277 : memref<1x128xi32, #tpu.memory_space<vmem>> -> memref<128xi32, #tpu.memory_space<vmem>>
    %dma_wait3A_279 = arith.constant 0 : i32
    %dma_wait3A_280 = arith.constant 0 : i32
    %dma_wait3A_281 = tpu.memref_slice %arg14[%dma_wait3A_279, %dma_wait3A_280] : memref<10240x128xf32, #tpu.memory_space<vmem_shared>> -> memref<10240x128xf32, #tpu.memory_space<vmem_shared>>
    tpu.wait_indirect_dma semaphore(%arg17 : memref<!tpu.dma_semaphore, #tpu.memory_space<semaphore_mem>>) src(%arg12 : memref<128x128xf32, #tpu.memory_space<vmem>>) dst(%dma_wait3A_281 : memref<10240x128xf32, #tpu.memory_space<vmem_shared>>)
    %dma_wait3A_282 = arith.constant 0 : i32
    %dma_wait3A_283 = arith.constant 0 : i32
    %dma_wait3A_284 = tpu.memref_slice %arg11[%dma_wait3A_282, %dma_wait3A_283] : memref<40x128xi32, #tpu.memory_space<vmem>> -> memref<1x128xi32, #tpu.memory_space<vmem>>
    %dma_wait3A_285 = tpu.memref_squeeze %dma_wait3A_284 : memref<1x128xi32, #tpu.memory_space<vmem>> -> memref<128xi32, #tpu.memory_space<vmem>>
    %dma_wait3A_286 = arith.constant 0 : i32
    %dma_wait3A_287 = arith.constant 0 : i32
    %dma_wait3A_288 = tpu.memref_slice %arg14[%dma_wait3A_286, %dma_wait3A_287] : memref<10240x128xf32, #tpu.memory_space<vmem_shared>> -> memref<10240x128xf32, #tpu.memory_space<vmem_shared>>
    tpu.wait_indirect_dma semaphore(%arg18 : memref<!tpu.dma_semaphore, #tpu.memory_space<semaphore_mem>>) src(%arg13 : memref<128x128xf32, #tpu.memory_space<vmem>>) dst(%dma_wait3A_288 : memref<10240x128xf32, #tpu.memory_space<vmem_shared>>)
    %barrier3A_289 = arith.constant 0 : index
    tpu.barrier barrier_id(%barrier3A_289)
    %mul3A_290 = arith.constant 640 : i32
    %mul3A_291 = arith.muli %arg1, %mul3A_290 : i32
    %mul3A_292 = arith.constant 640 : i32
    %mul3A_293 = arith.muli %arg1, %mul3A_292 : i32
    %run_scoped3A_294 = arith.constant 1 : i32
    "tpu.region"() ({
      %run_scoped3A_342 = tpu.sem_alloc : memref<!tpu.dma_semaphore, #tpu.memory_space<semaphore_mem>>
      %dma_start3A_343 = arith.constant 0 : i32
      %dma_start3A_344 = tpu.memref_slice %arg8[%run_scoped3A_294, %arg0, %mul3A_293, %dma_start3A_343] : memref<2x2x10240x128xf32, #tpu.memory_space<hbm>> -> memref<1x1x640x128xf32, #tpu.memory_space<hbm>>
      %dma_start3A_345 = tpu.memref_squeeze %dma_start3A_344 : memref<1x1x640x128xf32, #tpu.memory_space<hbm>> -> memref<640x128xf32, #tpu.memory_space<hbm>>
      %dma_start3A_346 = arith.constant 0 : i32
      %dma_start3A_347 = tpu.memref_slice %arg14[%mul3A_291, %dma_start3A_346] : memref<10240x128xf32, #tpu.memory_space<vmem_shared>> -> memref<640x128xf32, #tpu.memory_space<vmem_shared>>
      tpu.enqueue_dma source(%dma_start3A_347 : memref<640x128xf32, #tpu.memory_space<vmem_shared>>) target(%dma_start3A_345 : memref<640x128xf32, #tpu.memory_space<hbm>>) target_semaphore(%run_scoped3A_342 : memref<!tpu.dma_semaphore, #tpu.memory_space<semaphore_mem>>)
      %dma_wait3A_348 = arith.constant 0 : i32
      %dma_wait3A_349 = tpu.memref_slice %arg8[%run_scoped3A_294, %arg0, %mul3A_293, %dma_wait3A_348] : memref<2x2x10240x128xf32, #tpu.memory_space<hbm>> -> memref<1x1x640x128xf32, #tpu.memory_space<hbm>>
      %dma_wait3A_350 = tpu.memref_squeeze %dma_wait3A_349 : memref<1x1x640x128xf32, #tpu.memory_space<hbm>> -> memref<640x128xf32, #tpu.memory_space<hbm>>
      %dma_wait3A_351 = arith.constant 0 : i32
      %dma_wait3A_352 = tpu.memref_slice %arg14[%mul3A_291, %dma_wait3A_351] : memref<10240x128xf32, #tpu.memory_space<vmem_shared>> -> memref<640x128xf32, #tpu.memory_space<vmem_shared>>
      tpu.wait_dma2 semaphore(%run_scoped3A_342 : memref<!tpu.dma_semaphore, #tpu.memory_space<semaphore_mem>>) src(%dma_wait3A_352 : memref<640x128xf32, #tpu.memory_space<vmem_shared>>) dst(%dma_wait3A_350 : memref<640x128xf32, #tpu.memory_space<hbm>>)
      tpu.yield
    }) : () -> ()
    %barrier3A_295 = arith.constant 0 : index
    tpu.barrier barrier_id(%barrier3A_295)
    "tpu.region"() ({
      %run_scoped3A_342 = tpu.sem_alloc : memref<!tpu.dma_semaphore, #tpu.memory_space<semaphore_mem>>
      tpu.enqueue_dma source(%arg6 : memref<128x128xf32, #tpu.memory_space<hbm>>) target(%arg12 : memref<128x128xf32, #tpu.memory_space<vmem>>) target_semaphore(%run_scoped3A_342 : memref<!tpu.dma_semaphore, #tpu.memory_space<semaphore_mem>>)
      tpu.wait_dma2 semaphore(%run_scoped3A_342 : memref<!tpu.dma_semaphore, #tpu.memory_space<semaphore_mem>>) src(%arg6 : memref<128x128xf32, #tpu.memory_space<hbm>>) dst(%arg12 : memref<128x128xf32, #tpu.memory_space<vmem>>)
      tpu.yield
    }) : () -> ()
    %mul3A_296 = arith.constant 640 : i32
    %mul3A_297 = arith.muli %arg1, %mul3A_296 : i32
    %add3A_298 = arith.constant 0 : i32
    %add3A_299 = arith.addi %mul3A_297, %add3A_298 : i32
    "tpu.region"() ({
      %run_scoped3A_342 = tpu.sem_alloc : memref<!tpu.dma_semaphore, #tpu.memory_space<semaphore_mem>>
      %dma_start3A_343 = arith.constant 0 : i32
      %dma_start3A_344 = tpu.memref_slice %arg14[%add3A_299, %dma_start3A_343] : memref<10240x128xf32, #tpu.memory_space<vmem_shared>> -> memref<128x128xf32, #tpu.memory_space<vmem_shared>>
      %dma_start3A_345 = arith.constant 0 : i32
      %dma_start3A_346 = tpu.memref_slice %arg14[%add3A_299, %dma_start3A_345] : memref<10240x128xf32, #tpu.memory_space<vmem_shared>> -> memref<128x128xf32, #tpu.memory_space<vmem_shared>>
      tpu.enqueue_dma source(%arg12 : memref<128x128xf32, #tpu.memory_space<vmem>>) target(%dma_start3A_346 : memref<128x128xf32, #tpu.memory_space<vmem_shared>>) target_semaphore(%run_scoped3A_342 : memref<!tpu.dma_semaphore, #tpu.memory_space<semaphore_mem>>)
      %dma_wait3A_347 = arith.constant 0 : i32
      %dma_wait3A_348 = tpu.memref_slice %arg14[%add3A_299, %dma_wait3A_347] : memref<10240x128xf32, #tpu.memory_space<vmem_shared>> -> memref<128x128xf32, #tpu.memory_space<vmem_shared>>
      %dma_wait3A_349 = arith.constant 0 : i32
      %dma_wait3A_350 = tpu.memref_slice %arg14[%add3A_299, %dma_wait3A_349] : memref<10240x128xf32, #tpu.memory_space<vmem_shared>> -> memref<128x128xf32, #tpu.memory_space<vmem_shared>>
      tpu.wait_dma2 semaphore(%run_scoped3A_342 : memref<!tpu.dma_semaphore, #tpu.memory_space<semaphore_mem>>) src(%arg12 : memref<128x128xf32, #tpu.memory_space<vmem>>) dst(%dma_wait3A_350 : memref<128x128xf32, #tpu.memory_space<vmem_shared>>)
      tpu.yield
    }) : () -> ()
    %mul3A_300 = arith.constant 640 : i32
    %mul3A_301 = arith.muli %arg1, %mul3A_300 : i32
    %add3A_302 = arith.constant 128 : i32
    %add3A_303 = arith.addi %mul3A_301, %add3A_302 : i32
    "tpu.region"() ({
      %run_scoped3A_342 = tpu.sem_alloc : memref<!tpu.dma_semaphore, #tpu.memory_space<semaphore_mem>>
      %dma_start3A_343 = arith.constant 0 : i32
      %dma_start3A_344 = tpu.memref_slice %arg14[%add3A_303, %dma_start3A_343] : memref<10240x128xf32, #tpu.memory_space<vmem_shared>> -> memref<128x128xf32, #tpu.memory_space<vmem_shared>>
      %dma_start3A_345 = arith.constant 0 : i32
      %dma_start3A_346 = tpu.memref_slice %arg14[%add3A_303, %dma_start3A_345] : memref<10240x128xf32, #tpu.memory_space<vmem_shared>> -> memref<128x128xf32, #tpu.memory_space<vmem_shared>>
      tpu.enqueue_dma source(%arg12 : memref<128x128xf32, #tpu.memory_space<vmem>>) target(%dma_start3A_346 : memref<128x128xf32, #tpu.memory_space<vmem_shared>>) target_semaphore(%run_scoped3A_342 : memref<!tpu.dma_semaphore, #tpu.memory_space<semaphore_mem>>)
      %dma_wait3A_347 = arith.constant 0 : i32
      %dma_wait3A_348 = tpu.memref_slice %arg14[%add3A_303, %dma_wait3A_347] : memref<10240x128xf32, #tpu.memory_space<vmem_shared>> -> memref<128x128xf32, #tpu.memory_space<vmem_shared>>
      %dma_wait3A_349 = arith.constant 0 : i32
      %dma_wait3A_350 = tpu.memref_slice %arg14[%add3A_303, %dma_wait3A_349] : memref<10240x128xf32, #tpu.memory_space<vmem_shared>> -> memref<128x128xf32, #tpu.memory_space<vmem_shared>>
      tpu.wait_dma2 semaphore(%run_scoped3A_342 : memref<!tpu.dma_semaphore, #tpu.memory_space<semaphore_mem>>) src(%arg12 : memref<128x128xf32, #tpu.memory_space<vmem>>) dst(%dma_wait3A_350 : memref<128x128xf32, #tpu.memory_space<vmem_shared>>)
      tpu.yield
    }) : () -> ()
    %mul3A_304 = arith.constant 640 : i32
    %mul3A_305 = arith.muli %arg1, %mul3A_304 : i32
    %add3A_306 = arith.constant 256 : i32
    %add3A_307 = arith.addi %mul3A_305, %add3A_306 : i32
    "tpu.region"() ({
      %run_scoped3A_342 = tpu.sem_alloc : memref<!tpu.dma_semaphore, #tpu.memory_space<semaphore_mem>>
      %dma_start3A_343 = arith.constant 0 : i32
      %dma_start3A_344 = tpu.memref_slice %arg14[%add3A_307, %dma_start3A_343] : memref<10240x128xf32, #tpu.memory_space<vmem_shared>> -> memref<128x128xf32, #tpu.memory_space<vmem_shared>>
      %dma_start3A_345 = arith.constant 0 : i32
      %dma_start3A_346 = tpu.memref_slice %arg14[%add3A_307, %dma_start3A_345] : memref<10240x128xf32, #tpu.memory_space<vmem_shared>> -> memref<128x128xf32, #tpu.memory_space<vmem_shared>>
      tpu.enqueue_dma source(%arg12 : memref<128x128xf32, #tpu.memory_space<vmem>>) target(%dma_start3A_346 : memref<128x128xf32, #tpu.memory_space<vmem_shared>>) target_semaphore(%run_scoped3A_342 : memref<!tpu.dma_semaphore, #tpu.memory_space<semaphore_mem>>)
      %dma_wait3A_347 = arith.constant 0 : i32
      %dma_wait3A_348 = tpu.memref_slice %arg14[%add3A_307, %dma_wait3A_347] : memref<10240x128xf32, #tpu.memory_space<vmem_shared>> -> memref<128x128xf32, #tpu.memory_space<vmem_shared>>
      %dma_wait3A_349 = arith.constant 0 : i32
      %dma_wait3A_350 = tpu.memref_slice %arg14[%add3A_307, %dma_wait3A_349] : memref<10240x128xf32, #tpu.memory_space<vmem_shared>> -> memref<128x128xf32, #tpu.memory_space<vmem_shared>>
      tpu.wait_dma2 semaphore(%run_scoped3A_342 : memref<!tpu.dma_semaphore, #tpu.memory_space<semaphore_mem>>) src(%arg12 : memref<128x128xf32, #tpu.memory_space<vmem>>) dst(%dma_wait3A_350 : memref<128x128xf32, #tpu.memory_space<vmem_shared>>)
      tpu.yield
    }) : () -> ()
    %mul3A_308 = arith.constant 640 : i32
    %mul3A_309 = arith.muli %arg1, %mul3A_308 : i32
    %add3A_310 = arith.constant 384 : i32
    %add3A_311 = arith.addi %mul3A_309, %add3A_310 : i32
    "tpu.region"() ({
      %run_scoped3A_342 = tpu.sem_alloc : memref<!tpu.dma_semaphore, #tpu.memory_space<semaphore_mem>>
      %dma_start3A_343 = arith.constant 0 : i32
      %dma_start3A_344 = tpu.memref_slice %arg14[%add3A_311, %dma_start3A_343] : memref<10240x128xf32, #tpu.memory_space<vmem_shared>> -> memref<128x128xf32, #tpu.memory_space<vmem_shared>>
      %dma_start3A_345 = arith.constant 0 : i32
      %dma_start3A_346 = tpu.memref_slice %arg14[%add3A_311, %dma_start3A_345] : memref<10240x128xf32, #tpu.memory_space<vmem_shared>> -> memref<128x128xf32, #tpu.memory_space<vmem_shared>>
      tpu.enqueue_dma source(%arg12 : memref<128x128xf32, #tpu.memory_space<vmem>>) target(%dma_start3A_346 : memref<128x128xf32, #tpu.memory_space<vmem_shared>>) target_semaphore(%run_scoped3A_342 : memref<!tpu.dma_semaphore, #tpu.memory_space<semaphore_mem>>)
      %dma_wait3A_347 = arith.constant 0 : i32
      %dma_wait3A_348 = tpu.memref_slice %arg14[%add3A_311, %dma_wait3A_347] : memref<10240x128xf32, #tpu.memory_space<vmem_shared>> -> memref<128x128xf32, #tpu.memory_space<vmem_shared>>
      %dma_wait3A_349 = arith.constant 0 : i32
      %dma_wait3A_350 = tpu.memref_slice %arg14[%add3A_311, %dma_wait3A_349] : memref<10240x128xf32, #tpu.memory_space<vmem_shared>> -> memref<128x128xf32, #tpu.memory_space<vmem_shared>>
      tpu.wait_dma2 semaphore(%run_scoped3A_342 : memref<!tpu.dma_semaphore, #tpu.memory_space<semaphore_mem>>) src(%arg12 : memref<128x128xf32, #tpu.memory_space<vmem>>) dst(%dma_wait3A_350 : memref<128x128xf32, #tpu.memory_space<vmem_shared>>)
      tpu.yield
    }) : () -> ()
    %mul3A_312 = arith.constant 640 : i32
    %mul3A_313 = arith.muli %arg1, %mul3A_312 : i32
    %add3A_314 = arith.constant 512 : i32
    %add3A_315 = arith.addi %mul3A_313, %add3A_314 : i32
    "tpu.region"() ({
      %run_scoped3A_342 = tpu.sem_alloc : memref<!tpu.dma_semaphore, #tpu.memory_space<semaphore_mem>>
      %dma_start3A_343 = arith.constant 0 : i32
      %dma_start3A_344 = tpu.memref_slice %arg14[%add3A_315, %dma_start3A_343] : memref<10240x128xf32, #tpu.memory_space<vmem_shared>> -> memref<128x128xf32, #tpu.memory_space<vmem_shared>>
      %dma_start3A_345 = arith.constant 0 : i32
      %dma_start3A_346 = tpu.memref_slice %arg14[%add3A_315, %dma_start3A_345] : memref<10240x128xf32, #tpu.memory_space<vmem_shared>> -> memref<128x128xf32, #tpu.memory_space<vmem_shared>>
      tpu.enqueue_dma source(%arg12 : memref<128x128xf32, #tpu.memory_space<vmem>>) target(%dma_start3A_346 : memref<128x128xf32, #tpu.memory_space<vmem_shared>>) target_semaphore(%run_scoped3A_342 : memref<!tpu.dma_semaphore, #tpu.memory_space<semaphore_mem>>)
      %dma_wait3A_347 = arith.constant 0 : i32
      %dma_wait3A_348 = tpu.memref_slice %arg14[%add3A_315, %dma_wait3A_347] : memref<10240x128xf32, #tpu.memory_space<vmem_shared>> -> memref<128x128xf32, #tpu.memory_space<vmem_shared>>
      %dma_wait3A_349 = arith.constant 0 : i32
      %dma_wait3A_350 = tpu.memref_slice %arg14[%add3A_315, %dma_wait3A_349] : memref<10240x128xf32, #tpu.memory_space<vmem_shared>> -> memref<128x128xf32, #tpu.memory_space<vmem_shared>>
      tpu.wait_dma2 semaphore(%run_scoped3A_342 : memref<!tpu.dma_semaphore, #tpu.memory_space<semaphore_mem>>) src(%arg12 : memref<128x128xf32, #tpu.memory_space<vmem>>) dst(%dma_wait3A_350 : memref<128x128xf32, #tpu.memory_space<vmem_shared>>)
      tpu.yield
    }) : () -> ()
    %mul3A_316 = arith.constant 80 : i32
    %mul3A_317 = arith.muli %arg1, %mul3A_316 : i32
    %run_scoped3A_318 = arith.constant 1 : i32
    "tpu.region"() ({
      %run_scoped3A_342 = tpu.sem_alloc : memref<!tpu.dma_semaphore, #tpu.memory_space<semaphore_mem>>
      %dma_start3A_343 = arith.constant 0 : i32
      %dma_start3A_344 = tpu.memref_slice %arg5[%run_scoped3A_318, %arg0, %mul3A_317, %dma_start3A_343] : memref<2x2x1280x128xi32, #tpu.memory_space<hbm>> -> memref<1x1x40x128xi32, #tpu.memory_space<hbm>>
      %dma_start3A_345 = tpu.memref_squeeze %dma_start3A_344 : memref<1x1x40x128xi32, #tpu.memory_space<hbm>> -> memref<40x128xi32, #tpu.memory_space<hbm>>
      %dma_start3A_346 = arith.constant 0 : i32
      %dma_start3A_347 = tpu.memref_slice %arg5[%run_scoped3A_318, %arg0, %mul3A_317, %dma_start3A_346] : memref<2x2x1280x128xi32, #tpu.memory_space<hbm>> -> memref<1x1x40x128xi32, #tpu.memory_space<hbm>>
      %dma_start3A_348 = tpu.memref_squeeze %dma_start3A_347 : memref<1x1x40x128xi32, #tpu.memory_space<hbm>> -> memref<40x128xi32, #tpu.memory_space<hbm>>
      tpu.enqueue_dma source(%dma_start3A_348 : memref<40x128xi32, #tpu.memory_space<hbm>>) target(%arg11 : memref<40x128xi32, #tpu.memory_space<vmem>>) target_semaphore(%run_scoped3A_342 : memref<!tpu.dma_semaphore, #tpu.memory_space<semaphore_mem>>)
      %dma_wait3A_349 = arith.constant 0 : i32
      %dma_wait3A_350 = tpu.memref_slice %arg5[%run_scoped3A_318, %arg0, %mul3A_317, %dma_wait3A_349] : memref<2x2x1280x128xi32, #tpu.memory_space<hbm>> -> memref<1x1x40x128xi32, #tpu.memory_space<hbm>>
      %dma_wait3A_351 = tpu.memref_squeeze %dma_wait3A_350 : memref<1x1x40x128xi32, #tpu.memory_space<hbm>> -> memref<40x128xi32, #tpu.memory_space<hbm>>
      %dma_wait3A_352 = arith.constant 0 : i32
      %dma_wait3A_353 = tpu.memref_slice %arg5[%run_scoped3A_318, %arg0, %mul3A_317, %dma_wait3A_352] : memref<2x2x1280x128xi32, #tpu.memory_space<hbm>> -> memref<1x1x40x128xi32, #tpu.memory_space<hbm>>
      %dma_wait3A_354 = tpu.memref_squeeze %dma_wait3A_353 : memref<1x1x40x128xi32, #tpu.memory_space<hbm>> -> memref<40x128xi32, #tpu.memory_space<hbm>>
      tpu.wait_dma2 semaphore(%run_scoped3A_342 : memref<!tpu.dma_semaphore, #tpu.memory_space<semaphore_mem>>) src(%dma_wait3A_354 : memref<40x128xi32, #tpu.memory_space<hbm>>) dst(%arg11 : memref<40x128xi32, #tpu.memory_space<vmem>>)
      tpu.yield
    }) : () -> ()
    %add3A_319 = arith.constant 40 : i32
    %add3A_320 = arith.addi %mul3A_317, %add3A_319 : i32
    %run_scoped3A_321 = arith.constant 1 : i32
    "tpu.region"() ({
      %run_scoped3A_342 = tpu.sem_alloc : memref<!tpu.dma_semaphore, #tpu.memory_space<semaphore_mem>>
      %dma_start3A_343 = arith.constant 0 : i32
      %dma_start3A_344 = tpu.memref_slice %arg5[%run_scoped3A_321, %arg0, %add3A_320, %dma_start3A_343] : memref<2x2x1280x128xi32, #tpu.memory_space<hbm>> -> memref<1x1x40x128xi32, #tpu.memory_space<hbm>>
      %dma_start3A_345 = tpu.memref_squeeze %dma_start3A_344 : memref<1x1x40x128xi32, #tpu.memory_space<hbm>> -> memref<40x128xi32, #tpu.memory_space<hbm>>
      %dma_start3A_346 = arith.constant 0 : i32
      %dma_start3A_347 = tpu.memref_slice %arg5[%run_scoped3A_321, %arg0, %add3A_320, %dma_start3A_346] : memref<2x2x1280x128xi32, #tpu.memory_space<hbm>> -> memref<1x1x40x128xi32, #tpu.memory_space<hbm>>
      %dma_start3A_348 = tpu.memref_squeeze %dma_start3A_347 : memref<1x1x40x128xi32, #tpu.memory_space<hbm>> -> memref<40x128xi32, #tpu.memory_space<hbm>>
      tpu.enqueue_dma source(%dma_start3A_348 : memref<40x128xi32, #tpu.memory_space<hbm>>) target(%arg10 : memref<40x128xi32, #tpu.memory_space<vmem>>) target_semaphore(%run_scoped3A_342 : memref<!tpu.dma_semaphore, #tpu.memory_space<semaphore_mem>>)
      %dma_wait3A_349 = arith.constant 0 : i32
      %dma_wait3A_350 = tpu.memref_slice %arg5[%run_scoped3A_321, %arg0, %add3A_320, %dma_wait3A_349] : memref<2x2x1280x128xi32, #tpu.memory_space<hbm>> -> memref<1x1x40x128xi32, #tpu.memory_space<hbm>>
      %dma_wait3A_351 = tpu.memref_squeeze %dma_wait3A_350 : memref<1x1x40x128xi32, #tpu.memory_space<hbm>> -> memref<40x128xi32, #tpu.memory_space<hbm>>
      %dma_wait3A_352 = arith.constant 0 : i32
      %dma_wait3A_353 = tpu.memref_slice %arg5[%run_scoped3A_321, %arg0, %add3A_320, %dma_wait3A_352] : memref<2x2x1280x128xi32, #tpu.memory_space<hbm>> -> memref<1x1x40x128xi32, #tpu.memory_space<hbm>>
      %dma_wait3A_354 = tpu.memref_squeeze %dma_wait3A_353 : memref<1x1x40x128xi32, #tpu.memory_space<hbm>> -> memref<40x128xi32, #tpu.memory_space<hbm>>
      tpu.wait_dma2 semaphore(%run_scoped3A_342 : memref<!tpu.dma_semaphore, #tpu.memory_space<semaphore_mem>>) src(%dma_wait3A_354 : memref<40x128xi32, #tpu.memory_space<hbm>>) dst(%arg10 : memref<40x128xi32, #tpu.memory_space<vmem>>)
      tpu.yield
    }) : () -> ()
    %barrier3A_322 = arith.constant 0 : index
    tpu.barrier barrier_id(%barrier3A_322)
    "tpu.region"() ({
      %run_scoped3A_342 = tpu.sem_alloc : memref<!tpu.dma_semaphore, #tpu.memory_space<semaphore_mem>>
      tpu.enqueue_dma source(%arg7 : memref<128x128xf32, #tpu.memory_space<hbm>>) target(%arg12 : memref<128x128xf32, #tpu.memory_space<vmem>>) target_semaphore(%run_scoped3A_342 : memref<!tpu.dma_semaphore, #tpu.memory_space<semaphore_mem>>)
      tpu.wait_dma2 semaphore(%run_scoped3A_342 : memref<!tpu.dma_semaphore, #tpu.memory_space<semaphore_mem>>) src(%arg7 : memref<128x128xf32, #tpu.memory_space<hbm>>) dst(%arg12 : memref<128x128xf32, #tpu.memory_space<vmem>>)
      tpu.yield
    }) : () -> ()
    %scan3A_323 = arith.constant 0 : i32
    %scan3A_324 = arith.constant 0 : i32
    %scan3A_325 = arith.constant 40 : i32
    %scan3A_326 = arith.addi %scan3A_324, %scan3A_325 : i32
    %scan3A_327 = arith.constant 1 : i32
    scf.for %scan3A_342 = %scan3A_324 to %scan3A_326 step %scan3A_327  : i32 {
      %dma_start3A_343 = arith.constant 0 : i32
      %dma_start3A_344 = tpu.memref_slice %arg11[%scan3A_342, %dma_start3A_343] : memref<40x128xi32, #tpu.memory_space<vmem>> -> memref<1x128xi32, #tpu.memory_space<vmem>>
      %dma_start3A_345 = tpu.memref_squeeze %dma_start3A_344 : memref<1x128xi32, #tpu.memory_space<vmem>> -> memref<128xi32, #tpu.memory_space<vmem>>
      %dma_start3A_346 = arith.constant 0 : i32
      %dma_start3A_347 = arith.constant 0 : i32
      %dma_start3A_348 = tpu.memref_slice %arg14[%dma_start3A_346, %dma_start3A_347] : memref<10240x128xf32, #tpu.memory_space<vmem_shared>> -> memref<10240x128xf32, #tpu.memory_space<vmem_shared>>
      tpu.enqueue_indirect_dma source(%arg12 : memref<128x128xf32, #tpu.memory_space<vmem>>) target(%dma_start3A_348 : memref<10240x128xf32, #tpu.memory_space<vmem_shared>>) offsets(%dma_start3A_345 : memref<128xi32, #tpu.memory_space<vmem>>) semaphore(%arg17 : memref<!tpu.dma_semaphore, #tpu.memory_space<semaphore_mem>>) {add = true}
      %dma_start3A_349 = arith.constant 0 : i32
      %dma_start3A_350 = tpu.memref_slice %arg10[%scan3A_342, %dma_start3A_349] : memref<40x128xi32, #tpu.memory_space<vmem>> -> memref<1x128xi32, #tpu.memory_space<vmem>>
      %dma_start3A_351 = tpu.memref_squeeze %dma_start3A_350 : memref<1x128xi32, #tpu.memory_space<vmem>> -> memref<128xi32, #tpu.memory_space<vmem>>
      %dma_start3A_352 = arith.constant 0 : i32
      %dma_start3A_353 = arith.constant 0 : i32
      %dma_start3A_354 = tpu.memref_slice %arg14[%dma_start3A_352, %dma_start3A_353] : memref<10240x128xf32, #tpu.memory_space<vmem_shared>> -> memref<10240x128xf32, #tpu.memory_space<vmem_shared>>
      tpu.enqueue_indirect_dma source(%arg12 : memref<128x128xf32, #tpu.memory_space<vmem>>) target(%dma_start3A_354 : memref<10240x128xf32, #tpu.memory_space<vmem_shared>>) offsets(%dma_start3A_351 : memref<128xi32, #tpu.memory_space<vmem>>) semaphore(%arg17 : memref<!tpu.dma_semaphore, #tpu.memory_space<semaphore_mem>>) {add = true}
    }
    %scan3A_328 = arith.constant 40 : i32
    %scan3A_329 = arith.constant 0 : i32
    %scan3A_330 = arith.constant 0 : i32
    %scan3A_331 = arith.constant 40 : i32
    %scan3A_332 = arith.addi %scan3A_330, %scan3A_331 : i32
    %scan3A_333 = arith.constant 1 : i32
    scf.for %scan3A_342 = %scan3A_330 to %scan3A_332 step %scan3A_333  : i32 {
      %dma_wait3A_343 = arith.constant 0 : i32
      %dma_wait3A_344 = arith.constant 0 : i32
      %dma_wait3A_345 = tpu.memref_slice %arg11[%dma_wait3A_343, %dma_wait3A_344] : memref<40x128xi32, #tpu.memory_space<vmem>> -> memref<1x128xi32, #tpu.memory_space<vmem>>
      %dma_wait3A_346 = tpu.memref_squeeze %dma_wait3A_345 : memref<1x128xi32, #tpu.memory_space<vmem>> -> memref<128xi32, #tpu.memory_space<vmem>>
      %dma_wait3A_347 = arith.constant 0 : i32
      %dma_wait3A_348 = arith.constant 0 : i32
      %dma_wait3A_349 = tpu.memref_slice %arg14[%dma_wait3A_347, %dma_wait3A_348] : memref<10240x128xf32, #tpu.memory_space<vmem_shared>> -> memref<10240x128xf32, #tpu.memory_space<vmem_shared>>
      tpu.wait_indirect_dma semaphore(%arg17 : memref<!tpu.dma_semaphore, #tpu.memory_space<semaphore_mem>>) src(%arg12 : memref<128x128xf32, #tpu.memory_space<vmem>>) dst(%dma_wait3A_349 : memref<10240x128xf32, #tpu.memory_space<vmem_shared>>)
      %dma_wait3A_350 = arith.constant 0 : i32
      %dma_wait3A_351 = arith.constant 0 : i32
      %dma_wait3A_352 = tpu.memref_slice %arg10[%dma_wait3A_350, %dma_wait3A_351] : memref<40x128xi32, #tpu.memory_space<vmem>> -> memref<1x128xi32, #tpu.memory_space<vmem>>
      %dma_wait3A_353 = tpu.memref_squeeze %dma_wait3A_352 : memref<1x128xi32, #tpu.memory_space<vmem>> -> memref<128xi32, #tpu.memory_space<vmem>>
      %dma_wait3A_354 = arith.constant 0 : i32
      %dma_wait3A_355 = arith.constant 0 : i32
      %dma_wait3A_356 = tpu.memref_slice %arg14[%dma_wait3A_354, %dma_wait3A_355] : memref<10240x128xf32, #tpu.memory_space<vmem_shared>> -> memref<10240x128xf32, #tpu.memory_space<vmem_shared>>
      tpu.wait_indirect_dma semaphore(%arg17 : memref<!tpu.dma_semaphore, #tpu.memory_space<semaphore_mem>>) src(%arg12 : memref<128x128xf32, #tpu.memory_space<vmem>>) dst(%dma_wait3A_356 : memref<10240x128xf32, #tpu.memory_space<vmem_shared>>)
    }
    %scan3A_334 = arith.constant 40 : i32
    %barrier3A_335 = arith.constant 0 : index
    tpu.barrier barrier_id(%barrier3A_335)
    %lt3A_336 = arith.constant 8 : i32
    %lt3A_337 = arith.cmpi slt, %arg1, %lt3A_336 : i32
    %convert_element_type3A_338 = arith.extui %lt3A_337 : i1 to i32
    %cond3A_339 = arith.constant 0 : i32
    %cond3A_340 = arith.cmpi ne, %convert_element_type3A_338, %cond3A_339 : i32
    scf.if %cond3A_340 {
      %mul3A_342 = arith.constant 640 : i32
      %mul3A_343 = arith.muli %arg1, %mul3A_342 : i32
      %mul3A_344 = arith.constant 5120 : i32
      %mul3A_345 = arith.muli %arg0, %mul3A_344 : i32
      %mul3A_346 = arith.constant 640 : i32
      %mul3A_347 = arith.muli %arg1, %mul3A_346 : i32
      %add3A_348 = arith.addi %mul3A_345, %mul3A_347 : i32
      %run_scoped3A_349 = arith.constant 1 : i32
      "tpu.region"() ({
        %run_scoped3A_350 = tpu.sem_alloc : memref<!tpu.dma_semaphore, #tpu.memory_space<semaphore_mem>>
        %dma_start3A_351 = arith.constant 0 : i32
        %dma_start3A_352 = tpu.memref_slice %arg9[%run_scoped3A_349, %add3A_348, %dma_start3A_351] : memref<2x10240x128xf32, #tpu.memory_space<hbm>> -> memref<1x640x128xf32, #tpu.memory_space<hbm>>
        %dma_start3A_353 = tpu.memref_squeeze %dma_start3A_352 : memref<1x640x128xf32, #tpu.memory_space<hbm>> -> memref<640x128xf32, #tpu.memory_space<hbm>>
        %dma_start3A_354 = arith.constant 0 : i32
        %dma_start3A_355 = tpu.memref_slice %arg14[%mul3A_343, %dma_start3A_354] : memref<10240x128xf32, #tpu.memory_space<vmem_shared>> -> memref<640x128xf32, #tpu.memory_space<vmem_shared>>
        tpu.enqueue_dma source(%dma_start3A_355 : memref<640x128xf32, #tpu.memory_space<vmem_shared>>) target(%dma_start3A_353 : memref<640x128xf32, #tpu.memory_space<hbm>>) target_semaphore(%run_scoped3A_350 : memref<!tpu.dma_semaphore, #tpu.memory_space<semaphore_mem>>)
        %dma_wait3A_356 = arith.constant 0 : i32
        %dma_wait3A_357 = tpu.memref_slice %arg9[%run_scoped3A_349, %add3A_348, %dma_wait3A_356] : memref<2x10240x128xf32, #tpu.memory_space<hbm>> -> memref<1x640x128xf32, #tpu.memory_space<hbm>>
        %dma_wait3A_358 = tpu.memref_squeeze %dma_wait3A_357 : memref<1x640x128xf32, #tpu.memory_space<hbm>> -> memref<640x128xf32, #tpu.memory_space<hbm>>
        %dma_wait3A_359 = arith.constant 0 : i32
        %dma_wait3A_360 = tpu.memref_slice %arg14[%mul3A_343, %dma_wait3A_359] : memref<10240x128xf32, #tpu.memory_space<vmem_shared>> -> memref<640x128xf32, #tpu.memory_space<vmem_shared>>
        tpu.wait_dma2 semaphore(%run_scoped3A_350 : memref<!tpu.dma_semaphore, #tpu.memory_space<semaphore_mem>>) src(%dma_wait3A_360 : memref<640x128xf32, #tpu.memory_space<vmem_shared>>) dst(%dma_wait3A_358 : memref<640x128xf32, #tpu.memory_space<hbm>>)
        tpu.yield
      }) : () -> ()
    } else {
    }
    %barrier3A_341 = arith.constant 0 : index
    tpu.barrier barrier_id(%barrier3A_341)
    return
  }
}

module attributes {stable_mosaic.version = 14 : i64} {
  func.func @_tc_body(%arg0: i32, %arg1: memref<1000x256xf32, #tpu.memory_space<vmem>>, %arg2: memref<1000x16xf32, #tpu.memory_space<vmem>>, %arg3: memref<1000x256xf32, #tpu.memory_space<vmem>>, %arg4: memref<256x256xf32, #tpu.memory_space<vmem>>, %arg5: memref<256x256xf32, #tpu.memory_space<vmem>>, %arg6: memref<1x256xf32, #tpu.memory_space<vmem>>, %arg7: memref<1000x256xf32, #tpu.memory_space<vmem>>) attributes {dimension_semantics = [#tpu.dimension_semantics<arbitrary>], iteration_bounds = array<i64: 10>, scalar_prefetch = 0 : i64, scratch_operands = 0 : i64, tpu.core_type = #tpu.core_type<tc>, window_params = [{transform_indices = @transform_0, window_bounds = array<i64: 1000, 256>}, {transform_indices = @transform_1, window_bounds = array<i64: 1000, 16>}, {transform_indices = @transform_2, window_bounds = array<i64: 1000, 256>}, {pipeline_mode = #tpu.pipeline_mode<synchronous>, transform_indices = @transform_3, window_bounds = array<i64: 256, 256>}, {pipeline_mode = #tpu.pipeline_mode<synchronous>, transform_indices = @transform_4, window_bounds = array<i64: 256, 256>}, {pipeline_mode = #tpu.pipeline_mode<synchronous>, transform_indices = @transform_5, window_bounds = array<i64: 1, 256>}, {transform_indices = @transform_6, window_bounds = array<i64: 1000, 256>}]} {
    %get3A = arith.constant 0 : index
    %get3A_0 = arith.constant 0 : index
    %get3A_1 = vector.load %arg2[%get3A, %get3A_0] : memref<1000x16xf32, #tpu.memory_space<vmem>>, vector<1000x1xf32>
    %get3A_2 = arith.constant 0 : index
    %get3A_3 = arith.constant 0 : index
    %get3A_4 = vector.load %arg1[%get3A_2, %get3A_3] : memref<1000x256xf32, #tpu.memory_space<vmem>>, vector<1000x256xf32>
    %max3A = arith.constant 1.000000e+00 : f32
    %max3A_5 = vector.broadcast %max3A : f32 to vector<1000x1xf32>
    %max3A_6 = arith.maximumf %get3A_1, %max3A_5 : vector<1000x1xf32>
    %div3A = arith.constant 1.000000e+00 : f32
    %div3A_7 = vector.broadcast %div3A : f32 to vector<1000x1xf32>
    %div3A_8 = arith.divf %div3A_7, %max3A_6 : vector<1000x1xf32>
    %mul3A = vector.broadcast %div3A_8 : vector<1000x1xf32> to vector<1000x256xf32>
    %mul3A_9 = arith.mulf %get3A_4, %mul3A : vector<1000x256xf32>
    %get3A_10 = arith.constant 0 : index
    %get3A_11 = arith.constant 0 : index
    %get3A_12 = vector.load %arg4[%get3A_10, %get3A_11] : memref<256x256xf32, #tpu.memory_space<vmem>>, vector<256x256xf32>
    %dot_general3A = arith.constant dense<0.000000e+00> : vector<1000x256xf32>
    %dot_general3A_13 = tpu.matmul %mul3A_9, %get3A_12, %dot_general3A {dimension_numbers = #tpu.dot_dimension_numbers<[1], [1], [0], [0], [0, 0, 1, 0], [], []>, transpose_lhs_hint = false} : vector<1000x256xf32>, vector<256x256xf32>, vector<1000x256xf32> -> vector<1000x256xf32>
    %get3A_14 = arith.constant 0 : index
    %get3A_15 = arith.constant 0 : index
    %get3A_16 = vector.load %arg3[%get3A_14, %get3A_15] : memref<1000x256xf32, #tpu.memory_space<vmem>>, vector<1000x256xf32>
    %get3A_17 = arith.constant 0 : index
    %get3A_18 = arith.constant 0 : index
    %get3A_19 = vector.load %arg5[%get3A_17, %get3A_18] : memref<256x256xf32, #tpu.memory_space<vmem>>, vector<256x256xf32>
    %dot_general3A_20 = arith.constant dense<0.000000e+00> : vector<1000x256xf32>
    %dot_general3A_21 = tpu.matmul %get3A_16, %get3A_19, %dot_general3A_20 {dimension_numbers = #tpu.dot_dimension_numbers<[1], [1], [0], [0], [0, 0, 1, 0], [], []>, transpose_lhs_hint = false} : vector<1000x256xf32>, vector<256x256xf32>, vector<1000x256xf32> -> vector<1000x256xf32>
    %add3A = arith.addf %dot_general3A_13, %dot_general3A_21 : vector<1000x256xf32>
    %get3A_22 = arith.constant 0 : index
    %get3A_23 = arith.constant 0 : index
    %get3A_24 = vector.load %arg6[%get3A_22, %get3A_23] : memref<1x256xf32, #tpu.memory_space<vmem>>, vector<1x256xf32>
    %add3A_25 = vector.broadcast %get3A_24 : vector<1x256xf32> to vector<1000x256xf32>
    %add3A_26 = arith.addf %add3A, %add3A_25 : vector<1000x256xf32>
    %swap3A = arith.constant 0 : index
    %swap3A_27 = arith.constant 0 : index
    %swap3A_28 = vector.load %arg7[%swap3A, %swap3A_27] : memref<1000x256xf32, #tpu.memory_space<vmem>>, vector<1000x256xf32>
    tpu.vector_store %arg7[%swap3A, %swap3A_27], %add3A_26 {strides = array<i32>} : memref<1000x256xf32, #tpu.memory_space<vmem>>, vector<1000x256xf32>,
    return
  }
  func.func @transform_0(%arg0: i32) -> (i32, i32) {
    %c0_i32 = arith.constant 0 : i32
    %c0_i32_0 = arith.constant 0 : i32
    return %arg0, %c0_i32 : i32, i32
  }
  func.func @transform_1(%arg0: i32) -> (i32, i32) {
    %c0_i32 = arith.constant 0 : i32
    %c0_i32_0 = arith.constant 0 : i32
    return %arg0, %c0_i32 : i32, i32
  }
  func.func @transform_2(%arg0: i32) -> (i32, i32) {
    %c0_i32 = arith.constant 0 : i32
    %c0_i32_0 = arith.constant 0 : i32
    return %arg0, %c0_i32 : i32, i32
  }
  func.func @transform_3(%arg0: i32) -> (i32, i32) {
    %c0_i32 = arith.constant 0 : i32
    %c0_i32_0 = arith.constant 0 : i32
    %c0_i32_1 = arith.constant 0 : i32
    return %c0_i32, %c0_i32_0 : i32, i32
  }
  func.func @transform_4(%arg0: i32) -> (i32, i32) {
    %c0_i32 = arith.constant 0 : i32
    %c0_i32_0 = arith.constant 0 : i32
    %c0_i32_1 = arith.constant 0 : i32
    return %c0_i32, %c0_i32_0 : i32, i32
  }
  func.func @transform_5(%arg0: i32) -> (i32, i32) {
    %c0_i32 = arith.constant 0 : i32
    %c0_i32_0 = arith.constant 0 : i32
    %c0_i32_1 = arith.constant 0 : i32
    return %c0_i32, %c0_i32_0 : i32, i32
  }
  func.func @transform_6(%arg0: i32) -> (i32, i32) {
    %c0_i32 = arith.constant 0 : i32
    %c0_i32_0 = arith.constant 0 : i32
    return %arg0, %c0_i32 : i32, i32
  }
}

</mosaic_0001>

<sc_bundles>
// kernel: kernel.5.cloned.1.call-start
scs
__scs_entry_jumppad:
0x0: {  	(pc) =	sbr.rel $0x88, $3  }
0x1: {  	(tag) =	ssettag $0x0;
	lr =	simm.s32 $0x1  }
0x2: {  	[smem:$0x3F97] =	sst lr;
	_ =	strace $0xD0000000  }
0x3: {  	_ = 	snop  }
0x4: {  	_ = 	snop  }
0x5: {  	_ = 	snop  }
0x6: {  	_ = 	snop  }
0x7: {  	_ = 	snop  }
__scs_overlays_trampoline_lowered:
0x8: {  	[smem:$0x3FA6] =	sst s0  }
0x9: {  	[smem:$0x3FA7] =	sst s1  }
0xa: {  	[smem:$0x3FA8] =	sst s2  }
0xb: {  	[smem:$0x3FA9] =	sst s3  }
0xc: {  	[smem:$0x3FAA] =	sst s4  }
0xd: {  	[smem:$0x3FAB] =	sst s5  }
0xe: {  	[smem:$0x3FAC] =	sst s6  }
0xf: {  	[smem:$0x3FAD] =	sst s7  }
0x10: {  	[smem:$0x3FAE] =	sst s8  }
0x11: {  	[smem:$0x3FAF] =	sst s9;
	s0 =	simm.s32 @!p0 $0x0  }
0x12: {  	s1 =	sld [smem:$0x3F95];
	s0 =	simm.s32 @p0 $0x1  }
0x13: {  	[smem:$0x3FB0] =	sst s0;
	s0 =	simm.s32 @!p1 $0x0  }
0x14: {  	s2 =	sld [smem:$0x3F94];
	s0 =	simm.s32 @p1 $0x1  }
0x15: {  	[smem:$0x3FB1] =	sst s0;
	s0 =	simm.s32 @!p2 $0x0  }
0x16: {  	s3 =	sld [smem:$0x3FDB];
	s0 =	simm.s32 @p2 $0x1  }
0x17: {  	s4 =	simm.s32 $0x1BF5;
	[smem:$0x3FB3] =	sst s0  }
0x18: {  	s0 =	sld [smem:$0x3F96];
	_ =	swait.ge [sflag:s4], $0x0  }
0x19: {  	s7 =	sld [smem:$0x3F97]  }
0x1a: {  	s8 =	sadd.s32 $0xFFFFE003, lr  }
0x1b: {  	s9 =	sadd.s32 $0xFFFFFEF7, lr;
	s5 =	simm.s32 $0xFFFFFFFF;
	p2 =	slt.u32 s8, $0xFFFFF086  }
0x1c: {  	p1 =	slt.u32 s9, $0xF7A;
	s5 =	simm.s32 @!p2 $0x0  }
0x1d: {  	s5 =	simm.s32 @p1 $0x1;
	p0 =	seq.s32 s7, s2  }
0x1e: {  	s7 =	smul.u32 @!p0 $0xF7A, s2;
	p2 =	seq.s32 @!p0 s5, $0x0  }
0x1f: {  	s9 =	smul.u32 $0xF7A, s1;
	s8 =	simm.s32 @!p0 $0x1BF5;
	p2 =	por !p2, p0  }
0x20: {  	[sflag:s8] =	ssyncset.s32 @!p0 $0xFFFFF086;
	s6 =	sadd.s32 @!p0 s3, s7;
	s7 =	simm.s32 @!p0 $0x108  }
0x21: {  	s3 =	sadd.s32 s3, s9;
	s6 =	sadd.s32 @!p0 $0x88, s6;
	s7 =	simm.s32 @p2 $0x1082  }
0x22: {  	[simem:s7], [sflag:s8] =	dma.local @!p0 [hbm:s6], $0xF7A  }
0x23: {  	s9 =	sor.u32 $0xD0000000, s2;
	s6 =	simm.s32 $0x108;
	_ =	swait.ge @!p0 [sflag:s8], $0x0  }
0x24: {  	s3 =	sadd.s32 $0x88, s3;
	s6 =	simm.s32 @!p1 $0x1082;
	[sflag:s4] =	ssyncset.s32 $0xFFFFF086  }
0x25: {  	[simem:s6], [sflag:s4] =	dma.local [hbm:s3], $0xF7A  }
0x26: {  	[smem:$0x3F97] =	sst s1;
	(tag) =	ssettag s2;
	_ =	strace s9  }
0x27: {  	s1 =	sld [smem:$0x3FA7]  }
0x28: {  	s2 =	sld [smem:$0x3FA8]  }
0x29: {  	s4 =	sld [smem:$0x3FAA]  }
0x2a: {  	p0 =	seq.s32 s5, $0x0;
	s5 =	sld [smem:$0x3FAB]  }
0x2b: {  	s6 =	sld [smem:$0x3FAC]  }
0x2c: {  	s7 =	sld [smem:$0x3FAD]  }
0x2d: {  	s3 =	simm.s32 $0x108;
	s8 =	sld [smem:$0x3FAE]  }
0x2e: {  	s3 =	simm.s32 @!p0 $0x1082;
	s9 =	sld [smem:$0x3FAF]  }
0x2f: {  	lr =	sadd.s32 s0, s3;
	s0 =	sld [smem:$0x3FA6]  }
0x30: {  	s3 =	sld [smem:$0x3FA9]  }
0x31: {  	[smem:$0x3FB2] =	sst s10  }
0x32: {  	s10 =	sld [smem:$0x3FB0];
	_ =	sdelay $0x3  }
0x33: {  	p0 =	seq.s32 s10, $0x1;
	s10 =	sld [smem:$0x3FB2];
	_ =	sdelay $0x3  }
0x34: {  	[smem:$0x3FB2] =	sst s10  }
0x35: {  	s10 =	sld [smem:$0x3FB1];
	_ =	sdelay $0x3  }
0x36: {  	p1 =	seq.s32 s10, $0x1;
	s10 =	sld [smem:$0x3FB2];
	_ =	sdelay $0x3  }
0x37: {  	[smem:$0x3FB2] =	sst s10  }
0x38: {  	s10 =	sld [smem:$0x3FB3]  }
0x39: {  	_ = 	snop;
	(pc) =	sbr.ind lr, $3  }
0x3a: {  	_ = 	snop  }
0x3b: {  	_ = 	snop  }
0x3c: {  	p2 =	seq.s32 s10, $0x1;
	s10 =	sld [smem:$0x3FB2]  }
0x3d: {  	_ =	shalt  }
0x3e: {  	_ =	shalt  }
0x3f: {  	_ =	shalt  }
0x40: {  	_ =	shalt  }
0x41: {  	_ =	shalt  }
0x42: {  	_ =	shalt  }
0x43: {  	_ =	shalt  }
0x44: {  	_ =	shalt  }
0x45: {  	_ =	shalt  }
0x46: {  	_ =	shalt  }
0x47: {  	_ =	shalt  }
0x48: {  	_ =	shalt  }
0x49: {  	_ =	shalt  }
0x4a: {  	_ =	shalt  }
0x4b: {  	_ =	shalt  }
0x4c: {  	_ =	shalt  }
0x4d: {  	_ =	shalt  }
0x4e: {  	_ =	shalt  }
0x4f: {  	_ =	shalt  }
0x50: {  	_ =	shalt  }
0x51: {  	_ =	shalt  }
0x52: {  	_ =	shalt  }
0x53: {  	_ =	shalt  }
0x54: {  	_ =	shalt  }
0x55: {  	_ =	shalt  }
0x56: {  	_ =	shalt  }
0x57: {  	_ =	shalt  }
0x58: {  	_ =	shalt  }
0x59: {  	_ =	shalt  }
0x5a: {  	_ =	shalt  }
0x5b: {  	_ =	shalt  }
0x5c: {  	_ =	shalt  }
0x5d: {  	_ =	shalt  }
0x5e: {  	_ =	shalt  }
0x5f: {  	_ =	shalt  }
0x60: {  	_ =	shalt  }
0x61: {  	_ =	shalt  }
0x62: {  	_ =	shalt  }
0x63: {  	_ =	shalt  }
0x64: {  	_ =	shalt  }
0x65: {  	_ =	shalt  }
0x66: {  	_ =	shalt  }
0x67: {  	_ =	shalt  }
0x68: {  	_ =	shalt  }
0x69: {  	_ =	shalt  }
0x6a: {  	_ =	shalt  }
0x6b: {  	_ =	shalt  }
0x6c: {  	_ =	shalt  }
0x6d: {  	_ =	shalt  }
0x6e: {  	_ =	shalt  }
0x6f: {  	_ =	shalt  }
0x70: {  	_ =	shalt  }
0x71: {  	_ =	shalt  }
0x72: {  	_ =	shalt  }
0x73: {  	_ =	shalt  }
0x74: {  	_ =	shalt  }
0x75: {  	_ =	shalt  }
0x76: {  	_ =	shalt  }
0x77: {  	_ =	shalt  }
0x78: {  	_ =	shalt  }
0x79: {  	_ =	shalt  }
0x7a: {  	_ =	shalt  }
0x7b: {  	_ =	shalt  }
0x7c: {  	_ =	shalt  }
0x7d: {  	_ =	shalt  }
0x7e: {  	_ =	shalt  }
0x7f: {  	_ =	shalt  }
0x80: {  	_ =	shalt  }
0x81: {  	_ =	shalt  }
0x82: {  	_ =	shalt  }
0x83: {  	_ =	shalt  }
0x84: {  	_ =	shalt  }
0x85: {  	_ =	shalt  }
0x86: {  	_ =	shalt  }
0x87: {  	_ =	shalt  }
.Lfunc_end0:
.L_simem_size_0:
called_computation_lowered:
.L_overlay_start_0:
0x88: {  	s2 =	sld [smem:$0x3FD9]  }
0x89: {  	s3 =	sld [smem:$0x3FFE];
	_ =	sdelay $0x1  }
0x8a: {  	s1 =	srdreg.scid  }
0x8b: {  	s0 =	sand.u32 $0x1, s1  }
0x8c: {  	s14 =	sshll.u32 s0, $0xA;
	s2 =	sadd.s32 s3, s2  }
0x8d: {  	s2 =	sadd.s32 s2, s14  }
0x8e: {  	[smem:$0x3FBE] =	sst s2  }
0x8f: {  	_ = 	snop  }
0x90: {  	s2 =	sld [smem:$0x3FD0];
	_ =	sdelay $0x2  }
0x91: {  	s15 =	simm.s32 $0xA;
	s4 =	simm.s32 $0x10  }
0x92: {  	[smem:s4], [sflag:s15] =	dma.local [hbm:s2], $0x1  }
0x93: {  	_ =	swait.eq [sflag:s15], $0x1  }
0x94: {  	[sflag:s15] =	ssyncset.done $0x0  }
0x95: {  	s16 =	sld [smem:$0x10];
	[sflag:s15] =	ssyncadd.s32 $0xFFFFFFFF  }
0x96: {  	s17 =	sld [smem:$0x11];
	(tm) =	ssettm $0x1  }
0x97: {  	s18 =	sld [smem:$0x3FFB];
	_ =	sdelay $0x3  }
0x98: {  	_ =	strace s18  }
0x99: {  	s4 =	sld [smem:$0x3FFC];
	_ =	sdelay $0x3  }
0x9a: {  	_ =	strace s4  }
0x9b: {  	s4 =	sld [smem:$0x3FFD];
	_ =	sdelay $0x3  }
0x9c: {  	_ =	strace s4  }
0x9d: {  	_ =	strace $0x8FFFFFFF  }
0x9e: {  	s19 =	sld [smem:$0x3FDB];
	_ =	sdelay $0x1  }
0x9f: {  	s5 =	simm.s32 $_scs_section_size  }
0xa0: {  	s6 =	simm.s32 $_size__tile_overlayer_lowered;
	s7 =	simm.s32 $_tile_overlayer_lowered  }
0xa1: {  	s22 =	simm.s32 $0x1BFF;
	s21 =	sshll.u32 s7, $0x1;
	s4 =	sadd.s32 s5, s19  }
0xa2: {  	s8 =	simm.s32 $0x0;
	s20 =	sshll.u32 s6, $0x1;
	s6 =	sadd.s32 s21, s4  }
0xa3: {  	[timem:s8], [sflag:s22] =	dma.local [hbm:s6], s20  }
0xa4: {  	_ =	swait.ge [sflag:s22], s20  }
0xa5: {  	s5 =	ssub.s32 $0x0, s20;
	[sflag:s22] =	ssyncset.done $0x0  }
0xa6: {  	[sflag:s22] =	ssyncadd.s32 s5;
	_ =	sdelay $0x1  }
0xa7: {  	s23 =	simm.s32 $0x1B8B  }
0xa8: {  	_ =	swait.ge [sflag:s23], $0x1  }
0xa9: {  	[sflag:s23] =	ssyncset.done $0x0  }
0xaa: {  	s25 =	simm.s32 $0x1B8E;
	s24 =	sld [smem:$0x3FFE];
	[sflag:s23] =	ssyncadd.s32 $0xFFFFFFFF  }
0xab: {  	s26 =	simm.s32 $execute0_lowered;
	[smem:$0x3FD2] =	sst s25  }
0xac: {  	s6 =	sshll.u32 s26, $0x1;
	_ =	strace $0x80000046;
	[dreg:$0x1] =	wrdreg $0xFFFFFFFF  }
0xad: {  	s28 =	simm.s32 $_size_execute0_lowered;
	s4 =	sadd.s32 s4, s6;
	[dreg:$0x0] =	wrdreg $0x0  }
0xae: {  	s6 =	sshll.u32 s28, $0x1;
	[dreg:$0x2] =	wrdreg s4  }
0xaf: {  	[dreg:$0x3] =	wrdreg s6  }
0xb0: {  	[dreg:$0x4] =	wrdreg $0xC0  }
0xb1: {  	_ =	task [dreg:s8], $0x5FFFF  }
0xb2: {  	[dreg:$0x1] =	wrdreg $0xFFFFFFFF  }
0xb3: {  	[dreg:$0x0] =	wrdreg $0x60  }
0xb4: {  	[dreg:$0x2] =	wrdreg s24  }
0xb5: {  	[dreg:$0x3] =	wrdreg s17  }
0xb6: {  	[dreg:$0x4] =	wrdreg s16  }
0xb7: {  	[dreg:$0x5] =	wrdreg $0xA8000  }
0xb8: {  	[dreg:$0x6] =	wrdreg $0x9  }
0xb9: {  	_ =	task.clear_ibuf [dreg:s8], $0x7FFFF;
	_ =	strace $0x90000046  }
0xba: {  	s29 =	simm.s32 $0x9;
	_ =	strace $0x80000048  }
0xbb: {  	_ =	swait.ge [sflag:s29], $0x1  }
0xbc: {  	[sflag:s29] =	ssyncadd.s32 $0xFFFFFFFF  }
0xbd: {  	_ =	strace $0x90000048  }
0xbe: {  	_ =	sfence  }
0xbf: {  	s30 =	sld [smem:$0x0];
	_ =	sdelay $0x2  }
0xc0: {  	s31 =	sshll.u32 s1, $0xD;
	s1 =	sshrl.u32 s1, $0x2  }
0xc1: {  	s3 =	sand.u32 $0x4000, s31;
	s1 =	sadd.s32 s1, s30  }
0xc2: {  	s0 =	sor.u32 s3, s0;
	s1 =	sshll.u32 s1, $0x11  }
0xc3: {  	s0 =	sor.u32 s1, s0  }
0xc4: {  	s0 =	sadd.s32 $0x8F2B, s0  }
0xc5: {  	[sflag:s0] =	ssyncadd.remote.s32 $0x1  }
0xc6: {  	_ =	sfence.sel $0xFFFF  }
0xc7: {  	[dreg:$0x0] =	wrdreg $0xFFFFFFFF;
	(pc) =	sbr.abs _section_cstart, $3  }
0xc8: {  	[dreg:$0x1] =	wrdreg $0xFFFFFFFF  }
0xc9: {  	_ =	task.clear_ibuf [dreg:s8], $0x2FFFF;
	_ =	strace $0x9FFFFFFF  }
0xca: {  	(tm) =	ssettm $0x7FFFFFFF  }
0xcb: {  	_ =	shalt  }
tec
execute0_lowered:
.L_overlay_start_1:
0x0: {  	(tag) =	ssettag $0x1  }
0x1: {  	s0 =	rddreg [dreg:$0x0]  }
0x2: {  	s2 =	rddreg [dreg:$0x1]  }
0x3: {  	s10 =	rddreg [dreg:$0x2]  }
0x4: {  	s1 =	rddreg [dreg:$0x3];
	s19 =	stileid.u32  }
0x5: {  	s3 =	srdreg.scid;
	s9 =	smul.u32 $0x14000, s19  }
0x6: {  	s31 =	simm.s32 $0x2800;
	s7 =	sand.u32 $0x1, s3;
	s11 =	smul.u32 $0x280, s19  }
0x7: {  	s3 =	simm.s32 $0x0;
	s4 =	sadd.s32 $0x21400, s0;
	s18 =	smul.u32 $0x50000, s19  }
0x8: {  	s12 =	sadd.s32 $0x17400, s0;
	s5 =	sadd.s32 $0x3C00, s0;
	s23 =	smul.u32 $0x2800, s19  }
0x9: {  	s6 =	sadd.s32 $0x3400, s0;
	p0 =	sgt.u32 s19, $0x7;
	s8 =	smul.u32 $0x140000, s7  }
0xa: {  	s19 =	simm.s32 $0x2780;
	[smem:$0x7FF] =	sst s3;
	s13 =	smul.u32 $0x1400, s7  }
0xb: {  	s14 =	smul.u32 $0x28000, s7;
	s21 =	ssub.s32 $0x2, s7;
	_ =	strace $0x80000047  }
0xc: {  	s22 =	sshrl.u32 s18, $0x2;
	s24 =	sshrl.u32 s21, $0x1;
	s18 =	sadd.s32 $0x1400, s23  }
0xd: {  	s8 =	sadd.s32 s9, s8;
	s17 =	sadd.s32 s11, s13;
	s7 =	sadd.s32 s22, s1  }
0xe: {  	s16 =	ssub.s32 s21, s24;
	s11 =	sshrl.u32 s23, $0x3;
	s8 =	sshrl.u32 s8, $0x3  }
0xf: {  	s20 =	sshll.u32 s17, $0x4;
	s17 =	sadd.s32 s23, s14;
	s9 =	sadd.s32 $0x8000, s7  }
0x10: {  	s14 =	sadd.s32 s14, s18;
	s11 =	sadd.s32 s12, s11;
	s18 =	sshrl.u32 s18, $0x3  }
0x11: {  	s28 =	sadd.s32 $0x10000, s7;
	s13 =	sadd.s32 s8, s0;
	s15 =	sadd.s32 s20, s0  }
0x12: {  	s8 =	sadd.s32 $0x4000, s7;
	s17 =	sshrl.u32 s17, $0x3;
	s12 =	sadd.s32 s12, s18  }
0x13: {  	s14 =	sshrl.u32 s14, $0x3;
	s20 =	sadd.s32 s2, s17;
	[dreg:$0x7] =	wrdreg s12  }
0x14: {  	s30 =	sadd.s32 $0x5280, s11;
	s25 =	sadd.s32 s2, s14;
	[dreg:$0x5] =	wrdreg s20  }
0x15: {  	s26 =	sadd.s32 $0xBD800, s13;
	s29 =	sadd.s32 s10, s17;
	[dreg:$0x6] =	wrdreg s25  }
0x16: {  	s18 =	sadd.s32 s10, s14;
	s21 =	sadd.s32 $0xA000, s14;
	[dreg:$0x8] =	wrdreg s26  }
0x17: {  	s23 =	sadd.s32 $0x15D800, s15;
	s24 =	sadd.s32 $0x10D800, s13;
	[dreg:$0x9] =	wrdreg s29  }
0x18: {  	s12 =	simm.s32 $0x6800;
	s13 =	simm.s32 $0x1;
	[dreg:$0xa] =	wrdreg s18  }
0x19: {  	s14 =	simm.s32 $0x2;
	s20 =	sadd.s32 $0xA000, s17;
	[dreg:$0xe] =	wrdreg s23  }
0x1a: {  	s18 =	sadd.s32 $0x6F600, s0;
	s0 =	sadd.s32 s10, s21;
	[dreg:$0x10] =	wrdreg s24  }
0x1b: {  	s25 =	sadd.s32 $0x185800, s15;
	s26 =	smax.u32 s16, $0x1;
	[dreg:$0xf] =	wrdreg s0  }
0x1c: {  	s29 =	sadd.s32 $0x5000, s11;
	s15 =	simm.s32 $0x3;
	[dreg:$0x11] =	wrdreg s25  }
0x1d: {  	s16 =	simm.s32 $0x4;
	s17 =	sadd.s32 s2, s20;
	[dreg:$0x12] =	wrdreg s26  }
0x1e: {  	s2 =	sadd.s32 s2, s21;
	s22 =	sadd.s32 s10, s20;
	[dreg:$0x13] =	wrdreg s29  }
0x1f: {  	s26 =	sadd.s32 $0xC000, s7;
	s0 =	simm.s32 $0x5;
	[dreg:$0xb] =	wrdreg s17  }
0x20: {  	s10 =	simm.s32 $0x80;
	s20 =	simm.s32 $0x0;
	[dreg:$0xc] =	wrdreg s2  }
0x21: {  	[dreg:$0xd] =	wrdreg s22;
	s2 =	simm.s32 $0x1400;
	s17 =	simm.s32 $0x2700  }
.LBB2_1:
0x22: {  	[tilespmem:s31], [sflag:$0x5] =	stream.linear.gather [hbm4b:s5+s3], $0x4000, $0x38;
	[tilespmem:$0x1E800] =	vst v63  }
0x23: {  	_ =	swait.ge [sflag:s0], $0x4000  }
0x24: {  	[sflag:s0] =	ssyncset.done $0x0  }
0x25: {  	[sflag:s0] =	ssyncadd.s32 $0xFFFFC000  }
0x26: {  	[spmem:s7] =	stream.linear.scatter [tilespmem:s31], [sflag:$0x5], $0x4000, $0x38;
	[tilespmem:$0x1E800] =	vst v63  }
0x27: {  	_ =	swait.ge [sflag:s0], $0x4000  }
0x28: {  	[sflag:s0] =	ssyncset.done $0x0  }
0x29: {  	[sflag:s0] =	ssyncadd.s32 $0xFFFFC000  }
0x2a: {  	[spmem:s8] =	stream.linear.scatter [tilespmem:s31], [sflag:$0x5], $0x4000, $0x38;
	[tilespmem:$0x1E800] =	vst v63  }
0x2b: {  	_ =	swait.ge [sflag:s0], $0x4000  }
0x2c: {  	[sflag:s0] =	ssyncset.done $0x0  }
0x2d: {  	[sflag:s0] =	ssyncadd.s32 $0xFFFFC000  }
0x2e: {  	[spmem:s9] =	stream.linear.scatter [tilespmem:s31], [sflag:$0x5], $0x4000, $0x38;
	[tilespmem:$0x1E800] =	vst v63  }
0x2f: {  	_ =	swait.ge [sflag:s0], $0x4000  }
0x30: {  	[sflag:s0] =	ssyncset.done $0x0  }
0x31: {  	[sflag:s0] =	ssyncadd.s32 $0xFFFFC000  }
0x32: {  	[spmem:s26] =	stream.linear.scatter [tilespmem:s31], [sflag:$0x5], $0x4000, $0x38;
	[tilespmem:$0x1E800] =	vst v63  }
0x33: {  	_ =	swait.ge [sflag:s0], $0x4000  }
0x34: {  	[sflag:s0] =	ssyncset.done $0x0  }
0x35: {  	[sflag:s0] =	ssyncadd.s32 $0xFFFFC000  }
0x36: {  	[spmem:s28] =	stream.linear.scatter [tilespmem:s31], [sflag:$0x5], $0x4000, $0x38;
	[tilespmem:$0x1E800] =	vst v63  }
0x37: {  	_ =	swait.ge [sflag:s0], $0x4000  }
0x38: {  	[sflag:s0] =	ssyncset.done $0x0  }
0x39: {  	[sflag:s0] =	ssyncadd.s32 $0xFFFFC000  }
0x3a: {  	[bflag:$0x0] =	sbarrier.arrive $0xFFFF  }
0x3b: {  	s21 =	rddreg [dreg:$0x5]  }
0x3c: {  	[tilespmem:s3], [sflag:$0x5] =	stream.linear.gather [hbm4b:s21+s3], $0x1400, $0x38;
	[tilespmem:$0x1E800] =	vst v63  }
0x3d: {  	_ =	swait.ge [sflag:s0], $0x1400  }
0x3e: {  	[sflag:s0] =	ssyncset.done $0x0  }
0x3f: {  	[sflag:s0] =	ssyncadd.s32 $0xFFFFEC00  }
0x40: {  	[tilespmem:s2], [sflag:$0x5] =	stream.linear.gather [hbm4b:s11+s3], $0x1400, $0x38;
	[tilespmem:$0x1E800] =	vst v63  }
0x41: {  	_ =	swait.ge [sflag:s0], $0x1400  }
0x42: {  	[sflag:s0] =	ssyncset.done $0x0  }
0x43: {  	[sflag:s0] =	ssyncadd.s32 $0xFFFFEC00  }
0x44: {  	[tilespmem:s31], [sflag:$0x1] =	stream.indirect.gather [hbm4b:s4+s10], $0x80, s3, s10, $0xb8;
	[tilespmem:$0x1E800] =	vst v63  }
0x45: {  	_ = 	snop  }
0x46: {  	[tilespmem:s12], [sflag:$0x2] =	stream.indirect.gather [hbm4b:s4+s10], $0x80, s10, s10, $0xb8;
	[tilespmem:$0x1E800] =	vst v63  }
0x47: {  	_ =	swait.ge [sflag:s13], $0x4000  }
0x48: {  	[sflag:s13] =	ssyncset.done $0x0  }
0x49: {  	s24 =	simm.s32 $0x1400;
	[sflag:s13] =	ssyncadd.s32 $0xFFFFC000  }
0x4a: {  	[spmem:s1] =	stream.indirect.scatter.add.f32 [tilespmem:s31], [sflag:$0x3], $0x80, s24, s10, $0xb8;
	[tilespmem:$0x1E800] =	vst v63  }
0x4b: {  	_ =	swait.ge [sflag:s14], $0x4000  }
0x4c: {  	[sflag:s14] =	ssyncset.done $0x0  }
0x4d: {  	s25 =	simm.s32 $0x1480;
	[sflag:s14] =	ssyncadd.s32 $0xFFFFC000  }
0x4e: {  	[spmem:s1] =	stream.indirect.scatter.add.f32 [tilespmem:s12], [sflag:$0x4], $0x80, s25, s10, $0xb8;
	[tilespmem:$0x1E800] =	vst v63  }
0x4f: {  	_ =	swait.ge [sflag:s15], $0x4000  }
0x50: {  	[sflag:s15] =	ssyncset.done $0x0  }
0x51: {  	s29 =	simm.s32 $0x100;
	[sflag:s15] =	ssyncadd.s32 $0xFFFFC000  }
0x52: {  	[tilespmem:s31], [sflag:$0x1] =	stream.indirect.gather [hbm4b:s4+s10], $0x80, s29, s10, $0xb8;
	[tilespmem:$0x1E800] =	vst v63  }
0x53: {  	_ =	swait.ge [sflag:s16], $0x4000  }
0x54: {  	[sflag:s16] =	ssyncset.done $0x0  }
0x55: {  	s22 =	simm.s32 $0x180;
	s21 =	simm.s32 $0x400;
	[sflag:s16] =	ssyncadd.s32 $0xFFFFC000  }
.LBB2_2:
0x56: {  	[tilespmem:s12], [sflag:$0x2] =	stream.indirect.gather [hbm4b:s4+s10], $0x80, s22, s10, $0xb8;
	[tilespmem:$0x1E800] =	vst v63  }
0x57: {  	s22 =	smov.u32 s21  }
0x58: {  	p1 =	sne.s32 s21, $0x4800;
	s21 =	sadd.s32 $0x400, s21;
	_ =	swait.ge [sflag:s13], $0x4000  }
0x59: {  	s22 =	sshra.s32 s22, $0x2;
	[sflag:s13] =	ssyncset.done $0x0  }
0x5a: {  	s23 =	sadd.s32 $0x1400, s22;
	[sflag:s13] =	ssyncadd.s32 $0xFFFFC000  }
0x5b: {  	[spmem:s1] =	stream.indirect.scatter.add.f32 [tilespmem:s31], [sflag:$0x3], $0x80, s23, s10, $0xb8;
	[tilespmem:$0x1E800] =	vst v63  }
0x5c: {  	_ =	swait.ge [sflag:s14], $0x4000  }
0x5d: {  	[sflag:s14] =	ssyncset.done $0x0  }
0x5e: {  	s23 =	sadd.s32 $0x1480, s22;
	[sflag:s14] =	ssyncadd.s32 $0xFFFFC000  }
0x5f: {  	[spmem:s1] =	stream.indirect.scatter.add.f32 [tilespmem:s12], [sflag:$0x4], $0x80, s23, s10, $0xb8;
	[tilespmem:$0x1E800] =	vst v63  }
0x60: {  	_ =	swait.ge [sflag:s15], $0x4000  }
0x61: {  	[sflag:s15] =	ssyncset.done $0x0  }
.Ltmp0:
0x62: {  	s23 =	sadd.s32 $0x100, s22;
	[sflag:s15] =	ssyncadd.s32 $0xFFFFC000;
	(pc) =	sbr.rel @p1 .LBB2_2-.Ltmp0, $4  }
0x63: {  	[tilespmem:s31], [sflag:$0x1] =	stream.indirect.gather [hbm4b:s4+s10], $0x80, s23, s10, $0xb8;
	[tilespmem:$0x1E800] =	vst v63  }
0x64: {  	_ =	swait.ge [sflag:s16], $0x4000  }
0x65: {  	[sflag:s16] =	ssyncset.done $0x0  }
0x66: {  	s22 =	sadd.s32 $0x180, s22;
	[sflag:s16] =	ssyncadd.s32 $0xFFFFC000  }
0x67: {  	[tilespmem:s12], [sflag:$0x2] =	stream.indirect.gather [hbm4b:s4+s10], $0x80, s22, s10, $0xb8;
	[tilespmem:$0x1E800] =	vst v63  }
0x68: {  	_ =	swait.ge [sflag:s13], $0x4000  }
0x69: {  	[sflag:s13] =	ssyncset.done $0x0  }
0x6a: {  	[sflag:s13] =	ssyncadd.s32 $0xFFFFC000  }
0x6b: {  	[spmem:s1] =	stream.indirect.scatter.add.f32 [tilespmem:s31], [sflag:$0x3], $0x80, s17, s10, $0xb8;
	[tilespmem:$0x1E800] =	vst v63  }
0x6c: {  	_ =	swait.ge [sflag:s14], $0x4000  }
0x6d: {  	[sflag:s14] =	ssyncset.done $0x0  }
0x6e: {  	[sflag:s14] =	ssyncadd.s32 $0xFFFFC000  }
0x6f: {  	[spmem:s1] =	stream.indirect.scatter.add.f32 [tilespmem:s12], [sflag:$0x4], $0x80, s19, s10, $0xb8;
	[tilespmem:$0x1E800] =	vst v63  }
0x70: {  	_ =	swait.ge [sflag:s15], $0x4000  }
0x71: {  	[sflag:s15] =	ssyncset.done $0x0  }
0x72: {  	[sflag:s15] =	ssyncadd.s32 $0xFFFFC000  }
0x73: {  	_ =	swait.ge [sflag:s16], $0x4000  }
0x74: {  	[sflag:s16] =	ssyncset.done $0x0  }
0x75: {  	s21 =	simm.s32 $0x0;
	s29 =	rddreg [dreg:$0x6];
	[sflag:s16] =	ssyncadd.s32 $0xFFFFC000  }
0x76: {  	[tilespmem:s21], [sflag:$0x5] =	stream.linear.gather [hbm4b:s29+s21], $0x1400, $0x38;
	[tilespmem:$0x1E800] =	vst v63  }
0x77: {  	_ =	swait.ge [sflag:s0], $0x1400  }
0x78: {  	[sflag:s0] =	ssyncset.done $0x0  }
0x79: {  	s23 =	rddreg [dreg:$0x7];
	[sflag:s0] =	ssyncadd.s32 $0xFFFFEC00  }
0x7a: {  	[tilespmem:s2], [sflag:$0x5] =	stream.linear.gather [hbm4b:s23+s21], $0x1400, $0x38;
	[tilespmem:$0x1E800] =	vst v63  }
0x7b: {  	_ =	swait.ge [sflag:s0], $0x1400  }
0x7c: {  	[sflag:s0] =	ssyncset.done $0x0  }
0x7d: {  	[sflag:s0] =	ssyncadd.s32 $0xFFFFEC00  }
0x7e: {  	[tilespmem:s31], [sflag:$0x1] =	stream.indirect.gather [hbm4b:s4+s10], $0x80, s21, s10, $0xb8;
	[tilespmem:$0x1E800] =	vst v63  }
0x7f: {  	_ = 	snop  }
0x80: {  	[tilespmem:s12], [sflag:$0x2] =	stream.indirect.gather [hbm4b:s4+s10], $0x80, s10, s10, $0xb8;
	[tilespmem:$0x1E800] =	vst v63  }
0x81: {  	_ =	swait.ge [sflag:s13], $0x4000  }
0x82: {  	[sflag:s13] =	ssyncset.done $0x0  }
0x83: {  	s24 =	simm.s32 $0x1400;
	[sflag:s13] =	ssyncadd.s32 $0xFFFFC000  }
0x84: {  	[spmem:s1] =	stream.indirect.scatter.add.f32 [tilespmem:s31], [sflag:$0x3], $0x80, s24, s10, $0xb8;
	[tilespmem:$0x1E800] =	vst v63  }
0x85: {  	_ =	swait.ge [sflag:s14], $0x4000  }
0x86: {  	[sflag:s14] =	ssyncset.done $0x0  }
0x87: {  	s25 =	simm.s32 $0x1480;
	[sflag:s14] =	ssyncadd.s32 $0xFFFFC000  }
0x88: {  	[spmem:s1] =	stream.indirect.scatter.add.f32 [tilespmem:s12], [sflag:$0x4], $0x80, s25, s10, $0xb8;
	[tilespmem:$0x1E800] =	vst v63  }
0x89: {  	_ =	swait.ge [sflag:s15], $0x4000  }
0x8a: {  	[sflag:s15] =	ssyncset.done $0x0  }
0x8b: {  	s29 =	simm.s32 $0x100;
	[sflag:s15] =	ssyncadd.s32 $0xFFFFC000  }
0x8c: {  	[tilespmem:s31], [sflag:$0x1] =	stream.indirect.gather [hbm4b:s4+s10], $0x80, s29, s10, $0xb8;
	[tilespmem:$0x1E800] =	vst v63  }
0x8d: {  	_ =	swait.ge [sflag:s16], $0x4000  }
0x8e: {  	[sflag:s16] =	ssyncset.done $0x0  }
0x8f: {  	s22 =	simm.s32 $0x180;
	s21 =	simm.s32 $0x400;
	[sflag:s16] =	ssyncadd.s32 $0xFFFFC000  }
.LBB2_4:
0x90: {  	[tilespmem:s12], [sflag:$0x2] =	stream.indirect.gather [hbm4b:s4+s10], $0x80, s22, s10, $0xb8;
	[tilespmem:$0x1E800] =	vst v63  }
0x91: {  	s22 =	smov.u32 s21  }
0x92: {  	p1 =	sne.s32 s21, $0x4800;
	s21 =	sadd.s32 $0x400, s21;
	_ =	swait.ge [sflag:s13], $0x4000  }
0x93: {  	s22 =	sshra.s32 s22, $0x2;
	[sflag:s13] =	ssyncset.done $0x0  }
0x94: {  	s23 =	sadd.s32 $0x1400, s22;
	[sflag:s13] =	ssyncadd.s32 $0xFFFFC000  }
0x95: {  	[spmem:s1] =	stream.indirect.scatter.add.f32 [tilespmem:s31], [sflag:$0x3], $0x80, s23, s10, $0xb8;
	[tilespmem:$0x1E800] =	vst v63  }
0x96: {  	_ =	swait.ge [sflag:s14], $0x4000  }
0x97: {  	[sflag:s14] =	ssyncset.done $0x0  }
0x98: {  	s23 =	sadd.s32 $0x1480, s22;
	[sflag:s14] =	ssyncadd.s32 $0xFFFFC000  }
0x99: {  	[spmem:s1] =	stream.indirect.scatter.add.f32 [tilespmem:s12], [sflag:$0x4], $0x80, s23, s10, $0xb8;
	[tilespmem:$0x1E800] =	vst v63  }
0x9a: {  	_ =	swait.ge [sflag:s15], $0x4000  }
0x9b: {  	[sflag:s15] =	ssyncset.done $0x0  }
.Ltmp1:
0x9c: {  	s23 =	sadd.s32 $0x100, s22;
	[sflag:s15] =	ssyncadd.s32 $0xFFFFC000;
	(pc) =	sbr.rel @p1 .LBB2_4-.Ltmp1, $4  }
0x9d: {  	[tilespmem:s31], [sflag:$0x1] =	stream.indirect.gather [hbm4b:s4+s10], $0x80, s23, s10, $0xb8;
	[tilespmem:$0x1E800] =	vst v63  }
0x9e: {  	_ =	swait.ge [sflag:s16], $0x4000  }
0x9f: {  	[sflag:s16] =	ssyncset.done $0x0  }
0xa0: {  	s22 =	sadd.s32 $0x180, s22;
	[sflag:s16] =	ssyncadd.s32 $0xFFFFC000  }
0xa1: {  	[tilespmem:s12], [sflag:$0x2] =	stream.indirect.gather [hbm4b:s4+s10], $0x80, s22, s10, $0xb8;
	[tilespmem:$0x1E800] =	vst v63  }
0xa2: {  	_ =	swait.ge [sflag:s13], $0x4000  }
0xa3: {  	[sflag:s13] =	ssyncset.done $0x0  }
0xa4: {  	[sflag:s13] =	ssyncadd.s32 $0xFFFFC000  }
0xa5: {  	[spmem:s1] =	stream.indirect.scatter.add.f32 [tilespmem:s31], [sflag:$0x3], $0x80, s17, s10, $0xb8;
	[tilespmem:$0x1E800] =	vst v63  }
0xa6: {  	_ =	swait.ge [sflag:s14], $0x4000  }
0xa7: {  	[sflag:s14] =	ssyncset.done $0x0  }
0xa8: {  	[sflag:s14] =	ssyncadd.s32 $0xFFFFC000  }
0xa9: {  	[spmem:s1] =	stream.indirect.scatter.add.f32 [tilespmem:s12], [sflag:$0x4], $0x80, s19, s10, $0xb8;
	[tilespmem:$0x1E800] =	vst v63  }
0xaa: {  	_ =	swait.ge [sflag:s15], $0x4000  }
0xab: {  	[sflag:s15] =	ssyncset.done $0x0  }
0xac: {  	[sflag:s15] =	ssyncadd.s32 $0xFFFFC000  }
0xad: {  	_ =	swait.ge [sflag:s16], $0x4000  }
0xae: {  	[sflag:s16] =	ssyncset.done $0x0  }
0xaf: {  	s21 =	stileid.u32;
	[sflag:s16] =	ssyncadd.s32 $0xFFFFC000  }
0xb0: {  	s21 =	sshll.u32 s21, $0x6;
	[bflag:$0x0] =	sbarrier.arrive $0xFFFF  }
0xb1: {  	s22 =	sshrl.u32 s7, $0x3;
	s21 =	sor.u32 $0x1C05, s21;
	s23 =	rddreg [dreg:$0x8]  }
0xb2: {  	[hbm:s23], [sflag:s21] =	dma.local [spmem:s22], $0x2800  }
0xb3: {  	_ =	swait.ge [sflag:s0], $0x2800  }
0xb4: {  	[sflag:s0] =	ssyncset.done $0x0  }
0xb5: {  	[sflag:s0] =	ssyncadd.s32 $0xFFFFD800  }
0xb6: {  	s29 =	simm.s32 $0x0;
	[bflag:$0x0] =	sbarrier.arrive $0xFFFF  }
0xb7: {  	[tilespmem:s31], [sflag:$0x5] =	stream.linear.gather [hbm4b:s5+s29], $0x4000, $0x38;
	[tilespmem:$0x1E800] =	vst v63  }
0xb8: {  	_ =	swait.ge [sflag:s0], $0x4000  }
0xb9: {  	[sflag:s0] =	ssyncset.done $0x0  }
0xba: {  	[sflag:s0] =	ssyncadd.s32 $0xFFFFC000  }
0xbb: {  	[spmem:s7] =	stream.linear.scatter [tilespmem:s31], [sflag:$0x5], $0x4000, $0x38;
	[tilespmem:$0x1E800] =	vst v63  }
0xbc: {  	_ =	swait.ge [sflag:s0], $0x4000  }
0xbd: {  	[sflag:s0] =	ssyncset.done $0x0  }
0xbe: {  	[sflag:s0] =	ssyncadd.s32 $0xFFFFC000  }
0xbf: {  	[spmem:s8] =	stream.linear.scatter [tilespmem:s31], [sflag:$0x5], $0x4000, $0x38;
	[tilespmem:$0x1E800] =	vst v63  }
0xc0: {  	_ =	swait.ge [sflag:s0], $0x4000  }
0xc1: {  	[sflag:s0] =	ssyncset.done $0x0  }
0xc2: {  	[sflag:s0] =	ssyncadd.s32 $0xFFFFC000  }
0xc3: {  	[spmem:s9] =	stream.linear.scatter [tilespmem:s31], [sflag:$0x5], $0x4000, $0x38;
	[tilespmem:$0x1E800] =	vst v63  }
0xc4: {  	_ =	swait.ge [sflag:s0], $0x4000  }
0xc5: {  	[sflag:s0] =	ssyncset.done $0x0  }
0xc6: {  	[sflag:s0] =	ssyncadd.s32 $0xFFFFC000  }
0xc7: {  	[spmem:s26] =	stream.linear.scatter [tilespmem:s31], [sflag:$0x5], $0x4000, $0x38;
	[tilespmem:$0x1E800] =	vst v63  }
0xc8: {  	_ =	swait.ge [sflag:s0], $0x4000  }
0xc9: {  	[sflag:s0] =	ssyncset.done $0x0  }
0xca: {  	[sflag:s0] =	ssyncadd.s32 $0xFFFFC000  }
0xcb: {  	[spmem:s28] =	stream.linear.scatter [tilespmem:s31], [sflag:$0x5], $0x4000, $0x38;
	[tilespmem:$0x1E800] =	vst v63  }
0xcc: {  	_ =	swait.ge [sflag:s0], $0x4000  }
0xcd: {  	[sflag:s0] =	ssyncset.done $0x0  }
0xce: {  	s24 =	rddreg [dreg:$0x9];
	[sflag:s0] =	ssyncadd.s32 $0xFFFFC000  }
0xcf: {  	[tilespmem:s2], [sflag:$0x5] =	stream.linear.gather [hbm4b:s24+s29], $0x1400, $0x38;
	[tilespmem:$0x1E800] =	vst v63  }
0xd0: {  	_ =	swait.ge [sflag:s0], $0x1400  }
0xd1: {  	[sflag:s0] =	ssyncset.done $0x0  }
0xd2: {  	s25 =	rddreg [dreg:$0xa];
	[sflag:s0] =	ssyncadd.s32 $0xFFFFEC00  }
0xd3: {  	[tilespmem:s29], [sflag:$0x5] =	stream.linear.gather [hbm4b:s25+s29], $0x1400, $0x38;
	[tilespmem:$0x1E800] =	vst v63  }
0xd4: {  	_ =	swait.ge [sflag:s0], $0x1400  }
0xd5: {  	[sflag:s0] =	ssyncset.done $0x0  }
0xd6: {  	[sflag:s0] =	ssyncadd.s32 $0xFFFFEC00  }
0xd7: {  	[bflag:$0x0] =	sbarrier.arrive $0xFFFF  }
0xd8: {  	[tilespmem:s31], [sflag:$0x5] =	stream.linear.gather [hbm4b:s6+s29], $0x4000, $0x38;
	[tilespmem:$0x1E800] =	vst v63  }
0xd9: {  	_ =	swait.ge [sflag:s0], $0x4000  }
0xda: {  	s23 =	simm.s32 $0x200;
	[sflag:s0] =	ssyncset.done $0x0  }
0xdb: {  	s24 =	simm.s32 $0x0;
	s29 =	simm.s32 $0x1400;
	[sflag:s0] =	ssyncadd.s32 $0xFFFFC000  }
0xdc: {  	[spmem:s1] =	stream.indirect.scatter.add.f32 [tilespmem:s31], [sflag:$0x3], $0x80, s29, s10, $0xb8;
	[tilespmem:$0x1E800] =	vst v63  }
.LBB2_6:
0xdd: {  	[spmem:s1] =	stream.indirect.scatter.add.f32 [tilespmem:s31], [sflag:$0x3], $0x80, s24, s10, $0xb8;
	[tilespmem:$0x1E800] =	vst v63  }
0xde: {  	p1 =	sne.s32 s23, $0x4E00  }
.Ltmp2:
0xdf: {  	s24 =	smov.u32 s23;
	(pc) =	sbr.rel @p1 .LBB2_6-.Ltmp2, $4  }
0xe0: {  	s23 =	sadd.s32 $0x200, s23  }
0xe1: {  	s24 =	sshra.s32 s24, $0x2  }
0xe2: {  	s25 =	sadd.s32 $0x1400, s24  }
0xe3: {  	[spmem:s1] =	stream.indirect.scatter.add.f32 [tilespmem:s31], [sflag:$0x3], $0x80, s25, s10, $0xb8;
	[tilespmem:$0x1E800] =	vst v63  }
0xe4: {  	[spmem:s1] =	stream.indirect.scatter.add.f32 [tilespmem:s31], [sflag:$0x3], $0x80, s24, s10, $0xb8;
	[tilespmem:$0x1E800] =	vst v63  }
0xe5: {  	_ =	swait.ge [sflag:s15], $0x4000  }
0xe6: {  	[sflag:s15] =	ssyncset.done $0x0  }
0xe7: {  	[sflag:s15] =	ssyncadd.s32 $0xFFFFC000  }
0xe8: {  	_ =	swait.ge [sflag:s15], $0x4000  }
0xe9: {  	s23 =	simm.s32 $0x27;
	[sflag:s15] =	ssyncset.done $0x0  }
.LBB2_8:
0xea: {  	p1 =	sne.s32 s23, $0x1;
	s23 =	sadd.s32 $0xFFFFFFFF, s23;
	[sflag:s15] =	ssyncadd.s32 $0xFFFFC000  }
.Ltmp3:
0xeb: {  	_ =	swait.ge [sflag:s15], $0x4000;
	(pc) =	sbr.rel @p1 .LBB2_8-.Ltmp3, $4  }
0xec: {  	[sflag:s15] =	ssyncset.done $0x0  }
0xed: {  	[sflag:s15] =	ssyncadd.s32 $0xFFFFC000  }
0xee: {  	_ =	swait.ge [sflag:s15], $0x4000  }
0xef: {  	[sflag:s15] =	ssyncset.done $0x0  }
0xf0: {  	[sflag:s15] =	ssyncadd.s32 $0xFFFFC000  }
0xf1: {  	[bflag:$0x0] =	sbarrier.arrive $0xFFFF  }
0xf2: {  	s23 =	sshrl.u32 @!p0 s7, $0x3;
	s24 =	rddreg [dreg:$0xe]  }
0xf3: {  	[hbm:s24], [sflag:s21] =	dma.local @!p0 [spmem:s23], $0x2800  }
0xf4: {  	s24 =	simm.s32 @!p0 $0x5  }
0xf5: {  	_ =	swait.ge @!p0 [sflag:s24], $0x2800  }
0xf6: {  	[sflag:s24] =	ssyncset.done @!p0 $0x0  }
0xf7: {  	[sflag:s24] =	ssyncadd.s32 @!p0 $0xFFFFD800  }
0xf8: {  	s24 =	simm.s32 $0x0;
	[bflag:$0x0] =	sbarrier.arrive $0xFFFF  }
0xf9: {  	[tilespmem:s31], [sflag:$0x5] =	stream.linear.gather [hbm4b:s5+s24], $0x4000, $0x38;
	[tilespmem:$0x1E800] =	vst v63  }
0xfa: {  	_ =	swait.ge [sflag:s0], $0x4000  }
0xfb: {  	[sflag:s0] =	ssyncset.done $0x0  }
0xfc: {  	[sflag:s0] =	ssyncadd.s32 $0xFFFFC000  }
0xfd: {  	[spmem:s7] =	stream.linear.scatter [tilespmem:s31], [sflag:$0x5], $0x4000, $0x38;
	[tilespmem:$0x1E800] =	vst v63  }
0xfe: {  	_ =	swait.ge [sflag:s0], $0x4000  }
0xff: {  	[sflag:s0] =	ssyncset.done $0x0  }
0x100: {  	[sflag:s0] =	ssyncadd.s32 $0xFFFFC000  }
0x101: {  	[spmem:s8] =	stream.linear.scatter [tilespmem:s31], [sflag:$0x5], $0x4000, $0x38;
	[tilespmem:$0x1E800] =	vst v63  }
0x102: {  	_ =	swait.ge [sflag:s0], $0x4000  }
0x103: {  	[sflag:s0] =	ssyncset.done $0x0  }
0x104: {  	[sflag:s0] =	ssyncadd.s32 $0xFFFFC000  }
0x105: {  	[spmem:s9] =	stream.linear.scatter [tilespmem:s31], [sflag:$0x5], $0x4000, $0x38;
	[tilespmem:$0x1E800] =	vst v63  }
0x106: {  	_ =	swait.ge [sflag:s0], $0x4000  }
0x107: {  	[sflag:s0] =	ssyncset.done $0x0  }
0x108: {  	[sflag:s0] =	ssyncadd.s32 $0xFFFFC000  }
0x109: {  	[spmem:s26] =	stream.linear.scatter [tilespmem:s31], [sflag:$0x5], $0x4000, $0x38;
	[tilespmem:$0x1E800] =	vst v63  }
0x10a: {  	_ =	swait.ge [sflag:s0], $0x4000  }
0x10b: {  	[sflag:s0] =	ssyncset.done $0x0  }
0x10c: {  	[sflag:s0] =	ssyncadd.s32 $0xFFFFC000  }
0x10d: {  	[spmem:s28] =	stream.linear.scatter [tilespmem:s31], [sflag:$0x5], $0x4000, $0x38;
	[tilespmem:$0x1E800] =	vst v63  }
0x10e: {  	_ =	swait.ge [sflag:s0], $0x4000  }
0x10f: {  	[sflag:s0] =	ssyncset.done $0x0  }
0x110: {  	[sflag:s0] =	ssyncadd.s32 $0xFFFFC000  }
0x111: {  	[bflag:$0x0] =	sbarrier.arrive $0xFFFF  }
0x112: {  	s25 =	rddreg [dreg:$0xb]  }
0x113: {  	[tilespmem:s24], [sflag:$0x5] =	stream.linear.gather [hbm4b:s25+s24], $0x1400, $0x38;
	[tilespmem:$0x1E800] =	vst v63  }
0x114: {  	_ =	swait.ge [sflag:s0], $0x1400  }
0x115: {  	[sflag:s0] =	ssyncset.done $0x0  }
0x116: {  	s29 =	rddreg [dreg:$0x13];
	[sflag:s0] =	ssyncadd.s32 $0xFFFFEC00  }
0x117: {  	[tilespmem:s2], [sflag:$0x5] =	stream.linear.gather [hbm4b:s29+s24], $0x1400, $0x38;
	[tilespmem:$0x1E800] =	vst v63  }
0x118: {  	_ =	swait.ge [sflag:s0], $0x1400  }
0x119: {  	[sflag:s0] =	ssyncset.done $0x0  }
0x11a: {  	[sflag:s0] =	ssyncadd.s32 $0xFFFFEC00  }
0x11b: {  	[tilespmem:s31], [sflag:$0x1] =	stream.indirect.gather [hbm4b:s18+s10], $0x80, s24, s10, $0xb8;
	[tilespmem:$0x1E800] =	vst v63  }
0x11c: {  	_ = 	snop  }
0x11d: {  	[tilespmem:s12], [sflag:$0x2] =	stream.indirect.gather [hbm4b:s18+s10], $0x80, s10, s10, $0xb8;
	[tilespmem:$0x1E800] =	vst v63  }
0x11e: {  	_ =	swait.ge [sflag:s13], $0x4000  }
0x11f: {  	[sflag:s13] =	ssyncset.done $0x0  }
0x120: {  	s29 =	simm.s32 $0x1400;
	[sflag:s13] =	ssyncadd.s32 $0xFFFFC000  }
0x121: {  	[spmem:s1] =	stream.indirect.scatter.add.f32 [tilespmem:s31], [sflag:$0x3], $0x80, s29, s10, $0xb8;
	[tilespmem:$0x1E800] =	vst v63  }
0x122: {  	_ =	swait.ge [sflag:s14], $0x4000  }
0x123: {  	[sflag:s14] =	ssyncset.done $0x0  }
0x124: {  	s25 =	simm.s32 $0x1480;
	[sflag:s14] =	ssyncadd.s32 $0xFFFFC000  }
0x125: {  	[spmem:s1] =	stream.indirect.scatter.add.f32 [tilespmem:s12], [sflag:$0x4], $0x80, s25, s10, $0xb8;
	[tilespmem:$0x1E800] =	vst v63  }
0x126: {  	_ =	swait.ge [sflag:s15], $0x4000  }
0x127: {  	[sflag:s15] =	ssyncset.done $0x0  }
0x128: {  	s29 =	simm.s32 $0x100;
	[sflag:s15] =	ssyncadd.s32 $0xFFFFC000  }
0x129: {  	[tilespmem:s31], [sflag:$0x1] =	stream.indirect.gather [hbm4b:s18+s10], $0x80, s29, s10, $0xb8;
	[tilespmem:$0x1E800] =	vst v63  }
0x12a: {  	_ =	swait.ge [sflag:s16], $0x4000  }
0x12b: {  	[sflag:s16] =	ssyncset.done $0x0  }
0x12c: {  	s24 =	simm.s32 $0x400;
	s25 =	simm.s32 $0x180;
	[sflag:s16] =	ssyncadd.s32 $0xFFFFC000  }
.LBB2_10:
0x12d: {  	[tilespmem:s12], [sflag:$0x2] =	stream.indirect.gather [hbm4b:s18+s10], $0x80, s25, s10, $0xb8;
	[tilespmem:$0x1E800] =	vst v63  }
0x12e: {  	s25 =	smov.u32 s24  }
0x12f: {  	p1 =	sne.s32 s24, $0x4800;
	s24 =	sadd.s32 $0x400, s24;
	_ =	swait.ge [sflag:s13], $0x4000  }
0x130: {  	s25 =	sshra.s32 s25, $0x2;
	[sflag:s13] =	ssyncset.done $0x0  }
0x131: {  	s29 =	sadd.s32 $0x1400, s25;
	[sflag:s13] =	ssyncadd.s32 $0xFFFFC000  }
0x132: {  	[spmem:s1] =	stream.indirect.scatter.add.f32 [tilespmem:s31], [sflag:$0x3], $0x80, s29, s10, $0xb8;
	[tilespmem:$0x1E800] =	vst v63  }
0x133: {  	_ =	swait.ge [sflag:s14], $0x4000  }
0x134: {  	[sflag:s14] =	ssyncset.done $0x0  }
0x135: {  	s29 =	sadd.s32 $0x1480, s25;
	[sflag:s14] =	ssyncadd.s32 $0xFFFFC000  }
0x136: {  	[spmem:s1] =	stream.indirect.scatter.add.f32 [tilespmem:s12], [sflag:$0x4], $0x80, s29, s10, $0xb8;
	[tilespmem:$0x1E800] =	vst v63  }
0x137: {  	_ =	swait.ge [sflag:s15], $0x4000  }
0x138: {  	[sflag:s15] =	ssyncset.done $0x0  }
.Ltmp4:
0x139: {  	s29 =	sadd.s32 $0x100, s25;
	[sflag:s15] =	ssyncadd.s32 $0xFFFFC000;
	(pc) =	sbr.rel @p1 .LBB2_10-.Ltmp4, $4  }
0x13a: {  	[tilespmem:s31], [sflag:$0x1] =	stream.indirect.gather [hbm4b:s18+s10], $0x80, s29, s10, $0xb8;
	[tilespmem:$0x1E800] =	vst v63  }
0x13b: {  	_ =	swait.ge [sflag:s16], $0x4000  }
0x13c: {  	[sflag:s16] =	ssyncset.done $0x0  }
0x13d: {  	s25 =	sadd.s32 $0x180, s25;
	[sflag:s16] =	ssyncadd.s32 $0xFFFFC000  }
0x13e: {  	[tilespmem:s12], [sflag:$0x2] =	stream.indirect.gather [hbm4b:s18+s10], $0x80, s25, s10, $0xb8;
	[tilespmem:$0x1E800] =	vst v63  }
0x13f: {  	_ =	swait.ge [sflag:s13], $0x4000  }
0x140: {  	[sflag:s13] =	ssyncset.done $0x0  }
0x141: {  	[sflag:s13] =	ssyncadd.s32 $0xFFFFC000  }
0x142: {  	[spmem:s1] =	stream.indirect.scatter.add.f32 [tilespmem:s31], [sflag:$0x3], $0x80, s17, s10, $0xb8;
	[tilespmem:$0x1E800] =	vst v63  }
0x143: {  	_ =	swait.ge [sflag:s14], $0x4000  }
0x144: {  	[sflag:s14] =	ssyncset.done $0x0  }
0x145: {  	[sflag:s14] =	ssyncadd.s32 $0xFFFFC000  }
0x146: {  	[spmem:s1] =	stream.indirect.scatter.add.f32 [tilespmem:s12], [sflag:$0x4], $0x80, s19, s10, $0xb8;
	[tilespmem:$0x1E800] =	vst v63  }
0x147: {  	_ =	swait.ge [sflag:s15], $0x4000  }
0x148: {  	[sflag:s15] =	ssyncset.done $0x0  }
0x149: {  	[sflag:s15] =	ssyncadd.s32 $0xFFFFC000  }
0x14a: {  	_ =	swait.ge [sflag:s16], $0x4000  }
0x14b: {  	[sflag:s16] =	ssyncset.done $0x0  }
0x14c: {  	s24 =	simm.s32 $0x0;
	s29 =	rddreg [dreg:$0xc];
	[sflag:s16] =	ssyncadd.s32 $0xFFFFC000  }
0x14d: {  	[tilespmem:s24], [sflag:$0x5] =	stream.linear.gather [hbm4b:s29+s24], $0x1400, $0x38;
	[tilespmem:$0x1E800] =	vst v63  }
0x14e: {  	_ =	swait.ge [sflag:s0], $0x1400  }
0x14f: {  	[sflag:s0] =	ssyncset.done $0x0  }
0x150: {  	[sflag:s0] =	ssyncadd.s32 $0xFFFFEC00  }
0x151: {  	[tilespmem:s2], [sflag:$0x5] =	stream.linear.gather [hbm4b:s30+s24], $0x1400, $0x38;
	[tilespmem:$0x1E800] =	vst v63  }
0x152: {  	_ =	swait.ge [sflag:s0], $0x1400  }
0x153: {  	[sflag:s0] =	ssyncset.done $0x0  }
0x154: {  	[sflag:s0] =	ssyncadd.s32 $0xFFFFEC00  }
0x155: {  	[tilespmem:s31], [sflag:$0x1] =	stream.indirect.gather [hbm4b:s18+s10], $0x80, s24, s10, $0xb8;
	[tilespmem:$0x1E800] =	vst v63  }
0x156: {  	_ = 	snop  }
0x157: {  	[tilespmem:s12], [sflag:$0x2] =	stream.indirect.gather [hbm4b:s18+s10], $0x80, s10, s10, $0xb8;
	[tilespmem:$0x1E800] =	vst v63  }
0x158: {  	_ =	swait.ge [sflag:s13], $0x4000  }
0x159: {  	[sflag:s13] =	ssyncset.done $0x0  }
0x15a: {  	s29 =	simm.s32 $0x1400;
	[sflag:s13] =	ssyncadd.s32 $0xFFFFC000  }
0x15b: {  	[spmem:s1] =	stream.indirect.scatter.add.f32 [tilespmem:s31], [sflag:$0x3], $0x80, s29, s10, $0xb8;
	[tilespmem:$0x1E800] =	vst v63  }
0x15c: {  	_ =	swait.ge [sflag:s14], $0x4000  }
0x15d: {  	[sflag:s14] =	ssyncset.done $0x0  }
0x15e: {  	s25 =	simm.s32 $0x1480;
	[sflag:s14] =	ssyncadd.s32 $0xFFFFC000  }
0x15f: {  	[spmem:s1] =	stream.indirect.scatter.add.f32 [tilespmem:s12], [sflag:$0x4], $0x80, s25, s10, $0xb8;
	[tilespmem:$0x1E800] =	vst v63  }
0x160: {  	_ =	swait.ge [sflag:s15], $0x4000  }
0x161: {  	[sflag:s15] =	ssyncset.done $0x0  }
0x162: {  	s29 =	simm.s32 $0x100;
	[sflag:s15] =	ssyncadd.s32 $0xFFFFC000  }
0x163: {  	[tilespmem:s31], [sflag:$0x1] =	stream.indirect.gather [hbm4b:s18+s10], $0x80, s29, s10, $0xb8;
	[tilespmem:$0x1E800] =	vst v63  }
0x164: {  	_ =	swait.ge [sflag:s16], $0x4000  }
0x165: {  	[sflag:s16] =	ssyncset.done $0x0  }
0x166: {  	s24 =	simm.s32 $0x400;
	s25 =	simm.s32 $0x180;
	[sflag:s16] =	ssyncadd.s32 $0xFFFFC000  }
.LBB2_12:
0x167: {  	[tilespmem:s12], [sflag:$0x2] =	stream.indirect.gather [hbm4b:s18+s10], $0x80, s25, s10, $0xb8;
	[tilespmem:$0x1E800] =	vst v63  }
0x168: {  	s25 =	smov.u32 s24  }
0x169: {  	p1 =	sne.s32 s24, $0x4800;
	s24 =	sadd.s32 $0x400, s24;
	_ =	swait.ge [sflag:s13], $0x4000  }
0x16a: {  	s25 =	sshra.s32 s25, $0x2;
	[sflag:s13] =	ssyncset.done $0x0  }
0x16b: {  	s29 =	sadd.s32 $0x1400, s25;
	[sflag:s13] =	ssyncadd.s32 $0xFFFFC000  }
0x16c: {  	[spmem:s1] =	stream.indirect.scatter.add.f32 [tilespmem:s31], [sflag:$0x3], $0x80, s29, s10, $0xb8;
	[tilespmem:$0x1E800] =	vst v63  }
0x16d: {  	_ =	swait.ge [sflag:s14], $0x4000  }
0x16e: {  	[sflag:s14] =	ssyncset.done $0x0  }
0x16f: {  	s29 =	sadd.s32 $0x1480, s25;
	[sflag:s14] =	ssyncadd.s32 $0xFFFFC000  }
0x170: {  	[spmem:s1] =	stream.indirect.scatter.add.f32 [tilespmem:s12], [sflag:$0x4], $0x80, s29, s10, $0xb8;
	[tilespmem:$0x1E800] =	vst v63  }
0x171: {  	_ =	swait.ge [sflag:s15], $0x4000  }
0x172: {  	[sflag:s15] =	ssyncset.done $0x0  }
.Ltmp5:
0x173: {  	s29 =	sadd.s32 $0x100, s25;
	[sflag:s15] =	ssyncadd.s32 $0xFFFFC000;
	(pc) =	sbr.rel @p1 .LBB2_12-.Ltmp5, $4  }
0x174: {  	[tilespmem:s31], [sflag:$0x1] =	stream.indirect.gather [hbm4b:s18+s10], $0x80, s29, s10, $0xb8;
	[tilespmem:$0x1E800] =	vst v63  }
0x175: {  	_ =	swait.ge [sflag:s16], $0x4000  }
0x176: {  	[sflag:s16] =	ssyncset.done $0x0  }
0x177: {  	s25 =	sadd.s32 $0x180, s25;
	[sflag:s16] =	ssyncadd.s32 $0xFFFFC000  }
0x178: {  	[tilespmem:s12], [sflag:$0x2] =	stream.indirect.gather [hbm4b:s18+s10], $0x80, s25, s10, $0xb8;
	[tilespmem:$0x1E800] =	vst v63  }
0x179: {  	_ =	swait.ge [sflag:s13], $0x4000  }
0x17a: {  	[sflag:s13] =	ssyncset.done $0x0  }
0x17b: {  	[sflag:s13] =	ssyncadd.s32 $0xFFFFC000  }
0x17c: {  	[spmem:s1] =	stream.indirect.scatter.add.f32 [tilespmem:s31], [sflag:$0x3], $0x80, s17, s10, $0xb8;
	[tilespmem:$0x1E800] =	vst v63  }
0x17d: {  	_ =	swait.ge [sflag:s14], $0x4000  }
0x17e: {  	[sflag:s14] =	ssyncset.done $0x0  }
0x17f: {  	[sflag:s14] =	ssyncadd.s32 $0xFFFFC000  }
0x180: {  	[spmem:s1] =	stream.indirect.scatter.add.f32 [tilespmem:s12], [sflag:$0x4], $0x80, s19, s10, $0xb8;
	[tilespmem:$0x1E800] =	vst v63  }
0x181: {  	_ =	swait.ge [sflag:s15], $0x4000  }
0x182: {  	[sflag:s15] =	ssyncset.done $0x0  }
0x183: {  	[sflag:s15] =	ssyncadd.s32 $0xFFFFC000  }
0x184: {  	_ =	swait.ge [sflag:s16], $0x4000  }
0x185: {  	[sflag:s16] =	ssyncset.done $0x0  }
0x186: {  	[sflag:s16] =	ssyncadd.s32 $0xFFFFC000  }
0x187: {  	[bflag:$0x0] =	sbarrier.arrive $0xFFFF  }
0x188: {  	s24 =	rddreg [dreg:$0x10]  }
0x189: {  	[hbm:s24], [sflag:s21] =	dma.local [spmem:s22], $0x2800  }
0x18a: {  	_ =	swait.ge [sflag:s0], $0x2800  }
0x18b: {  	[sflag:s0] =	ssyncset.done $0x0  }
0x18c: {  	[sflag:s0] =	ssyncadd.s32 $0xFFFFD800  }
0x18d: {  	s22 =	simm.s32 $0x0;
	[bflag:$0x0] =	sbarrier.arrive $0xFFFF  }
0x18e: {  	[tilespmem:s31], [sflag:$0x5] =	stream.linear.gather [hbm4b:s5+s22], $0x4000, $0x38;
	[tilespmem:$0x1E800] =	vst v63  }
0x18f: {  	_ =	swait.ge [sflag:s0], $0x4000  }
0x190: {  	[sflag:s0] =	ssyncset.done $0x0  }
0x191: {  	[sflag:s0] =	ssyncadd.s32 $0xFFFFC000  }
0x192: {  	[spmem:s7] =	stream.linear.scatter [tilespmem:s31], [sflag:$0x5], $0x4000, $0x38;
	[tilespmem:$0x1E800] =	vst v63  }
0x193: {  	_ =	swait.ge [sflag:s0], $0x4000  }
0x194: {  	[sflag:s0] =	ssyncset.done $0x0  }
0x195: {  	[sflag:s0] =	ssyncadd.s32 $0xFFFFC000  }
0x196: {  	[spmem:s8] =	stream.linear.scatter [tilespmem:s31], [sflag:$0x5], $0x4000, $0x38;
	[tilespmem:$0x1E800] =	vst v63  }
0x197: {  	_ =	swait.ge [sflag:s0], $0x4000  }
0x198: {  	[sflag:s0] =	ssyncset.done $0x0  }
0x199: {  	[sflag:s0] =	ssyncadd.s32 $0xFFFFC000  }
0x19a: {  	[spmem:s9] =	stream.linear.scatter [tilespmem:s31], [sflag:$0x5], $0x4000, $0x38;
	[tilespmem:$0x1E800] =	vst v63  }
0x19b: {  	_ =	swait.ge [sflag:s0], $0x4000  }
0x19c: {  	[sflag:s0] =	ssyncset.done $0x0  }
0x19d: {  	[sflag:s0] =	ssyncadd.s32 $0xFFFFC000  }
0x19e: {  	[spmem:s26] =	stream.linear.scatter [tilespmem:s31], [sflag:$0x5], $0x4000, $0x38;
	[tilespmem:$0x1E800] =	vst v63  }
0x19f: {  	_ =	swait.ge [sflag:s0], $0x4000  }
0x1a0: {  	[sflag:s0] =	ssyncset.done $0x0  }
0x1a1: {  	[sflag:s0] =	ssyncadd.s32 $0xFFFFC000  }
0x1a2: {  	[spmem:s28] =	stream.linear.scatter [tilespmem:s31], [sflag:$0x5], $0x4000, $0x38;
	[tilespmem:$0x1E800] =	vst v63  }
0x1a3: {  	_ =	swait.ge [sflag:s0], $0x4000  }
0x1a4: {  	[sflag:s0] =	ssyncset.done $0x0  }
0x1a5: {  	s29 =	rddreg [dreg:$0xd];
	[sflag:s0] =	ssyncadd.s32 $0xFFFFC000  }
0x1a6: {  	[tilespmem:s2], [sflag:$0x5] =	stream.linear.gather [hbm4b:s29+s22], $0x1400, $0x38;
	[tilespmem:$0x1E800] =	vst v63  }
0x1a7: {  	_ =	swait.ge [sflag:s0], $0x1400  }
0x1a8: {  	[sflag:s0] =	ssyncset.done $0x0  }
0x1a9: {  	s25 =	rddreg [dreg:$0xf];
	[sflag:s0] =	ssyncadd.s32 $0xFFFFEC00  }
0x1aa: {  	[tilespmem:s22], [sflag:$0x5] =	stream.linear.gather [hbm4b:s25+s22], $0x1400, $0x38;
	[tilespmem:$0x1E800] =	vst v63  }
0x1ab: {  	_ =	swait.ge [sflag:s0], $0x1400  }
0x1ac: {  	[sflag:s0] =	ssyncset.done $0x0  }
0x1ad: {  	[sflag:s0] =	ssyncadd.s32 $0xFFFFEC00  }
0x1ae: {  	[bflag:$0x0] =	sbarrier.arrive $0xFFFF  }
0x1af: {  	[tilespmem:s31], [sflag:$0x5] =	stream.linear.gather [hbm4b:s6+s22], $0x4000, $0x38;
	[tilespmem:$0x1E800] =	vst v63  }
0x1b0: {  	_ =	swait.ge [sflag:s0], $0x4000  }
0x1b1: {  	s24 =	simm.s32 $0x0;
	[sflag:s0] =	ssyncset.done $0x0  }
0x1b2: {  	s29 =	simm.s32 $0x1400;
	s22 =	simm.s32 $0x200;
	[sflag:s0] =	ssyncadd.s32 $0xFFFFC000  }
0x1b3: {  	[spmem:s1] =	stream.indirect.scatter.add.f32 [tilespmem:s31], [sflag:$0x3], $0x80, s29, s10, $0xb8;
	[tilespmem:$0x1E800] =	vst v63  }
.LBB2_14:
0x1b4: {  	[spmem:s1] =	stream.indirect.scatter.add.f32 [tilespmem:s31], [sflag:$0x3], $0x80, s24, s10, $0xb8;
	[tilespmem:$0x1E800] =	vst v63  }
0x1b5: {  	p1 =	sne.s32 s22, $0x4E00  }
.Ltmp6:
0x1b6: {  	s24 =	smov.u32 s22;
	(pc) =	sbr.rel @p1 .LBB2_14-.Ltmp6, $4  }
0x1b7: {  	s22 =	sadd.s32 $0x200, s22  }
0x1b8: {  	s24 =	sshra.s32 s24, $0x2  }
0x1b9: {  	s25 =	sadd.s32 $0x1400, s24  }
0x1ba: {  	[spmem:s1] =	stream.indirect.scatter.add.f32 [tilespmem:s31], [sflag:$0x3], $0x80, s25, s10, $0xb8;
	[tilespmem:$0x1E800] =	vst v63  }
0x1bb: {  	[spmem:s1] =	stream.indirect.scatter.add.f32 [tilespmem:s31], [sflag:$0x3], $0x80, s24, s10, $0xb8;
	[tilespmem:$0x1E800] =	vst v63  }
0x1bc: {  	_ =	swait.ge [sflag:s15], $0x4000  }
0x1bd: {  	[sflag:s15] =	ssyncset.done $0x0  }
0x1be: {  	[sflag:s15] =	ssyncadd.s32 $0xFFFFC000  }
0x1bf: {  	_ =	swait.ge [sflag:s15], $0x4000  }
0x1c0: {  	s22 =	simm.s32 $0x27;
	[sflag:s15] =	ssyncset.done $0x0  }
.LBB2_16:
0x1c1: {  	p1 =	sne.s32 s22, $0x1;
	s22 =	sadd.s32 $0xFFFFFFFF, s22;
	[sflag:s15] =	ssyncadd.s32 $0xFFFFC000  }
.Ltmp7:
0x1c2: {  	_ =	swait.ge [sflag:s15], $0x4000;
	(pc) =	sbr.rel @p1 .LBB2_16-.Ltmp7, $4  }
0x1c3: {  	[sflag:s15] =	ssyncset.done $0x0  }
0x1c4: {  	[sflag:s15] =	ssyncadd.s32 $0xFFFFC000  }
0x1c5: {  	_ =	swait.ge [sflag:s15], $0x4000  }
0x1c6: {  	[sflag:s15] =	ssyncset.done $0x0  }
0x1c7: {  	[sflag:s15] =	ssyncadd.s32 $0xFFFFC000  }
0x1c8: {  	[bflag:$0x0] =	sbarrier.arrive $0xFFFF  }
0x1c9: {  	s22 =	rddreg [dreg:$0x11]  }
0x1ca: {  	[hbm:s22], [sflag:s21] =	dma.local @!p0 [spmem:s23], $0x2800  }
0x1cb: {  	s21 =	simm.s32 @!p0 $0x5  }
0x1cc: {  	_ =	swait.ge @!p0 [sflag:s21], $0x2800  }
0x1cd: {  	s20 =	sadd.s32 $0x1, s20;
	s29 =	rddreg [dreg:$0x12]  }
0x1ce: {  	p1 =	sne.s32 s20, s29  }
.Ltmp8:
0x1cf: {  	_ = 	snop;
	(pc) =	sbr.rel @p1 .LBB2_1-.Ltmp8, $3  }
0x1d0: {  	[sflag:s21] =	ssyncset.done @!p0 $0x0  }
0x1d1: {  	[sflag:s21] =	ssyncadd.s32 @!p0 $0xFFFFD800  }
0x1d2: {  	[bflag:$0x0] =	sbarrier.arrive $0xFFFF;
	_ =	sdelay $0x1  }
0x1d3: {  	_ =	sfence.sel $0x180000  }
0x1d4: {  	[bflag:$0x0] =	sbarrier.arrive $0xFFFF  }
0x1d5: {  	_ =	strace $0x90000047  }
0x1d6: {  	s0 =	stileid.u32;
	[bflag:$0x2] =	sbarrier.arrive $0xFFFF  }
0x1d7: {  	p0 =	sne.s32 s0, $0x0;
	s0 =	rddreg [dreg:$0x4]  }
0x1d8: {  	s0 =	sadd.s32 @!p0 $0x100000, s0  }
0x1d9: {  	[sflag:s0] =	ssyncadd.tile.s32 @!p0 $0x1;
	_ =	shalt  }
.Lfunc_end2:
_tile_overlayer_lowered:
.L_overlay_start_2:
0x1da: {  	(tag) =	ssettag $0x2  }
0x1db: {  	s0 =	rddreg [dreg:$0x0];
	s2 =	stileid.u32  }
0x1dc: {  	s1 =	rddreg [dreg:$0x1];
	p0 =	sne.s32 s2, $0x0  }
0x1dd: {  	s3 =	rddreg [dreg:$0x2];
	[bflag:$0x3] =	sbarrier.arrive $0xFFFF;
	s2 =	simm.s32 @!p0 $0x1C05  }
0x1de: {  	[timem:s3], [sflag:s2] =	dma.local @!p0 [hbm:s0], s1  }
0x1df: {  	s0 =	simm.s32 @!p0 $0x5  }
0x1e0: {  	_ =	swait.ge @!p0 [sflag:s0], s1  }
0x1e1: {  	s1 =	ssub.s32 @!p0 $0x0, s1;
	[sflag:s0] =	ssyncset.done @!p0 $0x0  }
0x1e2: {  	[sflag:s0] =	ssyncadd.s32 @!p0 s1  }
0x1e3: {  	[bflag:$0x3] =	sbarrier.arrive $0xFFFF  }
0x1e4: {  	_ =	shalt  }

</sc_bundles>
